<compile_context>
chip_gen: v7x
topology: tpu7x:2x2x1
jax: 0.10.2.dev20260603
libtpu: 0.0.44.dev20260713+nightly
codegen_flags: <defaults>
</compile_context>

<pallas_src>
import functools

import jax
import jax.numpy as jnp
import numpy as np
from jax import lax
from jax.experimental import pallas as pl
from jax.experimental.pallas import tpu as pltpu
from jax.experimental.pallas import tpu_sc as plsc

H = 16
S = 2048
HID = 1024
QL = 512
KVL = 256
NOPE = 128
ROPE = 64
D = NOPE + ROPE
VD = 128
E = 8
TOPK = 2
MI = 512

BS1 = 256
BQ = 512
BK = 512
GH = 8
BS3 = 256
BLK = 256
NP = TOPK * S + E * BLK
BS5 = 256

BF = jnp.bfloat16
F32 = jnp.float32



def _rms_in(x, w, eps=1e-6):
    return x * jax.lax.rsqrt(jnp.mean(x * x, axis=-1, keepdims=True) + eps) * w


def _dot_t(a, b):
    return jax.lax.dot_general(a, b, (((1,), (1,)), ((), ())),
                               preferred_element_type=F32)


def _k1_body(x_ref, ln1_ref, wqa_ref, qaln_ref, wkva_ref, kvaln_ref,
             qa_ref, kva_ref):
    x = x_ref[...]
    h = _rms_in(x, ln1_ref[...]).astype(BF)
    qa = _dot_t(h, wqa_ref[...].astype(BF))
    kva = _dot_t(h, wkva_ref[...].astype(BF))
    qa_ref[...] = _rms_in(qa, qaln_ref[...]).astype(BF)
    kva_ref[...] = _rms_in(kva, kvaln_ref[...]).astype(BF)


def _k1(x, ln1_w, Wq_a, q_a_ln, Wkv_a, kv_a_ln):
    nblk = S // BS1
    return pl.pallas_call(
        _k1_body,
        grid=(nblk,),
        in_specs=[
            pl.BlockSpec((BS1, HID), lambda i: (i, 0)),
            pl.BlockSpec((1, HID), lambda i: (0, 0)),
            pl.BlockSpec((QL, HID), lambda i: (0, 0)),
            pl.BlockSpec((1, QL), lambda i: (0, 0)),
            pl.BlockSpec((KVL, HID), lambda i: (0, 0)),
            pl.BlockSpec((1, KVL), lambda i: (0, 0)),
        ],
        out_specs=[
            pl.BlockSpec((BS1, QL), lambda i: (i, 0)),
            pl.BlockSpec((BS1, KVL), lambda i: (i, 0)),
        ],
        out_shape=[
            jax.ShapeDtypeStruct((S, QL), BF),
            jax.ShapeDtypeStruct((S, KVL), BF),
        ],
    )(x, ln1_w.reshape(1, HID), Wq_a, q_a_ln.reshape(1, QL),
      Wkv_a, kv_a_ln.reshape(1, KVL))


def _k2_body(qa_ref, kva_ref, wqb_ref, wkvb_ref, cos_ref, sin_ref,
             rot_ref, ctx_ref, k_sc, v_sc):
    i = pl.program_id(1)

    @pl.when(i == 0)
    def _build_kv():
        kva = kva_ref[...]
        for a in range(GH):
            kf = _dot_t(kva, wkvb_ref[a, :D, :].astype(BF))
            v = _dot_t(kva, wkvb_ref[a, D:, :].astype(BF))
            k_pe = kf[:, NOPE:]
            k_rot = jax.lax.dot_general(k_pe.astype(BF), rot_ref[...],
                                        (((1,), (0,)), ((), ())),
                                        preferred_element_type=F32)
            k_pe = k_pe * cos_ref[...] + k_rot * sin_ref[...]
            k_sc[a] = jnp.concatenate([kf[:, :NOPE], k_pe],
                                      axis=1).astype(BF)
            v_sc[a] = v.astype(BF)

    qa = qa_ref[...]
    cos_b = cos_ref[pl.ds(i * BQ, BQ), :]
    sin_b = sin_ref[pl.ds(i * BQ, BQ), :]
    scale = 1.0 / np.sqrt(D)
    qs = []
    for a in range(GH):
        qf = _dot_t(qa, wqb_ref[a].astype(BF))
        q_pe = qf[:, NOPE:]
        q_rot = jax.lax.dot_general(q_pe.astype(BF), rot_ref[...],
                                    (((1,), (0,)), ((), ())),
                                    preferred_element_type=F32)
        q_pe = q_pe * cos_b + q_rot * sin_b
        qs.append(jnp.concatenate([qf[:, :NOPE], q_pe], axis=1).astype(BF))

    def chunk_update(a, q, off, l, acc, masked):
        k_c = k_sc[a, pl.ds(off, BK), :]
        v_c = v_sc[a, pl.ds(off, BK), :]
        s = _dot_t(q, k_c) * scale
        if masked:
            row = jax.lax.broadcasted_iota(jnp.int32, (BQ, BK), 0)
            col = jax.lax.broadcasted_iota(jnp.int32, (BQ, BK), 1)
            s = jnp.where(row >= col, s, -1e9)
        p = jnp.exp(s)
        acc = acc + jax.lax.dot_general(p.astype(BF), v_c,
                                        (((1,), (0,)), ((), ())),
                                        preferred_element_type=F32)
        l = l + jnp.sum(p, axis=1, keepdims=True)
        return l, acc

    def chunk(j, carry):
        off = pl.multiple_of(j * BK, BK)
        return tuple(chunk_update(a, qs[a], off, carry[a][0], carry[a][1],
                                  False) for a in range(GH))

    z1 = jnp.zeros((BQ, 1), F32)
    za = jnp.zeros((BQ, VD), F32)
    carry = jax.lax.fori_loop(0, i, chunk, tuple((z1, za)
                                                 for _ in range(GH)))
    off = pl.multiple_of(i * BK, BK)
    outs = []
    for a in range(GH):
        l, acc = chunk_update(a, qs[a], off, carry[a][0], carry[a][1], True)
        outs.append((acc / l).astype(BF))
    ctx_ref[...] = jnp.concatenate(outs, axis=1)


def _k2(qa, kva, Wq_b_r, Wkv_b_r, cos, sin, rot_bf):
    nq = S // BQ
    return pl.pallas_call(
        _k2_body,
        grid=(H // GH, nq),
        in_specs=[
            pl.BlockSpec((BQ, QL), lambda h, i: (i, 0)),
            pl.BlockSpec((S, KVL), lambda h, i: (0, 0)),
            pl.BlockSpec((GH, D, QL), lambda h, i: (h, 0, 0)),
            pl.BlockSpec((GH, D + VD, KVL), lambda h, i: (h, 0, 0)),
            pl.BlockSpec((S, ROPE), lambda h, i: (0, 0)),
            pl.BlockSpec((S, ROPE), lambda h, i: (0, 0)),
            pl.BlockSpec((ROPE, ROPE), lambda h, i: (0, 0)),
        ],
        out_specs=pl.BlockSpec((BQ, GH * VD), lambda h, i: (i, h)),
        out_shape=jax.ShapeDtypeStruct((S, H * VD), BF),
        scratch_shapes=[
            pltpu.VMEM((GH, S, D), BF),
            pltpu.VMEM((GH, S, VD), BF),
        ],
    )(qa, kva, Wq_b_r, Wkv_b_r, cos, sin, rot_bf)


def _k3_body(x_ref, ctx_ref, wo_ref, ln2_ref, wr_ref, bias_ref, out_ref,
             h2_ref, w0_ref, w1_ref, ti_ref):
    acc = x_ref[...] + _dot_t(ctx_ref[...], wo_ref[...])
    out_ref[...] = acc
    h2 = _rms_in(acc, ln2_ref[...])
    h2_ref[...] = h2
    lgb = _dot_t(h2, wr_ref[...]) + bias_ref[...]
    lane = jax.lax.broadcasted_iota(jnp.int32, (BS3, 128), 1)
    v0 = jnp.max(lgb, axis=1, keepdims=True)
    i0 = jnp.min(jnp.where(lgb == v0, lane, 128), axis=1, keepdims=True)
    rest = jnp.where(lane == i0, -1e30, lgb)
    v1 = jnp.max(rest, axis=1, keepdims=True)
    i1 = jnp.min(jnp.where(rest == v1, lane, 128), axis=1, keepdims=True)
    w0 = jax.nn.sigmoid(v0 - v1)
    w0_ref[...] = jnp.broadcast_to(w0, (BS3, 128))
    w1_ref[...] = jnp.broadcast_to(1.0 - w0, (BS3, 128))
    ti_ref[...] = jnp.where(lane == 0, jnp.broadcast_to(i0, (BS3, 128)),
                            jnp.where(lane == 1,
                                      jnp.broadcast_to(i1, (BS3, 128)), 0))


def _k3(x2d, ctx, Wo_bf, ln2_w, Wr_pad, bias_pad):
    nblk = S // BS3
    return pl.pallas_call(
        _k3_body,
        grid=(nblk,),
        in_specs=[
            pl.BlockSpec((BS3, HID), lambda i: (i, 0)),
            pl.BlockSpec((BS3, H * VD), lambda i: (i, 0)),
            pl.BlockSpec((HID, H * VD), lambda i: (0, 0)),
            pl.BlockSpec((1, HID), lambda i: (0, 0)),
            pl.BlockSpec((128, HID), lambda i: (0, 0)),
            pl.BlockSpec((1, 128), lambda i: (0, 0)),
        ],
        out_specs=[
            pl.BlockSpec((BS3, HID), lambda i: (i, 0)),
            pl.BlockSpec((BS3, HID), lambda i: (i, 0)),
            pl.BlockSpec((BS3, 128), lambda i: (i, 0)),
            pl.BlockSpec((BS3, 128), lambda i: (i, 0)),
            pl.BlockSpec((BS3, 128), lambda i: (i, 0)),
        ],
        out_shape=[
            jax.ShapeDtypeStruct((S, HID), F32),
            jax.ShapeDtypeStruct((S, HID), F32),
            jax.ShapeDtypeStruct((S, 128), F32),
            jax.ShapeDtypeStruct((S, 128), F32),
            jax.ShapeDtypeStruct((S, 128), jnp.int32),
        ],
    )(x2d, ctx, Wo_bf, ln2_w.reshape(1, HID), Wr_pad, bias_pad)


def _k4_body(ea_ref, xs_ref, wg_ref, wu_ref, wd_ref, ys_ref,
             wg_sc, wu_sc, wd_sc):
    b = pl.program_id(0)
    prev = ea_ref[0, jnp.maximum(b - 1, 0)]
    changed = jnp.logical_or(b == 0, ea_ref[0, b] != prev)

    @pl.when(jnp.logical_and(changed, ea_ref[1, b] == 1))
    def _recast():
        wg_sc[...] = wg_ref[0].astype(BF)
        wu_sc[...] = wu_ref[0].astype(BF)
        wd_sc[...] = wd_ref[0].astype(BF)

    @pl.when(ea_ref[1, b] == 1)
    def _compute():
        x = xs_ref[...].astype(BF)
        g = _dot_t(x, wg_sc[...])
        u = _dot_t(x, wu_sc[...])
        mm = (jax.nn.silu(g) * u).astype(BF)
        ys_ref[...] = _dot_t(mm, wd_sc[...])


def _k4(xs, blk_ea, We_g, We_u, We_d):
    nblk = NP // BLK
    grid_spec = pltpu.PrefetchScalarGridSpec(
        num_scalar_prefetch=1,
        grid=(nblk,),
        in_specs=[
            pl.BlockSpec((BLK, HID), lambda b, ea: (b, 0)),
            pl.BlockSpec((1, MI, HID), lambda b, ea: (ea[0, b], 0, 0)),
            pl.BlockSpec((1, MI, HID), lambda b, ea: (ea[0, b], 0, 0)),
            pl.BlockSpec((1, HID, MI), lambda b, ea: (ea[0, b], 0, 0)),
        ],
        out_specs=pl.BlockSpec((BLK, HID), lambda b, ea: (b, 0)),
        scratch_shapes=[
            pltpu.VMEM((MI, HID), BF),
            pltpu.VMEM((MI, HID), BF),
            pltpu.VMEM((HID, MI), BF),
        ],
    )
    return pl.pallas_call(
        _k4_body,
        grid_spec=grid_spec,
        out_shape=jax.ShapeDtypeStruct((NP, HID), F32),
    )(blk_ea, xs, We_g, We_u, We_d)


def _sc_gather(table, idx, B, D):
    NC, NS = 2, 16
    NW = NC * NS
    b_per_w = B // NW
    C = 48 if b_per_w % 48 == 0 else 32
    mesh = plsc.VectorSubcoreMesh(core_axis_name="c", subcore_axis_name="s",
                                  num_cores=NC, num_subcores=NS)

    @functools.partial(
        pl.kernel, mesh=mesh,
        out_type=jax.ShapeDtypeStruct((B, D), jnp.float32),
        scratch_types=[
            pltpu.VMEM((C,), jnp.int32),
            pltpu.VMEM((C, D), jnp.float32),
            pltpu.SemaphoreType.DMA,
        ],
    )
    def gk(table_hbm, idx_hbm, out_hbm, idx_v, rows_v, sem):
        wid = lax.axis_index("s") * NC + lax.axis_index("c")
        base = wid * b_per_w
        for j in range(b_per_w // C):
            off = base + j * C
            pltpu.sync_copy(idx_hbm.at[pl.ds(off, C)], idx_v)
            pltpu.async_copy(table_hbm.at[idx_v], rows_v, sem).wait()
            pltpu.sync_copy(rows_v, out_hbm.at[pl.ds(off, C)])

    return gk(table, idx)


def _k5a_body(ao_ref, h2_ref, wsg_ref, wsu_ref, wsd_ref, sh_ref):
    h2 = h2_ref[...].astype(BF)
    g = _dot_t(h2, wsg_ref[...])
    u = _dot_t(h2, wsu_ref[...])
    mm = (jax.nn.silu(g) * u).astype(BF)
    sh_ref[...] = ao_ref[...] + _dot_t(mm, wsd_ref[...])


def _k5a(attn_out, h2, Ws_g_bf, Ws_u_bf, Ws_d_bf):
    nblk = S // BS5
    return pl.pallas_call(
        _k5a_body,
        grid=(nblk,),
        in_specs=[
            pl.BlockSpec((BS5, HID), lambda i: (i, 0)),
            pl.BlockSpec((BS5, HID), lambda i: (i, 0)),
            pl.BlockSpec((MI, HID), lambda i: (0, 0)),
            pl.BlockSpec((MI, HID), lambda i: (0, 0)),
            pl.BlockSpec((HID, MI), lambda i: (0, 0)),
        ],
        out_specs=pl.BlockSpec((BS5, HID), lambda i: (i, 0)),
        out_shape=jax.ShapeDtypeStruct((S, HID), F32),
    )(attn_out, h2, Ws_g_bf, Ws_u_bf, Ws_d_bf)


def _k5b_body(base_ref, y0_ref, y1_ref, w0_ref, w1_ref, out_ref):
    w0 = jnp.concatenate([w0_ref[...]] * (HID // 128), axis=1)
    w1 = jnp.concatenate([w1_ref[...]] * (HID // 128), axis=1)
    out_ref[...] = base_ref[...] + w0 * y0_ref[...] + w1 * y1_ref[...]


def _k5b(base, yu, w0b, w1b):
    nblk = S // BS5
    return pl.pallas_call(
        _k5b_body,
        grid=(nblk,),
        in_specs=[
            pl.BlockSpec((BS5, HID), lambda i: (i, 0)),
            pl.BlockSpec((BS5, HID), lambda i: (i, 0)),
            pl.BlockSpec((BS5, HID), lambda i: (i + S // BS5, 0)),
            pl.BlockSpec((BS5, 128), lambda i: (i, 0)),
            pl.BlockSpec((BS5, 128), lambda i: (i, 0)),
        ],
        out_specs=pl.BlockSpec((BS5, HID), lambda i: (i, 0)),
        out_shape=jax.ShapeDtypeStruct((S, HID), F32),
    )(base, yu, yu, w0b, w1b)


def kernel(x, ln1_w, Wq_a, q_a_ln, Wq_b, Wkv_a, kv_a_ln, Wkv_b, Wo, ln2_w,
           Wr, r_bias, We_g, We_u, We_d, Ws_g, Ws_u, Ws_d):
    x2d = x.reshape(S, HID)

    inv_freq = 1.0 / (10000.0 ** (jnp.arange(0, ROPE, 2, jnp.float32) / ROPE))
    t = jnp.arange(S, dtype=jnp.float32)
    freqs = jnp.outer(t, inv_freq)
    emb = jnp.concatenate([freqs, freqs], axis=-1)
    cos = jnp.cos(emb)
    sin = jnp.sin(emb)
    half = ROPE // 2
    rot = jnp.zeros((ROPE, ROPE), jnp.float32)
    rot = rot.at[half:, :half].set(-jnp.eye(half))
    rot = rot.at[:half, half:].set(jnp.eye(half))

    Wq_b_r = Wq_b.reshape(H, D, QL)
    Wkv_b_r = Wkv_b.reshape(H, D + VD, KVL)
    Wo_bf = Wo.astype(BF)
    Wr_pad = jnp.zeros((128, HID), jnp.float32).at[:E, :].set(Wr)
    bias_pad = jnp.full((1, 128), -1e30, jnp.float32).at[0, :E].set(r_bias)

    qa, kva = _k1(x2d, ln1_w, Wq_a, q_a_ln, Wkv_a, kv_a_ln)
    ctx = _k2(qa, kva, Wq_b_r, Wkv_b_r, cos, sin, rot.astype(BF))
    attn_out, h2, w0b, w1b, ti = _k3(x2d, ctx, Wo_bf, ln2_w, Wr_pad,
                                     bias_pad)

    ei = ti[:, :TOPK].reshape(-1)
    tok = jnp.repeat(jnp.arange(S, dtype=jnp.int32), TOPK)
    onehot = jax.nn.one_hot(ei, E, dtype=jnp.int32)
    rank = jnp.cumsum(onehot, axis=0) - onehot
    rank = jnp.sum(rank * onehot, axis=1)
    counts = jnp.sum(onehot, axis=0)
    padded = ((counts + BLK - 1) // BLK) * BLK
    poff = jnp.concatenate([jnp.zeros((1,), jnp.int32),
                            jnp.cumsum(padded)[:-1].astype(jnp.int32)])
    slots = poff[ei] + rank
    base_idx = jnp.arange(NP, dtype=jnp.int32) % S
    gidx = base_idx.at[slots].set(tok)
    bounds = jnp.cumsum(padded)
    bstart = jnp.arange(NP // BLK, dtype=jnp.int32) * BLK
    blk_eid = jnp.sum((bstart[:, None] >= bounds[None, :]).astype(jnp.int32),
                      axis=1)
    blk_eid = jnp.minimum(blk_eid, E - 1)
    blk_act = (bstart < bounds[E - 1]).astype(jnp.int32)
    blk_ea = jnp.stack([blk_eid, blk_act])

    xs = _sc_gather(h2, gidx, NP, HID)
    base = _k5a(attn_out, h2, Ws_g.astype(BF), Ws_u.astype(BF),
                Ws_d.astype(BF))
    ys = _k4(xs, blk_ea, We_g, We_u, We_d)
    slots2 = slots.reshape(S, TOPK)
    idx2 = jnp.concatenate([slots2[:, 0], slots2[:, 1]])
    yu = _sc_gather(ys, idx2, TOPK * S, HID)
    out = _k5b(base, yu, w0b, w1b)
    return out.reshape(1, S, HID)

# --- scband reference (transcript-rebuilt; emitter-appended) ---
"""Pipeline reference for scband-decoder-layer-59296318488701 (READ-ONLY COPY).

The authoritative reference and input builder live on the scoring server;
editing this copy changes nothing except your own understanding.
"""

import jax, jax.numpy as jnp
import numpy as np

H = 16; S = 2048; HID = 1024; QL = 512; KVL = 256
NOPE = 128; ROPE = 64; VD = 128; E = 8; TOPK = 2; MI = 512

def _rms(x, w, eps=1e-6):
    return x * jax.lax.rsqrt(jnp.mean(x * x, axis=-1, keepdims=True) + eps) * w

def _rot_half(x):
    d = x.shape[-1] // 2
    return jnp.concatenate([-x[..., d:], x[..., :d]], axis=-1)

def setup_inputs(seed: int = 0) -> dict:
    key = jax.random.key(seed)
    ks = jax.random.split(key, 16)
    def w(k, shape, s=0.02):
        return jax.random.normal(k, shape, dtype=jnp.float32) * s
    return {
        'x': jax.random.normal(ks[0], (1, S, HID), dtype=jnp.float32),
        'ln1_w': jnp.ones((HID,), jnp.float32),
        'Wq_a': w(ks[1], (QL, HID)),
        'q_a_ln': jnp.ones((QL,), jnp.float32),
        'Wq_b': w(ks[2], (H * (NOPE + ROPE), QL)),
        'Wkv_a': w(ks[3], (KVL, HID)),
        'kv_a_ln': jnp.ones((KVL,), jnp.float32),
        'Wkv_b': w(ks[4], (H * (NOPE + ROPE + VD), KVL)),
        'Wo': w(ks[5], (HID, H * VD)),
        'ln2_w': jnp.ones((HID,), jnp.float32),
        'Wr': w(ks[6], (E, HID)),
        'r_bias': jnp.zeros((E,), jnp.float32),
        'We_g': w(ks[7], (E, MI, HID)),
        'We_u': w(ks[8], (E, MI, HID)),
        'We_d': w(ks[9], (E, HID, MI)),
        'Ws_g': w(ks[10], (MI, HID)),
        'Ws_u': w(ks[11], (MI, HID)),
        'Ws_d': w(ks[12], (HID, MI)),
    }

def _forward(x, ln1_w, Wq_a, q_a_ln, Wq_b, Wkv_a, kv_a_ln, Wkv_b, Wo, ln2_w, Wr, r_bias, We_g, We_u, We_d, Ws_g, Ws_u, Ws_d):
    b, s, hid = x.shape
    # attention block
    h = _rms(x, ln1_w)
    q_a = _rms(h @ Wq_a.T, q_a_ln)
    q = (q_a @ Wq_b.T).reshape(b, s, H, NOPE + ROPE)
    kv_a = _rms(h @ Wkv_a.T, kv_a_ln)
    kv = (kv_a @ Wkv_b.T).reshape(b, s, H, NOPE + ROPE + VD)
    k = kv[..., :NOPE + ROPE]
    v = kv[..., NOPE + ROPE:]
    inv_freq = 1.0 / (10000.0 ** (jnp.arange(0, ROPE, 2, dtype=jnp.float32) / ROPE))
    t = jnp.arange(s, dtype=jnp.float32)
    freqs = jnp.outer(t, inv_freq)
    emb = jnp.concatenate([freqs, freqs], axis=-1)
    cos = jnp.cos(emb)[None, :, None, :]
    sin = jnp.sin(emb)[None, :, None, :]
    q_pe = q[..., NOPE:]
    k_pe = k[..., NOPE:]
    q_pe = q_pe * cos + _rot_half(q_pe) * sin
    k_pe = k_pe * cos + _rot_half(k_pe) * sin
    q = jnp.concatenate([q[..., :NOPE], q_pe], axis=-1).transpose(0, 2, 1, 3)
    k = jnp.concatenate([k[..., :NOPE], k_pe], axis=-1).transpose(0, 2, 1, 3)
    v = v.transpose(0, 2, 1, 3)
    scores = jnp.einsum('bhqd,bhkd->bhqk', q, k) / np.sqrt(NOPE + ROPE)
    mask = jnp.tril(jnp.ones((s, s), dtype=bool))
    scores = jnp.where(mask[None, None], scores, -1e9)
    attn = jax.nn.softmax(scores, axis=-1)
    ctx = jnp.einsum('bhqk,bhkd->bhqd', attn, v).transpose(0, 2, 1, 3).reshape(b, s, H * VD)
    x = x + ctx @ Wo.T
    # MoE block
    h2 = _rms(x, ln2_w)
    flat = h2.reshape(b * s, hid)
    logits = flat @ Wr.T + r_bias
    probs = jax.nn.softmax(logits, axis=-1)
    topv, topi = jax.lax.top_k(probs, TOPK)
    wts = topv / (jnp.sum(topv, axis=-1, keepdims=True) + 1e-9)
    comb = jnp.zeros((b * s, E), jnp.float32)
    for kk in range(TOPK):
        comb = comb + wts[:, kk:kk + 1] * jax.nn.one_hot(topi[:, kk], E, dtype=jnp.float32)
    routed = jnp.zeros_like(flat)
    for e in range(E):
        ye = (jax.nn.silu(flat @ We_g[e].T) * (flat @ We_u[e].T)) @ We_d[e].T
        routed = routed + comb[:, e:e + 1] * ye
    shared = (jax.nn.silu(flat @ Ws_g.T) * (flat @ Ws_u.T)) @ Ws_d.T
    return x + (routed + shared).reshape(b, s, hid)

def reference(x, ln1_w, Wq_a, q_a_ln, Wq_b, Wkv_a, kv_a_ln, Wkv_b, Wo, ln2_w, Wr, r_bias, We_g, We_u, We_d, Ws_g, Ws_u, Ws_d):
    return _forward(x, ln1_w, Wq_a, q_a_ln, Wq_b, Wkv_a, kv_a_ln, Wkv_b, Wo, ln2_w, Wr, r_bias, We_g, We_u, We_d, Ws_g, Ws_u, Ws_d)

if __name__ == "__main__":
    import jax
    _d = setup_inputs()
    print(jax.jit(kernel)(*tuple(_d.values())))

</pallas_src>

<mosaic_0001>
#map = affine_map<(d0, d1) -> (0, 0)>
#map1 = affine_map<(d0, d1) -> (0)>
module attributes {stable_mosaic.version = 14 : i64} {
  func.func @gk(%arg0: i32, %arg1: i32, %arg2: memref<2048x1024xf32, #tpu.memory_space<hbm>>, %arg3: memref<6144xi32, #tpu.memory_space<hbm>>, %arg4: memref<6144x1024xf32, #tpu.memory_space<hbm>>, %arg5: memref<48xi32, #tpu.memory_space<vmem>>, %arg6: memref<48x1024xf32, #tpu.memory_space<vmem>>, %arg7: memref<!tpu.dma_semaphore, #tpu.memory_space<semaphore_mem>>) attributes {dimension_semantics = [#tpu.dimension_semantics<core_parallel>, #tpu.dimension_semantics<subcore_parallel>], iteration_bounds = array<i64: 2, 16>, scalar_prefetch = 0 : i64, scratch_operands = 3 : i64, tpu.core_type = #tpu.core_type<sc_vector_subcore>, window_params = [{transform_indices = #map}, {transform_indices = #map1}, {transform_indices = #map}]} {
    %mul3A = arith.constant 2 : i32
    %mul3A_0 = arith.muli %arg1, %mul3A : i32
    %add3A = arith.addi %mul3A_0, %arg0 : i32
    %mul3A_1 = arith.constant 192 : i32
    %mul3A_2 = arith.muli %add3A, %mul3A_1 : i32
    %add3A_3 = arith.constant 0 : i32
    %add3A_4 = arith.addi %mul3A_2, %add3A_3 : i32
    "tpu.region"() ({
      %run_scoped3A = tpu.sem_alloc : memref<!tpu.dma_semaphore, #tpu.memory_space<semaphore_mem>>
      %dma_start3A_33 = tpu.memref_slice %arg3[%add3A_4] : memref<6144xi32, #tpu.memory_space<hbm>> -> memref<48xi32, #tpu.memory_space<hbm>>
      %dma_start3A_34 = tpu.memref_slice %arg3[%add3A_4] : memref<6144xi32, #tpu.memory_space<hbm>> -> memref<48xi32, #tpu.memory_space<hbm>>
      tpu.enqueue_dma source(%dma_start3A_34 : memref<48xi32, #tpu.memory_space<hbm>>) target(%arg5 : memref<48xi32, #tpu.memory_space<vmem>>) target_semaphore(%run_scoped3A : memref<!tpu.dma_semaphore, #tpu.memory_space<semaphore_mem>>)
      %dma_wait3A_35 = tpu.memref_slice %arg3[%add3A_4] : memref<6144xi32, #tpu.memory_space<hbm>> -> memref<48xi32, #tpu.memory_space<hbm>>
      %dma_wait3A_36 = tpu.memref_slice %arg3[%add3A_4] : memref<6144xi32, #tpu.memory_space<hbm>> -> memref<48xi32, #tpu.memory_space<hbm>>
      tpu.wait_dma2 semaphore(%run_scoped3A : memref<!tpu.dma_semaphore, #tpu.memory_space<semaphore_mem>>) src(%dma_wait3A_36 : memref<48xi32, #tpu.memory_space<hbm>>) dst(%arg5 : memref<48xi32, #tpu.memory_space<vmem>>)
      tpu.yield
    }) : () -> ()
    %dma_start3A = arith.constant 0 : i32
    %dma_start3A_5 = arith.constant 0 : i32
    %dma_start3A_6 = tpu.memref_slice %arg2[%dma_start3A, %dma_start3A_5] : memref<2048x1024xf32, #tpu.memory_space<hbm>> -> memref<2048x1024xf32, #tpu.memory_space<hbm>>
    tpu.enqueue_indirect_dma source(%dma_start3A_6 : memref<2048x1024xf32, #tpu.memory_space<hbm>>) target(%arg6 : memref<48x1024xf32, #tpu.memory_space<vmem>>) offsets(%arg5 : memref<48xi32, #tpu.memory_space<vmem>>) semaphore(%arg7 : memref<!tpu.dma_semaphore, #tpu.memory_space<semaphore_mem>>)
    %dma_wait3A = arith.constant 0 : i32
    %dma_wait3A_7 = arith.constant 0 : i32
    %dma_wait3A_8 = tpu.memref_slice %arg2[%dma_wait3A, %dma_wait3A_7] : memref<2048x1024xf32, #tpu.memory_space<hbm>> -> memref<2048x1024xf32, #tpu.memory_space<hbm>>
    tpu.wait_indirect_dma semaphore(%arg7 : memref<!tpu.dma_semaphore, #tpu.memory_space<semaphore_mem>>) src(%dma_wait3A_8 : memref<2048x1024xf32, #tpu.memory_space<hbm>>) dst(%arg6 : memref<48x1024xf32, #tpu.memory_space<vmem>>)
    "tpu.region"() ({
      %run_scoped3A = tpu.sem_alloc : memref<!tpu.dma_semaphore, #tpu.memory_space<semaphore_mem>>
      %dma_start3A_33 = arith.constant 0 : i32
      %dma_start3A_34 = tpu.memref_slice %arg4[%add3A_4, %dma_start3A_33] : memref<6144x1024xf32, #tpu.memory_space<hbm>> -> memref<48x1024xf32, #tpu.memory_space<hbm>>
      %dma_start3A_35 = arith.constant 0 : i32
      %dma_start3A_36 = tpu.memref_slice %arg4[%add3A_4, %dma_start3A_35] : memref<6144x1024xf32, #tpu.memory_space<hbm>> -> memref<48x1024xf32, #tpu.memory_space<hbm>>
      tpu.enqueue_dma source(%arg6 : memref<48x1024xf32, #tpu.memory_space<vmem>>) target(%dma_start3A_36 : memref<48x1024xf32, #tpu.memory_space<hbm>>) target_semaphore(%run_scoped3A : memref<!tpu.dma_semaphore, #tpu.memory_space<semaphore_mem>>)
      %dma_wait3A_37 = arith.constant 0 : i32
      %dma_wait3A_38 = tpu.memref_slice %arg4[%add3A_4, %dma_wait3A_37] : memref<6144x1024xf32, #tpu.memory_space<hbm>> -> memref<48x1024xf32, #tpu.memory_space<hbm>>
      %dma_wait3A_39 = arith.constant 0 : i32
      %dma_wait3A_40 = tpu.memref_slice %arg4[%add3A_4, %dma_wait3A_39] : memref<6144x1024xf32, #tpu.memory_space<hbm>> -> memref<48x1024xf32, #tpu.memory_space<hbm>>
      tpu.wait_dma2 semaphore(%run_scoped3A : memref<!tpu.dma_semaphore, #tpu.memory_space<semaphore_mem>>) src(%arg6 : memref<48x1024xf32, #tpu.memory_space<vmem>>) dst(%dma_wait3A_40 : memref<48x1024xf32, #tpu.memory_space<hbm>>)
      tpu.yield
    }) : () -> ()
    %add3A_9 = arith.constant 48 : i32
    %add3A_10 = arith.addi %mul3A_2, %add3A_9 : i32
    "tpu.region"() ({
      %run_scoped3A = tpu.sem_alloc : memref<!tpu.dma_semaphore, #tpu.memory_space<semaphore_mem>>
      %dma_start3A_33 = tpu.memref_slice %arg3[%add3A_10] : memref<6144xi32, #tpu.memory_space<hbm>> -> memref<48xi32, #tpu.memory_space<hbm>>
      %dma_start3A_34 = tpu.memref_slice %arg3[%add3A_10] : memref<6144xi32, #tpu.memory_space<hbm>> -> memref<48xi32, #tpu.memory_space<hbm>>
      tpu.enqueue_dma source(%dma_start3A_34 : memref<48xi32, #tpu.memory_space<hbm>>) target(%arg5 : memref<48xi32, #tpu.memory_space<vmem>>) target_semaphore(%run_scoped3A : memref<!tpu.dma_semaphore, #tpu.memory_space<semaphore_mem>>)
      %dma_wait3A_35 = tpu.memref_slice %arg3[%add3A_10] : memref<6144xi32, #tpu.memory_space<hbm>> -> memref<48xi32, #tpu.memory_space<hbm>>
      %dma_wait3A_36 = tpu.memref_slice %arg3[%add3A_10] : memref<6144xi32, #tpu.memory_space<hbm>> -> memref<48xi32, #tpu.memory_space<hbm>>
      tpu.wait_dma2 semaphore(%run_scoped3A : memref<!tpu.dma_semaphore, #tpu.memory_space<semaphore_mem>>) src(%dma_wait3A_36 : memref<48xi32, #tpu.memory_space<hbm>>) dst(%arg5 : memref<48xi32, #tpu.memory_space<vmem>>)
      tpu.yield
    }) : () -> ()
    %dma_start3A_11 = arith.constant 0 : i32
    %dma_start3A_12 = arith.constant 0 : i32
    %dma_start3A_13 = tpu.memref_slice %arg2[%dma_start3A_11, %dma_start3A_12] : memref<2048x1024xf32, #tpu.memory_space<hbm>> -> memref<2048x1024xf32, #tpu.memory_space<hbm>>
    tpu.enqueue_indirect_dma source(%dma_start3A_13 : memref<2048x1024xf32, #tpu.memory_space<hbm>>) target(%arg6 : memref<48x1024xf32, #tpu.memory_space<vmem>>) offsets(%arg5 : memref<48xi32, #tpu.memory_space<vmem>>) semaphore(%arg7 : memref<!tpu.dma_semaphore, #tpu.memory_space<semaphore_mem>>)
    %dma_wait3A_14 = arith.constant 0 : i32
    %dma_wait3A_15 = arith.constant 0 : i32
    %dma_wait3A_16 = tpu.memref_slice %arg2[%dma_wait3A_14, %dma_wait3A_15] : memref<2048x1024xf32, #tpu.memory_space<hbm>> -> memref<2048x1024xf32, #tpu.memory_space<hbm>>
    tpu.wait_indirect_dma semaphore(%arg7 : memref<!tpu.dma_semaphore, #tpu.memory_space<semaphore_mem>>) src(%dma_wait3A_16 : memref<2048x1024xf32, #tpu.memory_space<hbm>>) dst(%arg6 : memref<48x1024xf32, #tpu.memory_space<vmem>>)
    "tpu.region"() ({
      %run_scoped3A = tpu.sem_alloc : memref<!tpu.dma_semaphore, #tpu.memory_space<semaphore_mem>>
      %dma_start3A_33 = arith.constant 0 : i32
      %dma_start3A_34 = tpu.memref_slice %arg4[%add3A_10, %dma_start3A_33] : memref<6144x1024xf32, #tpu.memory_space<hbm>> -> memref<48x1024xf32, #tpu.memory_space<hbm>>
      %dma_start3A_35 = arith.constant 0 : i32
      %dma_start3A_36 = tpu.memref_slice %arg4[%add3A_10, %dma_start3A_35] : memref<6144x1024xf32, #tpu.memory_space<hbm>> -> memref<48x1024xf32, #tpu.memory_space<hbm>>
      tpu.enqueue_dma source(%arg6 : memref<48x1024xf32, #tpu.memory_space<vmem>>) target(%dma_start3A_36 : memref<48x1024xf32, #tpu.memory_space<hbm>>) target_semaphore(%run_scoped3A : memref<!tpu.dma_semaphore, #tpu.memory_space<semaphore_mem>>)
      %dma_wait3A_37 = arith.constant 0 : i32
      %dma_wait3A_38 = tpu.memref_slice %arg4[%add3A_10, %dma_wait3A_37] : memref<6144x1024xf32, #tpu.memory_space<hbm>> -> memref<48x1024xf32, #tpu.memory_space<hbm>>
      %dma_wait3A_39 = arith.constant 0 : i32
      %dma_wait3A_40 = tpu.memref_slice %arg4[%add3A_10, %dma_wait3A_39] : memref<6144x1024xf32, #tpu.memory_space<hbm>> -> memref<48x1024xf32, #tpu.memory_space<hbm>>
      tpu.wait_dma2 semaphore(%run_scoped3A : memref<!tpu.dma_semaphore, #tpu.memory_space<semaphore_mem>>) src(%arg6 : memref<48x1024xf32, #tpu.memory_space<vmem>>) dst(%dma_wait3A_40 : memref<48x1024xf32, #tpu.memory_space<hbm>>)
      tpu.yield
    }) : () -> ()
    %add3A_17 = arith.constant 96 : i32
    %add3A_18 = arith.addi %mul3A_2, %add3A_17 : i32
    "tpu.region"() ({
      %run_scoped3A = tpu.sem_alloc : memref<!tpu.dma_semaphore, #tpu.memory_space<semaphore_mem>>
      %dma_start3A_33 = tpu.memref_slice %arg3[%add3A_18] : memref<6144xi32, #tpu.memory_space<hbm>> -> memref<48xi32, #tpu.memory_space<hbm>>
      %dma_start3A_34 = tpu.memref_slice %arg3[%add3A_18] : memref<6144xi32, #tpu.memory_space<hbm>> -> memref<48xi32, #tpu.memory_space<hbm>>
      tpu.enqueue_dma source(%dma_start3A_34 : memref<48xi32, #tpu.memory_space<hbm>>) target(%arg5 : memref<48xi32, #tpu.memory_space<vmem>>) target_semaphore(%run_scoped3A : memref<!tpu.dma_semaphore, #tpu.memory_space<semaphore_mem>>)
      %dma_wait3A_35 = tpu.memref_slice %arg3[%add3A_18] : memref<6144xi32, #tpu.memory_space<hbm>> -> memref<48xi32, #tpu.memory_space<hbm>>
      %dma_wait3A_36 = tpu.memref_slice %arg3[%add3A_18] : memref<6144xi32, #tpu.memory_space<hbm>> -> memref<48xi32, #tpu.memory_space<hbm>>
      tpu.wait_dma2 semaphore(%run_scoped3A : memref<!tpu.dma_semaphore, #tpu.memory_space<semaphore_mem>>) src(%dma_wait3A_36 : memref<48xi32, #tpu.memory_space<hbm>>) dst(%arg5 : memref<48xi32, #tpu.memory_space<vmem>>)
      tpu.yield
    }) : () -> ()
    %dma_start3A_19 = arith.constant 0 : i32
    %dma_start3A_20 = arith.constant 0 : i32
    %dma_start3A_21 = tpu.memref_slice %arg2[%dma_start3A_19, %dma_start3A_20] : memref<2048x1024xf32, #tpu.memory_space<hbm>> -> memref<2048x1024xf32, #tpu.memory_space<hbm>>
    tpu.enqueue_indirect_dma source(%dma_start3A_21 : memref<2048x1024xf32, #tpu.memory_space<hbm>>) target(%arg6 : memref<48x1024xf32, #tpu.memory_space<vmem>>) offsets(%arg5 : memref<48xi32, #tpu.memory_space<vmem>>) semaphore(%arg7 : memref<!tpu.dma_semaphore, #tpu.memory_space<semaphore_mem>>)
    %dma_wait3A_22 = arith.constant 0 : i32
    %dma_wait3A_23 = arith.constant 0 : i32
    %dma_wait3A_24 = tpu.memref_slice %arg2[%dma_wait3A_22, %dma_wait3A_23] : memref<2048x1024xf32, #tpu.memory_space<hbm>> -> memref<2048x1024xf32, #tpu.memory_space<hbm>>
    tpu.wait_indirect_dma semaphore(%arg7 : memref<!tpu.dma_semaphore, #tpu.memory_space<semaphore_mem>>) src(%dma_wait3A_24 : memref<2048x1024xf32, #tpu.memory_space<hbm>>) dst(%arg6 : memref<48x1024xf32, #tpu.memory_space<vmem>>)
    "tpu.region"() ({
      %run_scoped3A = tpu.sem_alloc : memref<!tpu.dma_semaphore, #tpu.memory_space<semaphore_mem>>
      %dma_start3A_33 = arith.constant 0 : i32
      %dma_start3A_34 = tpu.memref_slice %arg4[%add3A_18, %dma_start3A_33] : memref<6144x1024xf32, #tpu.memory_space<hbm>> -> memref<48x1024xf32, #tpu.memory_space<hbm>>
      %dma_start3A_35 = arith.constant 0 : i32
      %dma_start3A_36 = tpu.memref_slice %arg4[%add3A_18, %dma_start3A_35] : memref<6144x1024xf32, #tpu.memory_space<hbm>> -> memref<48x1024xf32, #tpu.memory_space<hbm>>
      tpu.enqueue_dma source(%arg6 : memref<48x1024xf32, #tpu.memory_space<vmem>>) target(%dma_start3A_36 : memref<48x1024xf32, #tpu.memory_space<hbm>>) target_semaphore(%run_scoped3A : memref<!tpu.dma_semaphore, #tpu.memory_space<semaphore_mem>>)
      %dma_wait3A_37 = arith.constant 0 : i32
      %dma_wait3A_38 = tpu.memref_slice %arg4[%add3A_18, %dma_wait3A_37] : memref<6144x1024xf32, #tpu.memory_space<hbm>> -> memref<48x1024xf32, #tpu.memory_space<hbm>>
      %dma_wait3A_39 = arith.constant 0 : i32
      %dma_wait3A_40 = tpu.memref_slice %arg4[%add3A_18, %dma_wait3A_39] : memref<6144x1024xf32, #tpu.memory_space<hbm>> -> memref<48x1024xf32, #tpu.memory_space<hbm>>
      tpu.wait_dma2 semaphore(%run_scoped3A : memref<!tpu.dma_semaphore, #tpu.memory_space<semaphore_mem>>) src(%arg6 : memref<48x1024xf32, #tpu.memory_space<vmem>>) dst(%dma_wait3A_40 : memref<48x1024xf32, #tpu.memory_space<hbm>>)
      tpu.yield
    }) : () -> ()
    %add3A_25 = arith.constant 144 : i32
    %add3A_26 = arith.addi %mul3A_2, %add3A_25 : i32
    "tpu.region"() ({
      %run_scoped3A = tpu.sem_alloc : memref<!tpu.dma_semaphore, #tpu.memory_space<semaphore_mem>>
      %dma_start3A_33 = tpu.memref_slice %arg3[%add3A_26] : memref<6144xi32, #tpu.memory_space<hbm>> -> memref<48xi32, #tpu.memory_space<hbm>>
      %dma_start3A_34 = tpu.memref_slice %arg3[%add3A_26] : memref<6144xi32, #tpu.memory_space<hbm>> -> memref<48xi32, #tpu.memory_space<hbm>>
      tpu.enqueue_dma source(%dma_start3A_34 : memref<48xi32, #tpu.memory_space<hbm>>) target(%arg5 : memref<48xi32, #tpu.memory_space<vmem>>) target_semaphore(%run_scoped3A : memref<!tpu.dma_semaphore, #tpu.memory_space<semaphore_mem>>)
      %dma_wait3A_35 = tpu.memref_slice %arg3[%add3A_26] : memref<6144xi32, #tpu.memory_space<hbm>> -> memref<48xi32, #tpu.memory_space<hbm>>
      %dma_wait3A_36 = tpu.memref_slice %arg3[%add3A_26] : memref<6144xi32, #tpu.memory_space<hbm>> -> memref<48xi32, #tpu.memory_space<hbm>>
      tpu.wait_dma2 semaphore(%run_scoped3A : memref<!tpu.dma_semaphore, #tpu.memory_space<semaphore_mem>>) src(%dma_wait3A_36 : memref<48xi32, #tpu.memory_space<hbm>>) dst(%arg5 : memref<48xi32, #tpu.memory_space<vmem>>)
      tpu.yield
    }) : () -> ()
    %dma_start3A_27 = arith.constant 0 : i32
    %dma_start3A_28 = arith.constant 0 : i32
    %dma_start3A_29 = tpu.memref_slice %arg2[%dma_start3A_27, %dma_start3A_28] : memref<2048x1024xf32, #tpu.memory_space<hbm>> -> memref<2048x1024xf32, #tpu.memory_space<hbm>>
    tpu.enqueue_indirect_dma source(%dma_start3A_29 : memref<2048x1024xf32, #tpu.memory_space<hbm>>) target(%arg6 : memref<48x1024xf32, #tpu.memory_space<vmem>>) offsets(%arg5 : memref<48xi32, #tpu.memory_space<vmem>>) semaphore(%arg7 : memref<!tpu.dma_semaphore, #tpu.memory_space<semaphore_mem>>)
    %dma_wait3A_30 = arith.constant 0 : i32
    %dma_wait3A_31 = arith.constant 0 : i32
    %dma_wait3A_32 = tpu.memref_slice %arg2[%dma_wait3A_30, %dma_wait3A_31] : memref<2048x1024xf32, #tpu.memory_space<hbm>> -> memref<2048x1024xf32, #tpu.memory_space<hbm>>
    tpu.wait_indirect_dma semaphore(%arg7 : memref<!tpu.dma_semaphore, #tpu.memory_space<semaphore_mem>>) src(%dma_wait3A_32 : memref<2048x1024xf32, #tpu.memory_space<hbm>>) dst(%arg6 : memref<48x1024xf32, #tpu.memory_space<vmem>>)
    "tpu.region"() ({
      %run_scoped3A = tpu.sem_alloc : memref<!tpu.dma_semaphore, #tpu.memory_space<semaphore_mem>>
      %dma_start3A_33 = arith.constant 0 : i32
      %dma_start3A_34 = tpu.memref_slice %arg4[%add3A_26, %dma_start3A_33] : memref<6144x1024xf32, #tpu.memory_space<hbm>> -> memref<48x1024xf32, #tpu.memory_space<hbm>>
      %dma_start3A_35 = arith.constant 0 : i32
      %dma_start3A_36 = tpu.memref_slice %arg4[%add3A_26, %dma_start3A_35] : memref<6144x1024xf32, #tpu.memory_space<hbm>> -> memref<48x1024xf32, #tpu.memory_space<hbm>>
      tpu.enqueue_dma source(%arg6 : memref<48x1024xf32, #tpu.memory_space<vmem>>) target(%dma_start3A_36 : memref<48x1024xf32, #tpu.memory_space<hbm>>) target_semaphore(%run_scoped3A : memref<!tpu.dma_semaphore, #tpu.memory_space<semaphore_mem>>)
      %dma_wait3A_37 = arith.constant 0 : i32
      %dma_wait3A_38 = tpu.memref_slice %arg4[%add3A_26, %dma_wait3A_37] : memref<6144x1024xf32, #tpu.memory_space<hbm>> -> memref<48x1024xf32, #tpu.memory_space<hbm>>
      %dma_wait3A_39 = arith.constant 0 : i32
      %dma_wait3A_40 = tpu.memref_slice %arg4[%add3A_26, %dma_wait3A_39] : memref<6144x1024xf32, #tpu.memory_space<hbm>> -> memref<48x1024xf32, #tpu.memory_space<hbm>>
      tpu.wait_dma2 semaphore(%run_scoped3A : memref<!tpu.dma_semaphore, #tpu.memory_space<semaphore_mem>>) src(%arg6 : memref<48x1024xf32, #tpu.memory_space<vmem>>) dst(%dma_wait3A_40 : memref<48x1024xf32, #tpu.memory_space<hbm>>)
      tpu.yield
    }) : () -> ()
    return
  }
}

#map = affine_map<(d0, d1) -> (0, 0)>
#map1 = affine_map<(d0, d1) -> (0)>
module attributes {stable_mosaic.version = 14 : i64} {
  func.func @gk(%arg0: i32, %arg1: i32, %arg2: memref<6144x1024xf32, #tpu.memory_space<hbm>>, %arg3: memref<4096xi32, #tpu.memory_space<hbm>>, %arg4: memref<4096x1024xf32, #tpu.memory_space<hbm>>, %arg5: memref<32xi32, #tpu.memory_space<vmem>>, %arg6: memref<32x1024xf32, #tpu.memory_space<vmem>>, %arg7: memref<!tpu.dma_semaphore, #tpu.memory_space<semaphore_mem>>) attributes {dimension_semantics = [#tpu.dimension_semantics<core_parallel>, #tpu.dimension_semantics<subcore_parallel>], iteration_bounds = array<i64: 2, 16>, scalar_prefetch = 0 : i64, scratch_operands = 3 : i64, tpu.core_type = #tpu.core_type<sc_vector_subcore>, window_params = [{transform_indices = #map}, {transform_indices = #map1}, {transform_indices = #map}]} {
    %mul3A = arith.constant 2 : i32
    %mul3A_0 = arith.muli %arg1, %mul3A : i32
    %add3A = arith.addi %mul3A_0, %arg0 : i32
    %mul3A_1 = arith.constant 128 : i32
    %mul3A_2 = arith.muli %add3A, %mul3A_1 : i32
    %add3A_3 = arith.constant 0 : i32
    %add3A_4 = arith.addi %mul3A_2, %add3A_3 : i32
    "tpu.region"() ({
      %run_scoped3A = tpu.sem_alloc : memref<!tpu.dma_semaphore, #tpu.memory_space<semaphore_mem>>
      %dma_start3A_33 = tpu.memref_slice %arg3[%add3A_4] : memref<4096xi32, #tpu.memory_space<hbm>> -> memref<32xi32, #tpu.memory_space<hbm>>
      %dma_start3A_34 = tpu.memref_slice %arg3[%add3A_4] : memref<4096xi32, #tpu.memory_space<hbm>> -> memref<32xi32, #tpu.memory_space<hbm>>
      tpu.enqueue_dma source(%dma_start3A_34 : memref<32xi32, #tpu.memory_space<hbm>>) target(%arg5 : memref<32xi32, #tpu.memory_space<vmem>>) target_semaphore(%run_scoped3A : memref<!tpu.dma_semaphore, #tpu.memory_space<semaphore_mem>>)
      %dma_wait3A_35 = tpu.memref_slice %arg3[%add3A_4] : memref<4096xi32, #tpu.memory_space<hbm>> -> memref<32xi32, #tpu.memory_space<hbm>>
      %dma_wait3A_36 = tpu.memref_slice %arg3[%add3A_4] : memref<4096xi32, #tpu.memory_space<hbm>> -> memref<32xi32, #tpu.memory_space<hbm>>
      tpu.wait_dma2 semaphore(%run_scoped3A : memref<!tpu.dma_semaphore, #tpu.memory_space<semaphore_mem>>) src(%dma_wait3A_36 : memref<32xi32, #tpu.memory_space<hbm>>) dst(%arg5 : memref<32xi32, #tpu.memory_space<vmem>>)
      tpu.yield
    }) : () -> ()
    %dma_start3A = arith.constant 0 : i32
    %dma_start3A_5 = arith.constant 0 : i32
    %dma_start3A_6 = tpu.memref_slice %arg2[%dma_start3A, %dma_start3A_5] : memref<6144x1024xf32, #tpu.memory_space<hbm>> -> memref<6144x1024xf32, #tpu.memory_space<hbm>>
    tpu.enqueue_indirect_dma source(%dma_start3A_6 : memref<6144x1024xf32, #tpu.memory_space<hbm>>) target(%arg6 : memref<32x1024xf32, #tpu.memory_space<vmem>>) offsets(%arg5 : memref<32xi32, #tpu.memory_space<vmem>>) semaphore(%arg7 : memref<!tpu.dma_semaphore, #tpu.memory_space<semaphore_mem>>)
    %dma_wait3A = arith.constant 0 : i32
    %dma_wait3A_7 = arith.constant 0 : i32
    %dma_wait3A_8 = tpu.memref_slice %arg2[%dma_wait3A, %dma_wait3A_7] : memref<6144x1024xf32, #tpu.memory_space<hbm>> -> memref<6144x1024xf32, #tpu.memory_space<hbm>>
    tpu.wait_indirect_dma semaphore(%arg7 : memref<!tpu.dma_semaphore, #tpu.memory_space<semaphore_mem>>) src(%dma_wait3A_8 : memref<6144x1024xf32, #tpu.memory_space<hbm>>) dst(%arg6 : memref<32x1024xf32, #tpu.memory_space<vmem>>)
    "tpu.region"() ({
      %run_scoped3A = tpu.sem_alloc : memref<!tpu.dma_semaphore, #tpu.memory_space<semaphore_mem>>
      %dma_start3A_33 = arith.constant 0 : i32
      %dma_start3A_34 = tpu.memref_slice %arg4[%add3A_4, %dma_start3A_33] : memref<4096x1024xf32, #tpu.memory_space<hbm>> -> memref<32x1024xf32, #tpu.memory_space<hbm>>
      %dma_start3A_35 = arith.constant 0 : i32
      %dma_start3A_36 = tpu.memref_slice %arg4[%add3A_4, %dma_start3A_35] : memref<4096x1024xf32, #tpu.memory_space<hbm>> -> memref<32x1024xf32, #tpu.memory_space<hbm>>
      tpu.enqueue_dma source(%arg6 : memref<32x1024xf32, #tpu.memory_space<vmem>>) target(%dma_start3A_36 : memref<32x1024xf32, #tpu.memory_space<hbm>>) target_semaphore(%run_scoped3A : memref<!tpu.dma_semaphore, #tpu.memory_space<semaphore_mem>>)
      %dma_wait3A_37 = arith.constant 0 : i32
      %dma_wait3A_38 = tpu.memref_slice %arg4[%add3A_4, %dma_wait3A_37] : memref<4096x1024xf32, #tpu.memory_space<hbm>> -> memref<32x1024xf32, #tpu.memory_space<hbm>>
      %dma_wait3A_39 = arith.constant 0 : i32
      %dma_wait3A_40 = tpu.memref_slice %arg4[%add3A_4, %dma_wait3A_39] : memref<4096x1024xf32, #tpu.memory_space<hbm>> -> memref<32x1024xf32, #tpu.memory_space<hbm>>
      tpu.wait_dma2 semaphore(%run_scoped3A : memref<!tpu.dma_semaphore, #tpu.memory_space<semaphore_mem>>) src(%arg6 : memref<32x1024xf32, #tpu.memory_space<vmem>>) dst(%dma_wait3A_40 : memref<32x1024xf32, #tpu.memory_space<hbm>>)
      tpu.yield
    }) : () -> ()
    %add3A_9 = arith.constant 32 : i32
    %add3A_10 = arith.addi %mul3A_2, %add3A_9 : i32
    "tpu.region"() ({
      %run_scoped3A = tpu.sem_alloc : memref<!tpu.dma_semaphore, #tpu.memory_space<semaphore_mem>>
      %dma_start3A_33 = tpu.memref_slice %arg3[%add3A_10] : memref<4096xi32, #tpu.memory_space<hbm>> -> memref<32xi32, #tpu.memory_space<hbm>>
      %dma_start3A_34 = tpu.memref_slice %arg3[%add3A_10] : memref<4096xi32, #tpu.memory_space<hbm>> -> memref<32xi32, #tpu.memory_space<hbm>>
      tpu.enqueue_dma source(%dma_start3A_34 : memref<32xi32, #tpu.memory_space<hbm>>) target(%arg5 : memref<32xi32, #tpu.memory_space<vmem>>) target_semaphore(%run_scoped3A : memref<!tpu.dma_semaphore, #tpu.memory_space<semaphore_mem>>)
      %dma_wait3A_35 = tpu.memref_slice %arg3[%add3A_10] : memref<4096xi32, #tpu.memory_space<hbm>> -> memref<32xi32, #tpu.memory_space<hbm>>
      %dma_wait3A_36 = tpu.memref_slice %arg3[%add3A_10] : memref<4096xi32, #tpu.memory_space<hbm>> -> memref<32xi32, #tpu.memory_space<hbm>>
      tpu.wait_dma2 semaphore(%run_scoped3A : memref<!tpu.dma_semaphore, #tpu.memory_space<semaphore_mem>>) src(%dma_wait3A_36 : memref<32xi32, #tpu.memory_space<hbm>>) dst(%arg5 : memref<32xi32, #tpu.memory_space<vmem>>)
      tpu.yield
    }) : () -> ()
    %dma_start3A_11 = arith.constant 0 : i32
    %dma_start3A_12 = arith.constant 0 : i32
    %dma_start3A_13 = tpu.memref_slice %arg2[%dma_start3A_11, %dma_start3A_12] : memref<6144x1024xf32, #tpu.memory_space<hbm>> -> memref<6144x1024xf32, #tpu.memory_space<hbm>>
    tpu.enqueue_indirect_dma source(%dma_start3A_13 : memref<6144x1024xf32, #tpu.memory_space<hbm>>) target(%arg6 : memref<32x1024xf32, #tpu.memory_space<vmem>>) offsets(%arg5 : memref<32xi32, #tpu.memory_space<vmem>>) semaphore(%arg7 : memref<!tpu.dma_semaphore, #tpu.memory_space<semaphore_mem>>)
    %dma_wait3A_14 = arith.constant 0 : i32
    %dma_wait3A_15 = arith.constant 0 : i32
    %dma_wait3A_16 = tpu.memref_slice %arg2[%dma_wait3A_14, %dma_wait3A_15] : memref<6144x1024xf32, #tpu.memory_space<hbm>> -> memref<6144x1024xf32, #tpu.memory_space<hbm>>
    tpu.wait_indirect_dma semaphore(%arg7 : memref<!tpu.dma_semaphore, #tpu.memory_space<semaphore_mem>>) src(%dma_wait3A_16 : memref<6144x1024xf32, #tpu.memory_space<hbm>>) dst(%arg6 : memref<32x1024xf32, #tpu.memory_space<vmem>>)
    "tpu.region"() ({
      %run_scoped3A = tpu.sem_alloc : memref<!tpu.dma_semaphore, #tpu.memory_space<semaphore_mem>>
      %dma_start3A_33 = arith.constant 0 : i32
      %dma_start3A_34 = tpu.memref_slice %arg4[%add3A_10, %dma_start3A_33] : memref<4096x1024xf32, #tpu.memory_space<hbm>> -> memref<32x1024xf32, #tpu.memory_space<hbm>>
      %dma_start3A_35 = arith.constant 0 : i32
      %dma_start3A_36 = tpu.memref_slice %arg4[%add3A_10, %dma_start3A_35] : memref<4096x1024xf32, #tpu.memory_space<hbm>> -> memref<32x1024xf32, #tpu.memory_space<hbm>>
      tpu.enqueue_dma source(%arg6 : memref<32x1024xf32, #tpu.memory_space<vmem>>) target(%dma_start3A_36 : memref<32x1024xf32, #tpu.memory_space<hbm>>) target_semaphore(%run_scoped3A : memref<!tpu.dma_semaphore, #tpu.memory_space<semaphore_mem>>)
      %dma_wait3A_37 = arith.constant 0 : i32
      %dma_wait3A_38 = tpu.memref_slice %arg4[%add3A_10, %dma_wait3A_37] : memref<4096x1024xf32, #tpu.memory_space<hbm>> -> memref<32x1024xf32, #tpu.memory_space<hbm>>
      %dma_wait3A_39 = arith.constant 0 : i32
      %dma_wait3A_40 = tpu.memref_slice %arg4[%add3A_10, %dma_wait3A_39] : memref<4096x1024xf32, #tpu.memory_space<hbm>> -> memref<32x1024xf32, #tpu.memory_space<hbm>>
      tpu.wait_dma2 semaphore(%run_scoped3A : memref<!tpu.dma_semaphore, #tpu.memory_space<semaphore_mem>>) src(%arg6 : memref<32x1024xf32, #tpu.memory_space<vmem>>) dst(%dma_wait3A_40 : memref<32x1024xf32, #tpu.memory_space<hbm>>)
      tpu.yield
    }) : () -> ()
    %add3A_17 = arith.constant 64 : i32
    %add3A_18 = arith.addi %mul3A_2, %add3A_17 : i32
    "tpu.region"() ({
      %run_scoped3A = tpu.sem_alloc : memref<!tpu.dma_semaphore, #tpu.memory_space<semaphore_mem>>
      %dma_start3A_33 = tpu.memref_slice %arg3[%add3A_18] : memref<4096xi32, #tpu.memory_space<hbm>> -> memref<32xi32, #tpu.memory_space<hbm>>
      %dma_start3A_34 = tpu.memref_slice %arg3[%add3A_18] : memref<4096xi32, #tpu.memory_space<hbm>> -> memref<32xi32, #tpu.memory_space<hbm>>
      tpu.enqueue_dma source(%dma_start3A_34 : memref<32xi32, #tpu.memory_space<hbm>>) target(%arg5 : memref<32xi32, #tpu.memory_space<vmem>>) target_semaphore(%run_scoped3A : memref<!tpu.dma_semaphore, #tpu.memory_space<semaphore_mem>>)
      %dma_wait3A_35 = tpu.memref_slice %arg3[%add3A_18] : memref<4096xi32, #tpu.memory_space<hbm>> -> memref<32xi32, #tpu.memory_space<hbm>>
      %dma_wait3A_36 = tpu.memref_slice %arg3[%add3A_18] : memref<4096xi32, #tpu.memory_space<hbm>> -> memref<32xi32, #tpu.memory_space<hbm>>
      tpu.wait_dma2 semaphore(%run_scoped3A : memref<!tpu.dma_semaphore, #tpu.memory_space<semaphore_mem>>) src(%dma_wait3A_36 : memref<32xi32, #tpu.memory_space<hbm>>) dst(%arg5 : memref<32xi32, #tpu.memory_space<vmem>>)
      tpu.yield
    }) : () -> ()
    %dma_start3A_19 = arith.constant 0 : i32
    %dma_start3A_20 = arith.constant 0 : i32
    %dma_start3A_21 = tpu.memref_slice %arg2[%dma_start3A_19, %dma_start3A_20] : memref<6144x1024xf32, #tpu.memory_space<hbm>> -> memref<6144x1024xf32, #tpu.memory_space<hbm>>
    tpu.enqueue_indirect_dma source(%dma_start3A_21 : memref<6144x1024xf32, #tpu.memory_space<hbm>>) target(%arg6 : memref<32x1024xf32, #tpu.memory_space<vmem>>) offsets(%arg5 : memref<32xi32, #tpu.memory_space<vmem>>) semaphore(%arg7 : memref<!tpu.dma_semaphore, #tpu.memory_space<semaphore_mem>>)
    %dma_wait3A_22 = arith.constant 0 : i32
    %dma_wait3A_23 = arith.constant 0 : i32
    %dma_wait3A_24 = tpu.memref_slice %arg2[%dma_wait3A_22, %dma_wait3A_23] : memref<6144x1024xf32, #tpu.memory_space<hbm>> -> memref<6144x1024xf32, #tpu.memory_space<hbm>>
    tpu.wait_indirect_dma semaphore(%arg7 : memref<!tpu.dma_semaphore, #tpu.memory_space<semaphore_mem>>) src(%dma_wait3A_24 : memref<6144x1024xf32, #tpu.memory_space<hbm>>) dst(%arg6 : memref<32x1024xf32, #tpu.memory_space<vmem>>)
    "tpu.region"() ({
      %run_scoped3A = tpu.sem_alloc : memref<!tpu.dma_semaphore, #tpu.memory_space<semaphore_mem>>
      %dma_start3A_33 = arith.constant 0 : i32
      %dma_start3A_34 = tpu.memref_slice %arg4[%add3A_18, %dma_start3A_33] : memref<4096x1024xf32, #tpu.memory_space<hbm>> -> memref<32x1024xf32, #tpu.memory_space<hbm>>
      %dma_start3A_35 = arith.constant 0 : i32
      %dma_start3A_36 = tpu.memref_slice %arg4[%add3A_18, %dma_start3A_35] : memref<4096x1024xf32, #tpu.memory_space<hbm>> -> memref<32x1024xf32, #tpu.memory_space<hbm>>
      tpu.enqueue_dma source(%arg6 : memref<32x1024xf32, #tpu.memory_space<vmem>>) target(%dma_start3A_36 : memref<32x1024xf32, #tpu.memory_space<hbm>>) target_semaphore(%run_scoped3A : memref<!tpu.dma_semaphore, #tpu.memory_space<semaphore_mem>>)
      %dma_wait3A_37 = arith.constant 0 : i32
      %dma_wait3A_38 = tpu.memref_slice %arg4[%add3A_18, %dma_wait3A_37] : memref<4096x1024xf32, #tpu.memory_space<hbm>> -> memref<32x1024xf32, #tpu.memory_space<hbm>>
      %dma_wait3A_39 = arith.constant 0 : i32
      %dma_wait3A_40 = tpu.memref_slice %arg4[%add3A_18, %dma_wait3A_39] : memref<4096x1024xf32, #tpu.memory_space<hbm>> -> memref<32x1024xf32, #tpu.memory_space<hbm>>
      tpu.wait_dma2 semaphore(%run_scoped3A : memref<!tpu.dma_semaphore, #tpu.memory_space<semaphore_mem>>) src(%arg6 : memref<32x1024xf32, #tpu.memory_space<vmem>>) dst(%dma_wait3A_40 : memref<32x1024xf32, #tpu.memory_space<hbm>>)
      tpu.yield
    }) : () -> ()
    %add3A_25 = arith.constant 96 : i32
    %add3A_26 = arith.addi %mul3A_2, %add3A_25 : i32
    "tpu.region"() ({
      %run_scoped3A = tpu.sem_alloc : memref<!tpu.dma_semaphore, #tpu.memory_space<semaphore_mem>>
      %dma_start3A_33 = tpu.memref_slice %arg3[%add3A_26] : memref<4096xi32, #tpu.memory_space<hbm>> -> memref<32xi32, #tpu.memory_space<hbm>>
      %dma_start3A_34 = tpu.memref_slice %arg3[%add3A_26] : memref<4096xi32, #tpu.memory_space<hbm>> -> memref<32xi32, #tpu.memory_space<hbm>>
      tpu.enqueue_dma source(%dma_start3A_34 : memref<32xi32, #tpu.memory_space<hbm>>) target(%arg5 : memref<32xi32, #tpu.memory_space<vmem>>) target_semaphore(%run_scoped3A : memref<!tpu.dma_semaphore, #tpu.memory_space<semaphore_mem>>)
      %dma_wait3A_35 = tpu.memref_slice %arg3[%add3A_26] : memref<4096xi32, #tpu.memory_space<hbm>> -> memref<32xi32, #tpu.memory_space<hbm>>
      %dma_wait3A_36 = tpu.memref_slice %arg3[%add3A_26] : memref<4096xi32, #tpu.memory_space<hbm>> -> memref<32xi32, #tpu.memory_space<hbm>>
      tpu.wait_dma2 semaphore(%run_scoped3A : memref<!tpu.dma_semaphore, #tpu.memory_space<semaphore_mem>>) src(%dma_wait3A_36 : memref<32xi32, #tpu.memory_space<hbm>>) dst(%arg5 : memref<32xi32, #tpu.memory_space<vmem>>)
      tpu.yield
    }) : () -> ()
    %dma_start3A_27 = arith.constant 0 : i32
    %dma_start3A_28 = arith.constant 0 : i32
    %dma_start3A_29 = tpu.memref_slice %arg2[%dma_start3A_27, %dma_start3A_28] : memref<6144x1024xf32, #tpu.memory_space<hbm>> -> memref<6144x1024xf32, #tpu.memory_space<hbm>>
    tpu.enqueue_indirect_dma source(%dma_start3A_29 : memref<6144x1024xf32, #tpu.memory_space<hbm>>) target(%arg6 : memref<32x1024xf32, #tpu.memory_space<vmem>>) offsets(%arg5 : memref<32xi32, #tpu.memory_space<vmem>>) semaphore(%arg7 : memref<!tpu.dma_semaphore, #tpu.memory_space<semaphore_mem>>)
    %dma_wait3A_30 = arith.constant 0 : i32
    %dma_wait3A_31 = arith.constant 0 : i32
    %dma_wait3A_32 = tpu.memref_slice %arg2[%dma_wait3A_30, %dma_wait3A_31] : memref<6144x1024xf32, #tpu.memory_space<hbm>> -> memref<6144x1024xf32, #tpu.memory_space<hbm>>
    tpu.wait_indirect_dma semaphore(%arg7 : memref<!tpu.dma_semaphore, #tpu.memory_space<semaphore_mem>>) src(%dma_wait3A_32 : memref<6144x1024xf32, #tpu.memory_space<hbm>>) dst(%arg6 : memref<32x1024xf32, #tpu.memory_space<vmem>>)
    "tpu.region"() ({
      %run_scoped3A = tpu.sem_alloc : memref<!tpu.dma_semaphore, #tpu.memory_space<semaphore_mem>>
      %dma_start3A_33 = arith.constant 0 : i32
      %dma_start3A_34 = tpu.memref_slice %arg4[%add3A_26, %dma_start3A_33] : memref<4096x1024xf32, #tpu.memory_space<hbm>> -> memref<32x1024xf32, #tpu.memory_space<hbm>>
      %dma_start3A_35 = arith.constant 0 : i32
      %dma_start3A_36 = tpu.memref_slice %arg4[%add3A_26, %dma_start3A_35] : memref<4096x1024xf32, #tpu.memory_space<hbm>> -> memref<32x1024xf32, #tpu.memory_space<hbm>>
      tpu.enqueue_dma source(%arg6 : memref<32x1024xf32, #tpu.memory_space<vmem>>) target(%dma_start3A_36 : memref<32x1024xf32, #tpu.memory_space<hbm>>) target_semaphore(%run_scoped3A : memref<!tpu.dma_semaphore, #tpu.memory_space<semaphore_mem>>)
      %dma_wait3A_37 = arith.constant 0 : i32
      %dma_wait3A_38 = tpu.memref_slice %arg4[%add3A_26, %dma_wait3A_37] : memref<4096x1024xf32, #tpu.memory_space<hbm>> -> memref<32x1024xf32, #tpu.memory_space<hbm>>
      %dma_wait3A_39 = arith.constant 0 : i32
      %dma_wait3A_40 = tpu.memref_slice %arg4[%add3A_26, %dma_wait3A_39] : memref<4096x1024xf32, #tpu.memory_space<hbm>> -> memref<32x1024xf32, #tpu.memory_space<hbm>>
      tpu.wait_dma2 semaphore(%run_scoped3A : memref<!tpu.dma_semaphore, #tpu.memory_space<semaphore_mem>>) src(%arg6 : memref<32x1024xf32, #tpu.memory_space<vmem>>) dst(%dma_wait3A_40 : memref<32x1024xf32, #tpu.memory_space<hbm>>)
      tpu.yield
    }) : () -> ()
    return
  }
}

module attributes {stable_mosaic.version = 14 : i64} {
  func.func @_k1_body(%arg0: i32, %arg1: memref<256x1024xf32, #tpu.memory_space<vmem>>, %arg2: memref<1x1024xf32, #tpu.memory_space<vmem>>, %arg3: memref<512x1024xf32, #tpu.memory_space<vmem>>, %arg4: memref<1x512xf32, #tpu.memory_space<vmem>>, %arg5: memref<256x1024xf32, #tpu.memory_space<vmem>>, %arg6: memref<1x256xf32, #tpu.memory_space<vmem>>, %arg7: memref<256x512xbf16, #tpu.memory_space<vmem>>, %arg8: memref<256x256xbf16, #tpu.memory_space<vmem>>) attributes {dimension_semantics = [#tpu.dimension_semantics<arbitrary>], iteration_bounds = array<i64: 8>, scalar_prefetch = 0 : i64, scratch_operands = 0 : i64, tpu.core_type = #tpu.core_type<tc>, window_params = [{transform_indices = @transform_0, window_bounds = array<i64: 256, 1024>}, {pipeline_mode = #tpu.pipeline_mode<synchronous>, transform_indices = @transform_1, window_bounds = array<i64: 1, 1024>}, {pipeline_mode = #tpu.pipeline_mode<synchronous>, transform_indices = @transform_2, window_bounds = array<i64: 512, 1024>}, {pipeline_mode = #tpu.pipeline_mode<synchronous>, transform_indices = @transform_3, window_bounds = array<i64: 1, 512>}, {pipeline_mode = #tpu.pipeline_mode<synchronous>, transform_indices = @transform_4, window_bounds = array<i64: 256, 1024>}, {pipeline_mode = #tpu.pipeline_mode<synchronous>, transform_indices = @transform_5, window_bounds = array<i64: 1, 256>}, {transform_indices = @transform_6, window_bounds = array<i64: 256, 512>}, {transform_indices = @transform_7, window_bounds = array<i64: 256, 256>}]} {
    %get3A = arith.constant 0 : index
    %get3A_0 = arith.constant 0 : index
    %get3A_1 = vector.load %arg1[%get3A, %get3A_0] : memref<256x1024xf32, #tpu.memory_space<vmem>>, vector<256x1024xf32>
    %get3A_2 = arith.constant 0 : index
    %get3A_3 = arith.constant 0 : index
    %get3A_4 = vector.load %arg2[%get3A_2, %get3A_3] : memref<1x1024xf32, #tpu.memory_space<vmem>>, vector<1x1024xf32>
    %mul3A = arith.mulf %get3A_1, %get3A_1 : vector<256x1024xf32>
    %reduce_sum3A = arith.constant dense<0.000000e+00> : vector<256xf32>
    %reduce_sum3A_5 = vector.multi_reduction <add>, %mul3A, %reduce_sum3A [1] : vector<256x1024xf32> to vector<256xf32>
    %broadcast_in_dim3A = vector.shape_cast %reduce_sum3A_5 : vector<256xf32> to vector<256x1xf32>
    %div3A = arith.constant 1.024000e+03 : f32
    %div3A_6 = vector.broadcast %div3A : f32 to vector<256x1xf32>
    %div3A_7 = arith.divf %broadcast_in_dim3A, %div3A_6 : vector<256x1xf32>
    %add3A = arith.constant 9.99999997E-7 : f32
    %add3A_8 = vector.broadcast %add3A : f32 to vector<256x1xf32>
    %add3A_9 = arith.addf %div3A_7, %add3A_8 : vector<256x1xf32>
    %rsqrt3A = math.rsqrt %add3A_9 : vector<256x1xf32>
    %mul3A_10 = vector.broadcast %rsqrt3A : vector<256x1xf32> to vector<256x1024xf32>
    %mul3A_11 = arith.mulf %get3A_1, %mul3A_10 : vector<256x1024xf32>
    %mul3A_12 = vector.broadcast %get3A_4 : vector<1x1024xf32> to vector<256x1024xf32>
    %mul3A_13 = arith.mulf %mul3A_11, %mul3A_12 : vector<256x1024xf32>
    %convert_element_type3A = arith.truncf %mul3A_13 : vector<256x1024xf32> to vector<256x1024xbf16>
    %get3A_14 = arith.constant 0 : index
    %get3A_15 = arith.constant 0 : index
    %get3A_16 = vector.load %arg3[%get3A_14, %get3A_15] : memref<512x1024xf32, #tpu.memory_space<vmem>>, vector<512x1024xf32>
    %convert_element_type3A_17 = arith.truncf %get3A_16 : vector<512x1024xf32> to vector<512x1024xbf16>
    %dot_general3A = arith.constant dense<0.000000e+00> : vector<256x512xf32>
    %dot_general3A_18 = tpu.matmul %convert_element_type3A, %convert_element_type3A_17, %dot_general3A {dimension_numbers = #tpu.dot_dimension_numbers<[1], [1], [0], [0], [0, 0, 1, 0], [], []>, transpose_lhs_hint = false} : vector<256x1024xbf16>, vector<512x1024xbf16>, vector<256x512xf32> -> vector<256x512xf32>
    %get3A_19 = arith.constant 0 : index
    %get3A_20 = arith.constant 0 : index
    %get3A_21 = vector.load %arg5[%get3A_19, %get3A_20] : memref<256x1024xf32, #tpu.memory_space<vmem>>, vector<256x1024xf32>
    %convert_element_type3A_22 = arith.truncf %get3A_21 : vector<256x1024xf32> to vector<256x1024xbf16>
    %dot_general3A_23 = arith.constant dense<0.000000e+00> : vector<256x256xf32>
    %dot_general3A_24 = tpu.matmul %convert_element_type3A, %convert_element_type3A_22, %dot_general3A_23 {dimension_numbers = #tpu.dot_dimension_numbers<[1], [1], [0], [0], [0, 0, 1, 0], [], []>, transpose_lhs_hint = false} : vector<256x1024xbf16>, vector<256x1024xbf16>, vector<256x256xf32> -> vector<256x256xf32>
    %get3A_25 = arith.constant 0 : index
    %get3A_26 = arith.constant 0 : index
    %get3A_27 = vector.load %arg4[%get3A_25, %get3A_26] : memref<1x512xf32, #tpu.memory_space<vmem>>, vector<1x512xf32>
    %mul3A_28 = arith.mulf %dot_general3A_18, %dot_general3A_18 : vector<256x512xf32>
    %reduce_sum3A_29 = arith.constant dense<0.000000e+00> : vector<256xf32>
    %reduce_sum3A_30 = vector.multi_reduction <add>, %mul3A_28, %reduce_sum3A_29 [1] : vector<256x512xf32> to vector<256xf32>
    %broadcast_in_dim3A_31 = vector.shape_cast %reduce_sum3A_30 : vector<256xf32> to vector<256x1xf32>
    %div3A_32 = arith.constant 5.120000e+02 : f32
    %div3A_33 = vector.broadcast %div3A_32 : f32 to vector<256x1xf32>
    %div3A_34 = arith.divf %broadcast_in_dim3A_31, %div3A_33 : vector<256x1xf32>
    %add3A_35 = arith.constant 9.99999997E-7 : f32
    %add3A_36 = vector.broadcast %add3A_35 : f32 to vector<256x1xf32>
    %add3A_37 = arith.addf %div3A_34, %add3A_36 : vector<256x1xf32>
    %rsqrt3A_38 = math.rsqrt %add3A_37 : vector<256x1xf32>
    %mul3A_39 = vector.broadcast %rsqrt3A_38 : vector<256x1xf32> to vector<256x512xf32>
    %mul3A_40 = arith.mulf %dot_general3A_18, %mul3A_39 : vector<256x512xf32>
    %mul3A_41 = vector.broadcast %get3A_27 : vector<1x512xf32> to vector<256x512xf32>
    %mul3A_42 = arith.mulf %mul3A_40, %mul3A_41 : vector<256x512xf32>
    %convert_element_type3A_43 = arith.truncf %mul3A_42 : vector<256x512xf32> to vector<256x512xbf16>
    %swap3A = arith.constant 0 : index
    %swap3A_44 = arith.constant 0 : index
    %swap3A_45 = vector.load %arg7[%swap3A, %swap3A_44] : memref<256x512xbf16, #tpu.memory_space<vmem>>, vector<256x512xbf16>
    tpu.vector_store %arg7[%swap3A, %swap3A_44], %convert_element_type3A_43 {strides = array<i32>} : memref<256x512xbf16, #tpu.memory_space<vmem>>, vector<256x512xbf16>,
    %get3A_46 = arith.constant 0 : index
    %get3A_47 = arith.constant 0 : index
    %get3A_48 = vector.load %arg6[%get3A_46, %get3A_47] : memref<1x256xf32, #tpu.memory_space<vmem>>, vector<1x256xf32>
    %mul3A_49 = arith.mulf %dot_general3A_24, %dot_general3A_24 : vector<256x256xf32>
    %reduce_sum3A_50 = arith.constant dense<0.000000e+00> : vector<256xf32>
    %reduce_sum3A_51 = vector.multi_reduction <add>, %mul3A_49, %reduce_sum3A_50 [1] : vector<256x256xf32> to vector<256xf32>
    %broadcast_in_dim3A_52 = vector.shape_cast %reduce_sum3A_51 : vector<256xf32> to vector<256x1xf32>
    %div3A_53 = arith.constant 2.560000e+02 : f32
    %div3A_54 = vector.broadcast %div3A_53 : f32 to vector<256x1xf32>
    %div3A_55 = arith.divf %broadcast_in_dim3A_52, %div3A_54 : vector<256x1xf32>
    %add3A_56 = arith.constant 9.99999997E-7 : f32
    %add3A_57 = vector.broadcast %add3A_56 : f32 to vector<256x1xf32>
    %add3A_58 = arith.addf %div3A_55, %add3A_57 : vector<256x1xf32>
    %rsqrt3A_59 = math.rsqrt %add3A_58 : vector<256x1xf32>
    %mul3A_60 = vector.broadcast %rsqrt3A_59 : vector<256x1xf32> to vector<256x256xf32>
    %mul3A_61 = arith.mulf %dot_general3A_24, %mul3A_60 : vector<256x256xf32>
    %mul3A_62 = vector.broadcast %get3A_48 : vector<1x256xf32> to vector<256x256xf32>
    %mul3A_63 = arith.mulf %mul3A_61, %mul3A_62 : vector<256x256xf32>
    %convert_element_type3A_64 = arith.truncf %mul3A_63 : vector<256x256xf32> to vector<256x256xbf16>
    %swap3A_65 = arith.constant 0 : index
    %swap3A_66 = arith.constant 0 : index
    %swap3A_67 = vector.load %arg8[%swap3A_65, %swap3A_66] : memref<256x256xbf16, #tpu.memory_space<vmem>>, vector<256x256xbf16>
    tpu.vector_store %arg8[%swap3A_65, %swap3A_66], %convert_element_type3A_64 {strides = array<i32>} : memref<256x256xbf16, #tpu.memory_space<vmem>>, vector<256x256xbf16>,
    return
  }
  func.func @transform_0(%arg0: i32) -> (i32, i32) {
    %c0_i32 = arith.constant 0 : i32
    %c0_i32_0 = arith.constant 0 : i32
    return %arg0, %c0_i32 : i32, i32
  }
  func.func @transform_1(%arg0: i32) -> (i32, i32) {
    %c0_i32 = arith.constant 0 : i32
    %c0_i32_0 = arith.constant 0 : i32
    %c0_i32_1 = arith.constant 0 : i32
    return %c0_i32, %c0_i32_0 : i32, i32
  }
  func.func @transform_2(%arg0: i32) -> (i32, i32) {
    %c0_i32 = arith.constant 0 : i32
    %c0_i32_0 = arith.constant 0 : i32
    %c0_i32_1 = arith.constant 0 : i32
    return %c0_i32, %c0_i32_0 : i32, i32
  }
  func.func @transform_3(%arg0: i32) -> (i32, i32) {
    %c0_i32 = arith.constant 0 : i32
    %c0_i32_0 = arith.constant 0 : i32
    %c0_i32_1 = arith.constant 0 : i32
    return %c0_i32, %c0_i32_0 : i32, i32
  }
  func.func @transform_4(%arg0: i32) -> (i32, i32) {
    %c0_i32 = arith.constant 0 : i32
    %c0_i32_0 = arith.constant 0 : i32
    %c0_i32_1 = arith.constant 0 : i32
    return %c0_i32, %c0_i32_0 : i32, i32
  }
  func.func @transform_5(%arg0: i32) -> (i32, i32) {
    %c0_i32 = arith.constant 0 : i32
    %c0_i32_0 = arith.constant 0 : i32
    %c0_i32_1 = arith.constant 0 : i32
    return %c0_i32, %c0_i32_0 : i32, i32
  }
  func.func @transform_6(%arg0: i32) -> (i32, i32) {
    %c0_i32 = arith.constant 0 : i32
    %c0_i32_0 = arith.constant 0 : i32
    return %arg0, %c0_i32 : i32, i32
  }
  func.func @transform_7(%arg0: i32) -> (i32, i32) {
    %c0_i32 = arith.constant 0 : i32
    %c0_i32_0 = arith.constant 0 : i32
    return %arg0, %c0_i32 : i32, i32
  }
}

module attributes {stable_mosaic.version = 14 : i64} {
  func.func @_k2_body(%arg0: i32, %arg1: i32, %arg2: memref<512x512xbf16, #tpu.memory_space<vmem>>, %arg3: memref<2048x256xbf16, #tpu.memory_space<vmem>>, %arg4: memref<8x192x512xf32, #tpu.memory_space<vmem>>, %arg5: memref<8x320x256xf32, #tpu.memory_space<vmem>>, %arg6: memref<2048x64xf32, #tpu.memory_space<vmem>>, %arg7: memref<2048x64xf32, #tpu.memory_space<vmem>>, %arg8: memref<64x64xbf16, #tpu.memory_space<vmem>>, %arg9: memref<512x1024xbf16, #tpu.memory_space<vmem>>, %arg10: memref<8x2048x192xbf16, #tpu.memory_space<vmem>>, %arg11: memref<8x2048x128xbf16, #tpu.memory_space<vmem>>) attributes {dimension_semantics = [#tpu.dimension_semantics<arbitrary>, #tpu.dimension_semantics<arbitrary>], iteration_bounds = array<i64: 2, 4>, scalar_prefetch = 0 : i64, scratch_operands = 2 : i64, tpu.core_type = #tpu.core_type<tc>, window_params = [{transform_indices = @transform_0, window_bounds = array<i64: 512, 512>}, {pipeline_mode = #tpu.pipeline_mode<synchronous>, transform_indices = @transform_1, window_bounds = array<i64: 2048, 256>}, {transform_indices = @transform_2, window_bounds = array<i64: 8, 192, 512>}, {transform_indices = @transform_3, window_bounds = array<i64: 8, 320, 256>}, {pipeline_mode = #tpu.pipeline_mode<synchronous>, transform_indices = @transform_4, window_bounds = array<i64: 2048, 64>}, {pipeline_mode = #tpu.pipeline_mode<synchronous>, transform_indices = @transform_5, window_bounds = array<i64: 2048, 64>}, {pipeline_mode = #tpu.pipeline_mode<synchronous>, transform_indices = @transform_6, window_bounds = array<i64: 64, 64>}, {transform_indices = @transform_7, window_bounds = array<i64: 512, 1024>}]} {
    %eq3A = arith.constant 0 : i32
    %eq3A_0 = arith.cmpi eq, %arg1, %eq3A : i32
    %convert_element_type3A = arith.extui %eq3A_0 : i1 to i32
    %cond3A = arith.constant 0 : i32
    %cond3A_1 = arith.cmpi ne, %convert_element_type3A, %cond3A : i32
    scf.if %cond3A_1 {
      %get3A_452 = arith.constant 0 : index
      %get3A_453 = arith.constant 0 : index
      %get3A_454 = vector.load %arg3[%get3A_452, %get3A_453] : memref<2048x256xbf16, #tpu.memory_space<vmem>>, vector<2048x256xbf16>
      %get3A_455 = arith.constant 0 : index
      %get3A_456 = arith.constant 0 : index
      %get3A_457 = arith.constant 0 : index
      %get3A_458 = vector.load %arg5[%get3A_455, %get3A_456, %get3A_457] : memref<8x320x256xf32, #tpu.memory_space<vmem>>, vector<1x192x256xf32>
      %get3A_459 = vector.shape_cast %get3A_458 : vector<1x192x256xf32> to vector<192x256xf32>
      %convert_element_type3A_460 = arith.truncf %get3A_459 : vector<192x256xf32> to vector<192x256xbf16>
      %dot_general3A_461 = arith.constant dense<0.000000e+00> : vector<2048x192xf32>
      %dot_general3A_462 = tpu.matmul %get3A_454, %convert_element_type3A_460, %dot_general3A_461 {dimension_numbers = #tpu.dot_dimension_numbers<[1], [1], [0], [0], [0, 0, 1, 0], [], []>, transpose_lhs_hint = false} : vector<2048x256xbf16>, vector<192x256xbf16>, vector<2048x192xf32> -> vector<2048x192xf32>
      %get3A_463 = arith.constant 0 : index
      %get3A_464 = arith.constant 192 : index
      %get3A_465 = arith.constant 0 : index
      %get3A_466 = vector.load %arg5[%get3A_463, %get3A_464, %get3A_465] : memref<8x320x256xf32, #tpu.memory_space<vmem>>, vector<1x128x256xf32>
      %get3A_467 = vector.shape_cast %get3A_466 : vector<1x128x256xf32> to vector<128x256xf32>
      %convert_element_type3A_468 = arith.truncf %get3A_467 : vector<128x256xf32> to vector<128x256xbf16>
      %dot_general3A_469 = arith.constant dense<0.000000e+00> : vector<2048x128xf32>
      %dot_general3A_470 = tpu.matmul %get3A_454, %convert_element_type3A_468, %dot_general3A_469 {dimension_numbers = #tpu.dot_dimension_numbers<[1], [1], [0], [0], [0, 0, 1, 0], [], []>, transpose_lhs_hint = false} : vector<2048x256xbf16>, vector<128x256xbf16>, vector<2048x128xf32> -> vector<2048x128xf32>
      %slice3A_471 = vector.extract_strided_slice %dot_general3A_462 {offsets = [0, 128], sizes = [2048, 64], strides = [1, 1]} : vector<2048x192xf32> to vector<2048x64xf32>
      %convert_element_type3A_472 = arith.truncf %slice3A_471 : vector<2048x64xf32> to vector<2048x64xbf16>
      %get3A_473 = arith.constant 0 : index
      %get3A_474 = arith.constant 0 : index
      %get3A_475 = vector.load %arg8[%get3A_473, %get3A_474] : memref<64x64xbf16, #tpu.memory_space<vmem>>, vector<64x64xbf16>
      %dot_general3A_476 = arith.constant dense<0.000000e+00> : vector<2048x64xf32>
      %dot_general3A_477 = tpu.matmul %convert_element_type3A_472, %get3A_475, %dot_general3A_476 {dimension_numbers = #tpu.dot_dimension_numbers<[1], [0], [0], [1], [0, 0, 1, 1], [], []>, transpose_lhs_hint = false} : vector<2048x64xbf16>, vector<64x64xbf16>, vector<2048x64xf32> -> vector<2048x64xf32>
      %get3A_478 = arith.constant 0 : index
      %get3A_479 = arith.constant 0 : index
      %get3A_480 = vector.load %arg6[%get3A_478, %get3A_479] : memref<2048x64xf32, #tpu.memory_space<vmem>>, vector<2048x64xf32>
      %mul3A_481 = arith.mulf %slice3A_471, %get3A_480 : vector<2048x64xf32>
      %get3A_482 = arith.constant 0 : index
      %get3A_483 = arith.constant 0 : index
      %get3A_484 = vector.load %arg7[%get3A_482, %get3A_483] : memref<2048x64xf32, #tpu.memory_space<vmem>>, vector<2048x64xf32>
      %mul3A_485 = arith.mulf %dot_general3A_477, %get3A_484 : vector<2048x64xf32>
      %add3A_486 = arith.addf %mul3A_481, %mul3A_485 : vector<2048x64xf32>
      %slice3A_487 = vector.extract_strided_slice %dot_general3A_462 {offsets = [0, 0], sizes = [2048, 128], strides = [1, 1]} : vector<2048x192xf32> to vector<2048x128xf32>
      %concatenate3A_488 = tpu.concatenate %slice3A_487, %add3A_486 in 1 : vector<2048x128xf32>, vector<2048x64xf32> -> vector<2048x192xf32>
      %convert_element_type3A_489 = arith.truncf %concatenate3A_488 : vector<2048x192xf32> to vector<2048x192xbf16>
      %swap3A_490 = arith.constant 0 : index
      %swap3A_491 = arith.constant 0 : index
      %swap3A_492 = arith.constant 0 : index
      %swap3A_493 = vector.load %arg10[%swap3A_490, %swap3A_491, %swap3A_492] : memref<8x2048x192xbf16, #tpu.memory_space<vmem>>, vector<1x2048x192xbf16>
      %swap3A_494 = vector.shape_cast %swap3A_493 : vector<1x2048x192xbf16> to vector<2048x192xbf16>
      %swap3A_495 = vector.shape_cast %convert_element_type3A_489 : vector<2048x192xbf16> to vector<1x2048x192xbf16>
      tpu.vector_store %arg10[%swap3A_490, %swap3A_491, %swap3A_492], %swap3A_495 {strides = array<i32>} : memref<8x2048x192xbf16, #tpu.memory_space<vmem>>, vector<1x2048x192xbf16>,
      %convert_element_type3A_496 = arith.truncf %dot_general3A_470 : vector<2048x128xf32> to vector<2048x128xbf16>
      %swap3A_497 = arith.constant 0 : index
      %swap3A_498 = arith.constant 0 : index
      %swap3A_499 = arith.constant 0 : index
      %swap3A_500 = vector.load %arg11[%swap3A_497, %swap3A_498, %swap3A_499] : memref<8x2048x128xbf16, #tpu.memory_space<vmem>>, vector<1x2048x128xbf16>
      %swap3A_501 = vector.shape_cast %swap3A_500 : vector<1x2048x128xbf16> to vector<2048x128xbf16>
      %swap3A_502 = vector.shape_cast %convert_element_type3A_496 : vector<2048x128xbf16> to vector<1x2048x128xbf16>
      tpu.vector_store %arg11[%swap3A_497, %swap3A_498, %swap3A_499], %swap3A_502 {strides = array<i32>} : memref<8x2048x128xbf16, #tpu.memory_space<vmem>>, vector<1x2048x128xbf16>,
      %get3A_503 = arith.constant 1 : index
      %get3A_504 = arith.constant 0 : index
      %get3A_505 = arith.constant 0 : index
      %get3A_506 = vector.load %arg5[%get3A_503, %get3A_504, %get3A_505] : memref<8x320x256xf32, #tpu.memory_space<vmem>>, vector<1x192x256xf32>
      %get3A_507 = vector.shape_cast %get3A_506 : vector<1x192x256xf32> to vector<192x256xf32>
      %convert_element_type3A_508 = arith.truncf %get3A_507 : vector<192x256xf32> to vector<192x256xbf16>
      %dot_general3A_509 = arith.constant dense<0.000000e+00> : vector<2048x192xf32>
      %dot_general3A_510 = tpu.matmul %get3A_454, %convert_element_type3A_508, %dot_general3A_509 {dimension_numbers = #tpu.dot_dimension_numbers<[1], [1], [0], [0], [0, 0, 1, 0], [], []>, transpose_lhs_hint = false} : vector<2048x256xbf16>, vector<192x256xbf16>, vector<2048x192xf32> -> vector<2048x192xf32>
      %get3A_511 = arith.constant 1 : index
      %get3A_512 = arith.constant 192 : index
      %get3A_513 = arith.constant 0 : index
      %get3A_514 = vector.load %arg5[%get3A_511, %get3A_512, %get3A_513] : memref<8x320x256xf32, #tpu.memory_space<vmem>>, vector<1x128x256xf32>
      %get3A_515 = vector.shape_cast %get3A_514 : vector<1x128x256xf32> to vector<128x256xf32>
      %convert_element_type3A_516 = arith.truncf %get3A_515 : vector<128x256xf32> to vector<128x256xbf16>
      %dot_general3A_517 = arith.constant dense<0.000000e+00> : vector<2048x128xf32>
      %dot_general3A_518 = tpu.matmul %get3A_454, %convert_element_type3A_516, %dot_general3A_517 {dimension_numbers = #tpu.dot_dimension_numbers<[1], [1], [0], [0], [0, 0, 1, 0], [], []>, transpose_lhs_hint = false} : vector<2048x256xbf16>, vector<128x256xbf16>, vector<2048x128xf32> -> vector<2048x128xf32>
      %slice3A_519 = vector.extract_strided_slice %dot_general3A_510 {offsets = [0, 128], sizes = [2048, 64], strides = [1, 1]} : vector<2048x192xf32> to vector<2048x64xf32>
      %convert_element_type3A_520 = arith.truncf %slice3A_519 : vector<2048x64xf32> to vector<2048x64xbf16>
      %get3A_521 = arith.constant 0 : index
      %get3A_522 = arith.constant 0 : index
      %get3A_523 = vector.load %arg8[%get3A_521, %get3A_522] : memref<64x64xbf16, #tpu.memory_space<vmem>>, vector<64x64xbf16>
      %dot_general3A_524 = arith.constant dense<0.000000e+00> : vector<2048x64xf32>
      %dot_general3A_525 = tpu.matmul %convert_element_type3A_520, %get3A_523, %dot_general3A_524 {dimension_numbers = #tpu.dot_dimension_numbers<[1], [0], [0], [1], [0, 0, 1, 1], [], []>, transpose_lhs_hint = false} : vector<2048x64xbf16>, vector<64x64xbf16>, vector<2048x64xf32> -> vector<2048x64xf32>
      %get3A_526 = arith.constant 0 : index
      %get3A_527 = arith.constant 0 : index
      %get3A_528 = vector.load %arg6[%get3A_526, %get3A_527] : memref<2048x64xf32, #tpu.memory_space<vmem>>, vector<2048x64xf32>
      %mul3A_529 = arith.mulf %slice3A_519, %get3A_528 : vector<2048x64xf32>
      %get3A_530 = arith.constant 0 : index
      %get3A_531 = arith.constant 0 : index
      %get3A_532 = vector.load %arg7[%get3A_530, %get3A_531] : memref<2048x64xf32, #tpu.memory_space<vmem>>, vector<2048x64xf32>
      %mul3A_533 = arith.mulf %dot_general3A_525, %get3A_532 : vector<2048x64xf32>
      %add3A_534 = arith.addf %mul3A_529, %mul3A_533 : vector<2048x64xf32>
      %slice3A_535 = vector.extract_strided_slice %dot_general3A_510 {offsets = [0, 0], sizes = [2048, 128], strides = [1, 1]} : vector<2048x192xf32> to vector<2048x128xf32>
      %concatenate3A_536 = tpu.concatenate %slice3A_535, %add3A_534 in 1 : vector<2048x128xf32>, vector<2048x64xf32> -> vector<2048x192xf32>
      %convert_element_type3A_537 = arith.truncf %concatenate3A_536 : vector<2048x192xf32> to vector<2048x192xbf16>
      %swap3A_538 = arith.constant 1 : index
      %swap3A_539 = arith.constant 0 : index
      %swap3A_540 = arith.constant 0 : index
      %swap3A_541 = vector.load %arg10[%swap3A_538, %swap3A_539, %swap3A_540] : memref<8x2048x192xbf16, #tpu.memory_space<vmem>>, vector<1x2048x192xbf16>
      %swap3A_542 = vector.shape_cast %swap3A_541 : vector<1x2048x192xbf16> to vector<2048x192xbf16>
      %swap3A_543 = vector.shape_cast %convert_element_type3A_537 : vector<2048x192xbf16> to vector<1x2048x192xbf16>
      tpu.vector_store %arg10[%swap3A_538, %swap3A_539, %swap3A_540], %swap3A_543 {strides = array<i32>} : memref<8x2048x192xbf16, #tpu.memory_space<vmem>>, vector<1x2048x192xbf16>,
      %convert_element_type3A_544 = arith.truncf %dot_general3A_518 : vector<2048x128xf32> to vector<2048x128xbf16>
      %swap3A_545 = arith.constant 1 : index
      %swap3A_546 = arith.constant 0 : index
      %swap3A_547 = arith.constant 0 : index
      %swap3A_548 = vector.load %arg11[%swap3A_545, %swap3A_546, %swap3A_547] : memref<8x2048x128xbf16, #tpu.memory_space<vmem>>, vector<1x2048x128xbf16>
      %swap3A_549 = vector.shape_cast %swap3A_548 : vector<1x2048x128xbf16> to vector<2048x128xbf16>
      %swap3A_550 = vector.shape_cast %convert_element_type3A_544 : vector<2048x128xbf16> to vector<1x2048x128xbf16>
      tpu.vector_store %arg11[%swap3A_545, %swap3A_546, %swap3A_547], %swap3A_550 {strides = array<i32>} : memref<8x2048x128xbf16, #tpu.memory_space<vmem>>, vector<1x2048x128xbf16>,
      %get3A_551 = arith.constant 2 : index
      %get3A_552 = arith.constant 0 : index
      %get3A_553 = arith.constant 0 : index
      %get3A_554 = vector.load %arg5[%get3A_551, %get3A_552, %get3A_553] : memref<8x320x256xf32, #tpu.memory_space<vmem>>, vector<1x192x256xf32>
      %get3A_555 = vector.shape_cast %get3A_554 : vector<1x192x256xf32> to vector<192x256xf32>
      %convert_element_type3A_556 = arith.truncf %get3A_555 : vector<192x256xf32> to vector<192x256xbf16>
      %dot_general3A_557 = arith.constant dense<0.000000e+00> : vector<2048x192xf32>
      %dot_general3A_558 = tpu.matmul %get3A_454, %convert_element_type3A_556, %dot_general3A_557 {dimension_numbers = #tpu.dot_dimension_numbers<[1], [1], [0], [0], [0, 0, 1, 0], [], []>, transpose_lhs_hint = false} : vector<2048x256xbf16>, vector<192x256xbf16>, vector<2048x192xf32> -> vector<2048x192xf32>
      %get3A_559 = arith.constant 2 : index
      %get3A_560 = arith.constant 192 : index
      %get3A_561 = arith.constant 0 : index
      %get3A_562 = vector.load %arg5[%get3A_559, %get3A_560, %get3A_561] : memref<8x320x256xf32, #tpu.memory_space<vmem>>, vector<1x128x256xf32>
      %get3A_563 = vector.shape_cast %get3A_562 : vector<1x128x256xf32> to vector<128x256xf32>
      %convert_element_type3A_564 = arith.truncf %get3A_563 : vector<128x256xf32> to vector<128x256xbf16>
      %dot_general3A_565 = arith.constant dense<0.000000e+00> : vector<2048x128xf32>
      %dot_general3A_566 = tpu.matmul %get3A_454, %convert_element_type3A_564, %dot_general3A_565 {dimension_numbers = #tpu.dot_dimension_numbers<[1], [1], [0], [0], [0, 0, 1, 0], [], []>, transpose_lhs_hint = false} : vector<2048x256xbf16>, vector<128x256xbf16>, vector<2048x128xf32> -> vector<2048x128xf32>
      %slice3A_567 = vector.extract_strided_slice %dot_general3A_558 {offsets = [0, 128], sizes = [2048, 64], strides = [1, 1]} : vector<2048x192xf32> to vector<2048x64xf32>
      %convert_element_type3A_568 = arith.truncf %slice3A_567 : vector<2048x64xf32> to vector<2048x64xbf16>
      %get3A_569 = arith.constant 0 : index
      %get3A_570 = arith.constant 0 : index
      %get3A_571 = vector.load %arg8[%get3A_569, %get3A_570] : memref<64x64xbf16, #tpu.memory_space<vmem>>, vector<64x64xbf16>
      %dot_general3A_572 = arith.constant dense<0.000000e+00> : vector<2048x64xf32>
      %dot_general3A_573 = tpu.matmul %convert_element_type3A_568, %get3A_571, %dot_general3A_572 {dimension_numbers = #tpu.dot_dimension_numbers<[1], [0], [0], [1], [0, 0, 1, 1], [], []>, transpose_lhs_hint = false} : vector<2048x64xbf16>, vector<64x64xbf16>, vector<2048x64xf32> -> vector<2048x64xf32>
      %get3A_574 = arith.constant 0 : index
      %get3A_575 = arith.constant 0 : index
      %get3A_576 = vector.load %arg6[%get3A_574, %get3A_575] : memref<2048x64xf32, #tpu.memory_space<vmem>>, vector<2048x64xf32>
      %mul3A_577 = arith.mulf %slice3A_567, %get3A_576 : vector<2048x64xf32>
      %get3A_578 = arith.constant 0 : index
      %get3A_579 = arith.constant 0 : index
      %get3A_580 = vector.load %arg7[%get3A_578, %get3A_579] : memref<2048x64xf32, #tpu.memory_space<vmem>>, vector<2048x64xf32>
      %mul3A_581 = arith.mulf %dot_general3A_573, %get3A_580 : vector<2048x64xf32>
      %add3A_582 = arith.addf %mul3A_577, %mul3A_581 : vector<2048x64xf32>
      %slice3A_583 = vector.extract_strided_slice %dot_general3A_558 {offsets = [0, 0], sizes = [2048, 128], strides = [1, 1]} : vector<2048x192xf32> to vector<2048x128xf32>
      %concatenate3A_584 = tpu.concatenate %slice3A_583, %add3A_582 in 1 : vector<2048x128xf32>, vector<2048x64xf32> -> vector<2048x192xf32>
      %convert_element_type3A_585 = arith.truncf %concatenate3A_584 : vector<2048x192xf32> to vector<2048x192xbf16>
      %swap3A_586 = arith.constant 2 : index
      %swap3A_587 = arith.constant 0 : index
      %swap3A_588 = arith.constant 0 : index
      %swap3A_589 = vector.load %arg10[%swap3A_586, %swap3A_587, %swap3A_588] : memref<8x2048x192xbf16, #tpu.memory_space<vmem>>, vector<1x2048x192xbf16>
      %swap3A_590 = vector.shape_cast %swap3A_589 : vector<1x2048x192xbf16> to vector<2048x192xbf16>
      %swap3A_591 = vector.shape_cast %convert_element_type3A_585 : vector<2048x192xbf16> to vector<1x2048x192xbf16>
      tpu.vector_store %arg10[%swap3A_586, %swap3A_587, %swap3A_588], %swap3A_591 {strides = array<i32>} : memref<8x2048x192xbf16, #tpu.memory_space<vmem>>, vector<1x2048x192xbf16>,
      %convert_element_type3A_592 = arith.truncf %dot_general3A_566 : vector<2048x128xf32> to vector<2048x128xbf16>
      %swap3A_593 = arith.constant 2 : index
      %swap3A_594 = arith.constant 0 : index
      %swap3A_595 = arith.constant 0 : index
      %swap3A_596 = vector.load %arg11[%swap3A_593, %swap3A_594, %swap3A_595] : memref<8x2048x128xbf16, #tpu.memory_space<vmem>>, vector<1x2048x128xbf16>
      %swap3A_597 = vector.shape_cast %swap3A_596 : vector<1x2048x128xbf16> to vector<2048x128xbf16>
      %swap3A_598 = vector.shape_cast %convert_element_type3A_592 : vector<2048x128xbf16> to vector<1x2048x128xbf16>
      tpu.vector_store %arg11[%swap3A_593, %swap3A_594, %swap3A_595], %swap3A_598 {strides = array<i32>} : memref<8x2048x128xbf16, #tpu.memory_space<vmem>>, vector<1x2048x128xbf16>,
      %get3A_599 = arith.constant 3 : index
      %get3A_600 = arith.constant 0 : index
      %get3A_601 = arith.constant 0 : index
      %get3A_602 = vector.load %arg5[%get3A_599, %get3A_600, %get3A_601] : memref<8x320x256xf32, #tpu.memory_space<vmem>>, vector<1x192x256xf32>
      %get3A_603 = vector.shape_cast %get3A_602 : vector<1x192x256xf32> to vector<192x256xf32>
      %convert_element_type3A_604 = arith.truncf %get3A_603 : vector<192x256xf32> to vector<192x256xbf16>
      %dot_general3A_605 = arith.constant dense<0.000000e+00> : vector<2048x192xf32>
      %dot_general3A_606 = tpu.matmul %get3A_454, %convert_element_type3A_604, %dot_general3A_605 {dimension_numbers = #tpu.dot_dimension_numbers<[1], [1], [0], [0], [0, 0, 1, 0], [], []>, transpose_lhs_hint = false} : vector<2048x256xbf16>, vector<192x256xbf16>, vector<2048x192xf32> -> vector<2048x192xf32>
      %get3A_607 = arith.constant 3 : index
      %get3A_608 = arith.constant 192 : index
      %get3A_609 = arith.constant 0 : index
      %get3A_610 = vector.load %arg5[%get3A_607, %get3A_608, %get3A_609] : memref<8x320x256xf32, #tpu.memory_space<vmem>>, vector<1x128x256xf32>
      %get3A_611 = vector.shape_cast %get3A_610 : vector<1x128x256xf32> to vector<128x256xf32>
      %convert_element_type3A_612 = arith.truncf %get3A_611 : vector<128x256xf32> to vector<128x256xbf16>
      %dot_general3A_613 = arith.constant dense<0.000000e+00> : vector<2048x128xf32>
      %dot_general3A_614 = tpu.matmul %get3A_454, %convert_element_type3A_612, %dot_general3A_613 {dimension_numbers = #tpu.dot_dimension_numbers<[1], [1], [0], [0], [0, 0, 1, 0], [], []>, transpose_lhs_hint = false} : vector<2048x256xbf16>, vector<128x256xbf16>, vector<2048x128xf32> -> vector<2048x128xf32>
      %slice3A_615 = vector.extract_strided_slice %dot_general3A_606 {offsets = [0, 128], sizes = [2048, 64], strides = [1, 1]} : vector<2048x192xf32> to vector<2048x64xf32>
      %convert_element_type3A_616 = arith.truncf %slice3A_615 : vector<2048x64xf32> to vector<2048x64xbf16>
      %get3A_617 = arith.constant 0 : index
      %get3A_618 = arith.constant 0 : index
      %get3A_619 = vector.load %arg8[%get3A_617, %get3A_618] : memref<64x64xbf16, #tpu.memory_space<vmem>>, vector<64x64xbf16>
      %dot_general3A_620 = arith.constant dense<0.000000e+00> : vector<2048x64xf32>
      %dot_general3A_621 = tpu.matmul %convert_element_type3A_616, %get3A_619, %dot_general3A_620 {dimension_numbers = #tpu.dot_dimension_numbers<[1], [0], [0], [1], [0, 0, 1, 1], [], []>, transpose_lhs_hint = false} : vector<2048x64xbf16>, vector<64x64xbf16>, vector<2048x64xf32> -> vector<2048x64xf32>
      %get3A_622 = arith.constant 0 : index
      %get3A_623 = arith.constant 0 : index
      %get3A_624 = vector.load %arg6[%get3A_622, %get3A_623] : memref<2048x64xf32, #tpu.memory_space<vmem>>, vector<2048x64xf32>
      %mul3A_625 = arith.mulf %slice3A_615, %get3A_624 : vector<2048x64xf32>
      %get3A_626 = arith.constant 0 : index
      %get3A_627 = arith.constant 0 : index
      %get3A_628 = vector.load %arg7[%get3A_626, %get3A_627] : memref<2048x64xf32, #tpu.memory_space<vmem>>, vector<2048x64xf32>
      %mul3A_629 = arith.mulf %dot_general3A_621, %get3A_628 : vector<2048x64xf32>
      %add3A_630 = arith.addf %mul3A_625, %mul3A_629 : vector<2048x64xf32>
      %slice3A_631 = vector.extract_strided_slice %dot_general3A_606 {offsets = [0, 0], sizes = [2048, 128], strides = [1, 1]} : vector<2048x192xf32> to vector<2048x128xf32>
      %concatenate3A_632 = tpu.concatenate %slice3A_631, %add3A_630 in 1 : vector<2048x128xf32>, vector<2048x64xf32> -> vector<2048x192xf32>
      %convert_element_type3A_633 = arith.truncf %concatenate3A_632 : vector<2048x192xf32> to vector<2048x192xbf16>
      %swap3A_634 = arith.constant 3 : index
      %swap3A_635 = arith.constant 0 : index
      %swap3A_636 = arith.constant 0 : index
      %swap3A_637 = vector.load %arg10[%swap3A_634, %swap3A_635, %swap3A_636] : memref<8x2048x192xbf16, #tpu.memory_space<vmem>>, vector<1x2048x192xbf16>
      %swap3A_638 = vector.shape_cast %swap3A_637 : vector<1x2048x192xbf16> to vector<2048x192xbf16>
      %swap3A_639 = vector.shape_cast %convert_element_type3A_633 : vector<2048x192xbf16> to vector<1x2048x192xbf16>
      tpu.vector_store %arg10[%swap3A_634, %swap3A_635, %swap3A_636], %swap3A_639 {strides = array<i32>} : memref<8x2048x192xbf16, #tpu.memory_space<vmem>>, vector<1x2048x192xbf16>,
      %convert_element_type3A_640 = arith.truncf %dot_general3A_614 : vector<2048x128xf32> to vector<2048x128xbf16>
      %swap3A_641 = arith.constant 3 : index
      %swap3A_642 = arith.constant 0 : index
      %swap3A_643 = arith.constant 0 : index
      %swap3A_644 = vector.load %arg11[%swap3A_641, %swap3A_642, %swap3A_643] : memref<8x2048x128xbf16, #tpu.memory_space<vmem>>, vector<1x2048x128xbf16>
      %swap3A_645 = vector.shape_cast %swap3A_644 : vector<1x2048x128xbf16> to vector<2048x128xbf16>
      %swap3A_646 = vector.shape_cast %convert_element_type3A_640 : vector<2048x128xbf16> to vector<1x2048x128xbf16>
      tpu.vector_store %arg11[%swap3A_641, %swap3A_642, %swap3A_643], %swap3A_646 {strides = array<i32>} : memref<8x2048x128xbf16, #tpu.memory_space<vmem>>, vector<1x2048x128xbf16>,
      %get3A_647 = arith.constant 4 : index
      %get3A_648 = arith.constant 0 : index
      %get3A_649 = arith.constant 0 : index
      %get3A_650 = vector.load %arg5[%get3A_647, %get3A_648, %get3A_649] : memref<8x320x256xf32, #tpu.memory_space<vmem>>, vector<1x192x256xf32>
      %get3A_651 = vector.shape_cast %get3A_650 : vector<1x192x256xf32> to vector<192x256xf32>
      %convert_element_type3A_652 = arith.truncf %get3A_651 : vector<192x256xf32> to vector<192x256xbf16>
      %dot_general3A_653 = arith.constant dense<0.000000e+00> : vector<2048x192xf32>
      %dot_general3A_654 = tpu.matmul %get3A_454, %convert_element_type3A_652, %dot_general3A_653 {dimension_numbers = #tpu.dot_dimension_numbers<[1], [1], [0], [0], [0, 0, 1, 0], [], []>, transpose_lhs_hint = false} : vector<2048x256xbf16>, vector<192x256xbf16>, vector<2048x192xf32> -> vector<2048x192xf32>
      %get3A_655 = arith.constant 4 : index
      %get3A_656 = arith.constant 192 : index
      %get3A_657 = arith.constant 0 : index
      %get3A_658 = vector.load %arg5[%get3A_655, %get3A_656, %get3A_657] : memref<8x320x256xf32, #tpu.memory_space<vmem>>, vector<1x128x256xf32>
      %get3A_659 = vector.shape_cast %get3A_658 : vector<1x128x256xf32> to vector<128x256xf32>
      %convert_element_type3A_660 = arith.truncf %get3A_659 : vector<128x256xf32> to vector<128x256xbf16>
      %dot_general3A_661 = arith.constant dense<0.000000e+00> : vector<2048x128xf32>
      %dot_general3A_662 = tpu.matmul %get3A_454, %convert_element_type3A_660, %dot_general3A_661 {dimension_numbers = #tpu.dot_dimension_numbers<[1], [1], [0], [0], [0, 0, 1, 0], [], []>, transpose_lhs_hint = false} : vector<2048x256xbf16>, vector<128x256xbf16>, vector<2048x128xf32> -> vector<2048x128xf32>
      %slice3A_663 = vector.extract_strided_slice %dot_general3A_654 {offsets = [0, 128], sizes = [2048, 64], strides = [1, 1]} : vector<2048x192xf32> to vector<2048x64xf32>
      %convert_element_type3A_664 = arith.truncf %slice3A_663 : vector<2048x64xf32> to vector<2048x64xbf16>
      %get3A_665 = arith.constant 0 : index
      %get3A_666 = arith.constant 0 : index
      %get3A_667 = vector.load %arg8[%get3A_665, %get3A_666] : memref<64x64xbf16, #tpu.memory_space<vmem>>, vector<64x64xbf16>
      %dot_general3A_668 = arith.constant dense<0.000000e+00> : vector<2048x64xf32>
      %dot_general3A_669 = tpu.matmul %convert_element_type3A_664, %get3A_667, %dot_general3A_668 {dimension_numbers = #tpu.dot_dimension_numbers<[1], [0], [0], [1], [0, 0, 1, 1], [], []>, transpose_lhs_hint = false} : vector<2048x64xbf16>, vector<64x64xbf16>, vector<2048x64xf32> -> vector<2048x64xf32>
      %get3A_670 = arith.constant 0 : index
      %get3A_671 = arith.constant 0 : index
      %get3A_672 = vector.load %arg6[%get3A_670, %get3A_671] : memref<2048x64xf32, #tpu.memory_space<vmem>>, vector<2048x64xf32>
      %mul3A_673 = arith.mulf %slice3A_663, %get3A_672 : vector<2048x64xf32>
      %get3A_674 = arith.constant 0 : index
      %get3A_675 = arith.constant 0 : index
      %get3A_676 = vector.load %arg7[%get3A_674, %get3A_675] : memref<2048x64xf32, #tpu.memory_space<vmem>>, vector<2048x64xf32>
      %mul3A_677 = arith.mulf %dot_general3A_669, %get3A_676 : vector<2048x64xf32>
      %add3A_678 = arith.addf %mul3A_673, %mul3A_677 : vector<2048x64xf32>
      %slice3A_679 = vector.extract_strided_slice %dot_general3A_654 {offsets = [0, 0], sizes = [2048, 128], strides = [1, 1]} : vector<2048x192xf32> to vector<2048x128xf32>
      %concatenate3A_680 = tpu.concatenate %slice3A_679, %add3A_678 in 1 : vector<2048x128xf32>, vector<2048x64xf32> -> vector<2048x192xf32>
      %convert_element_type3A_681 = arith.truncf %concatenate3A_680 : vector<2048x192xf32> to vector<2048x192xbf16>
      %swap3A_682 = arith.constant 4 : index
      %swap3A_683 = arith.constant 0 : index
      %swap3A_684 = arith.constant 0 : index
      %swap3A_685 = vector.load %arg10[%swap3A_682, %swap3A_683, %swap3A_684] : memref<8x2048x192xbf16, #tpu.memory_space<vmem>>, vector<1x2048x192xbf16>
      %swap3A_686 = vector.shape_cast %swap3A_685 : vector<1x2048x192xbf16> to vector<2048x192xbf16>
      %swap3A_687 = vector.shape_cast %convert_element_type3A_681 : vector<2048x192xbf16> to vector<1x2048x192xbf16>
      tpu.vector_store %arg10[%swap3A_682, %swap3A_683, %swap3A_684], %swap3A_687 {strides = array<i32>} : memref<8x2048x192xbf16, #tpu.memory_space<vmem>>, vector<1x2048x192xbf16>,
      %convert_element_type3A_688 = arith.truncf %dot_general3A_662 : vector<2048x128xf32> to vector<2048x128xbf16>
      %swap3A_689 = arith.constant 4 : index
      %swap3A_690 = arith.constant 0 : index
      %swap3A_691 = arith.constant 0 : index
      %swap3A_692 = vector.load %arg11[%swap3A_689, %swap3A_690, %swap3A_691] : memref<8x2048x128xbf16, #tpu.memory_space<vmem>>, vector<1x2048x128xbf16>
      %swap3A_693 = vector.shape_cast %swap3A_692 : vector<1x2048x128xbf16> to vector<2048x128xbf16>
      %swap3A_694 = vector.shape_cast %convert_element_type3A_688 : vector<2048x128xbf16> to vector<1x2048x128xbf16>
      tpu.vector_store %arg11[%swap3A_689, %swap3A_690, %swap3A_691], %swap3A_694 {strides = array<i32>} : memref<8x2048x128xbf16, #tpu.memory_space<vmem>>, vector<1x2048x128xbf16>,
      %get3A_695 = arith.constant 5 : index
      %get3A_696 = arith.constant 0 : index
      %get3A_697 = arith.constant 0 : index
      %get3A_698 = vector.load %arg5[%get3A_695, %get3A_696, %get3A_697] : memref<8x320x256xf32, #tpu.memory_space<vmem>>, vector<1x192x256xf32>
      %get3A_699 = vector.shape_cast %get3A_698 : vector<1x192x256xf32> to vector<192x256xf32>
      %convert_element_type3A_700 = arith.truncf %get3A_699 : vector<192x256xf32> to vector<192x256xbf16>
      %dot_general3A_701 = arith.constant dense<0.000000e+00> : vector<2048x192xf32>
      %dot_general3A_702 = tpu.matmul %get3A_454, %convert_element_type3A_700, %dot_general3A_701 {dimension_numbers = #tpu.dot_dimension_numbers<[1], [1], [0], [0], [0, 0, 1, 0], [], []>, transpose_lhs_hint = false} : vector<2048x256xbf16>, vector<192x256xbf16>, vector<2048x192xf32> -> vector<2048x192xf32>
      %get3A_703 = arith.constant 5 : index
      %get3A_704 = arith.constant 192 : index
      %get3A_705 = arith.constant 0 : index
      %get3A_706 = vector.load %arg5[%get3A_703, %get3A_704, %get3A_705] : memref<8x320x256xf32, #tpu.memory_space<vmem>>, vector<1x128x256xf32>
      %get3A_707 = vector.shape_cast %get3A_706 : vector<1x128x256xf32> to vector<128x256xf32>
      %convert_element_type3A_708 = arith.truncf %get3A_707 : vector<128x256xf32> to vector<128x256xbf16>
      %dot_general3A_709 = arith.constant dense<0.000000e+00> : vector<2048x128xf32>
      %dot_general3A_710 = tpu.matmul %get3A_454, %convert_element_type3A_708, %dot_general3A_709 {dimension_numbers = #tpu.dot_dimension_numbers<[1], [1], [0], [0], [0, 0, 1, 0], [], []>, transpose_lhs_hint = false} : vector<2048x256xbf16>, vector<128x256xbf16>, vector<2048x128xf32> -> vector<2048x128xf32>
      %slice3A_711 = vector.extract_strided_slice %dot_general3A_702 {offsets = [0, 128], sizes = [2048, 64], strides = [1, 1]} : vector<2048x192xf32> to vector<2048x64xf32>
      %convert_element_type3A_712 = arith.truncf %slice3A_711 : vector<2048x64xf32> to vector<2048x64xbf16>
      %get3A_713 = arith.constant 0 : index
      %get3A_714 = arith.constant 0 : index
      %get3A_715 = vector.load %arg8[%get3A_713, %get3A_714] : memref<64x64xbf16, #tpu.memory_space<vmem>>, vector<64x64xbf16>
      %dot_general3A_716 = arith.constant dense<0.000000e+00> : vector<2048x64xf32>
      %dot_general3A_717 = tpu.matmul %convert_element_type3A_712, %get3A_715, %dot_general3A_716 {dimension_numbers = #tpu.dot_dimension_numbers<[1], [0], [0], [1], [0, 0, 1, 1], [], []>, transpose_lhs_hint = false} : vector<2048x64xbf16>, vector<64x64xbf16>, vector<2048x64xf32> -> vector<2048x64xf32>
      %get3A_718 = arith.constant 0 : index
      %get3A_719 = arith.constant 0 : index
      %get3A_720 = vector.load %arg6[%get3A_718, %get3A_719] : memref<2048x64xf32, #tpu.memory_space<vmem>>, vector<2048x64xf32>
      %mul3A_721 = arith.mulf %slice3A_711, %get3A_720 : vector<2048x64xf32>
      %get3A_722 = arith.constant 0 : index
      %get3A_723 = arith.constant 0 : index
      %get3A_724 = vector.load %arg7[%get3A_722, %get3A_723] : memref<2048x64xf32, #tpu.memory_space<vmem>>, vector<2048x64xf32>
      %mul3A_725 = arith.mulf %dot_general3A_717, %get3A_724 : vector<2048x64xf32>
      %add3A_726 = arith.addf %mul3A_721, %mul3A_725 : vector<2048x64xf32>
      %slice3A_727 = vector.extract_strided_slice %dot_general3A_702 {offsets = [0, 0], sizes = [2048, 128], strides = [1, 1]} : vector<2048x192xf32> to vector<2048x128xf32>
      %concatenate3A_728 = tpu.concatenate %slice3A_727, %add3A_726 in 1 : vector<2048x128xf32>, vector<2048x64xf32> -> vector<2048x192xf32>
      %convert_element_type3A_729 = arith.truncf %concatenate3A_728 : vector<2048x192xf32> to vector<2048x192xbf16>
      %swap3A_730 = arith.constant 5 : index
      %swap3A_731 = arith.constant 0 : index
      %swap3A_732 = arith.constant 0 : index
      %swap3A_733 = vector.load %arg10[%swap3A_730, %swap3A_731, %swap3A_732] : memref<8x2048x192xbf16, #tpu.memory_space<vmem>>, vector<1x2048x192xbf16>
      %swap3A_734 = vector.shape_cast %swap3A_733 : vector<1x2048x192xbf16> to vector<2048x192xbf16>
      %swap3A_735 = vector.shape_cast %convert_element_type3A_729 : vector<2048x192xbf16> to vector<1x2048x192xbf16>
      tpu.vector_store %arg10[%swap3A_730, %swap3A_731, %swap3A_732], %swap3A_735 {strides = array<i32>} : memref<8x2048x192xbf16, #tpu.memory_space<vmem>>, vector<1x2048x192xbf16>,
      %convert_element_type3A_736 = arith.truncf %dot_general3A_710 : vector<2048x128xf32> to vector<2048x128xbf16>
      %swap3A_737 = arith.constant 5 : index
      %swap3A_738 = arith.constant 0 : index
      %swap3A_739 = arith.constant 0 : index
      %swap3A_740 = vector.load %arg11[%swap3A_737, %swap3A_738, %swap3A_739] : memref<8x2048x128xbf16, #tpu.memory_space<vmem>>, vector<1x2048x128xbf16>
      %swap3A_741 = vector.shape_cast %swap3A_740 : vector<1x2048x128xbf16> to vector<2048x128xbf16>
      %swap3A_742 = vector.shape_cast %convert_element_type3A_736 : vector<2048x128xbf16> to vector<1x2048x128xbf16>
      tpu.vector_store %arg11[%swap3A_737, %swap3A_738, %swap3A_739], %swap3A_742 {strides = array<i32>} : memref<8x2048x128xbf16, #tpu.memory_space<vmem>>, vector<1x2048x128xbf16>,
      %get3A_743 = arith.constant 6 : index
      %get3A_744 = arith.constant 0 : index
      %get3A_745 = arith.constant 0 : index
      %get3A_746 = vector.load %arg5[%get3A_743, %get3A_744, %get3A_745] : memref<8x320x256xf32, #tpu.memory_space<vmem>>, vector<1x192x256xf32>
      %get3A_747 = vector.shape_cast %get3A_746 : vector<1x192x256xf32> to vector<192x256xf32>
      %convert_element_type3A_748 = arith.truncf %get3A_747 : vector<192x256xf32> to vector<192x256xbf16>
      %dot_general3A_749 = arith.constant dense<0.000000e+00> : vector<2048x192xf32>
      %dot_general3A_750 = tpu.matmul %get3A_454, %convert_element_type3A_748, %dot_general3A_749 {dimension_numbers = #tpu.dot_dimension_numbers<[1], [1], [0], [0], [0, 0, 1, 0], [], []>, transpose_lhs_hint = false} : vector<2048x256xbf16>, vector<192x256xbf16>, vector<2048x192xf32> -> vector<2048x192xf32>
      %get3A_751 = arith.constant 6 : index
      %get3A_752 = arith.constant 192 : index
      %get3A_753 = arith.constant 0 : index
      %get3A_754 = vector.load %arg5[%get3A_751, %get3A_752, %get3A_753] : memref<8x320x256xf32, #tpu.memory_space<vmem>>, vector<1x128x256xf32>
      %get3A_755 = vector.shape_cast %get3A_754 : vector<1x128x256xf32> to vector<128x256xf32>
      %convert_element_type3A_756 = arith.truncf %get3A_755 : vector<128x256xf32> to vector<128x256xbf16>
      %dot_general3A_757 = arith.constant dense<0.000000e+00> : vector<2048x128xf32>
      %dot_general3A_758 = tpu.matmul %get3A_454, %convert_element_type3A_756, %dot_general3A_757 {dimension_numbers = #tpu.dot_dimension_numbers<[1], [1], [0], [0], [0, 0, 1, 0], [], []>, transpose_lhs_hint = false} : vector<2048x256xbf16>, vector<128x256xbf16>, vector<2048x128xf32> -> vector<2048x128xf32>
      %slice3A_759 = vector.extract_strided_slice %dot_general3A_750 {offsets = [0, 128], sizes = [2048, 64], strides = [1, 1]} : vector<2048x192xf32> to vector<2048x64xf32>
      %convert_element_type3A_760 = arith.truncf %slice3A_759 : vector<2048x64xf32> to vector<2048x64xbf16>
      %get3A_761 = arith.constant 0 : index
      %get3A_762 = arith.constant 0 : index
      %get3A_763 = vector.load %arg8[%get3A_761, %get3A_762] : memref<64x64xbf16, #tpu.memory_space<vmem>>, vector<64x64xbf16>
      %dot_general3A_764 = arith.constant dense<0.000000e+00> : vector<2048x64xf32>
      %dot_general3A_765 = tpu.matmul %convert_element_type3A_760, %get3A_763, %dot_general3A_764 {dimension_numbers = #tpu.dot_dimension_numbers<[1], [0], [0], [1], [0, 0, 1, 1], [], []>, transpose_lhs_hint = false} : vector<2048x64xbf16>, vector<64x64xbf16>, vector<2048x64xf32> -> vector<2048x64xf32>
      %get3A_766 = arith.constant 0 : index
      %get3A_767 = arith.constant 0 : index
      %get3A_768 = vector.load %arg6[%get3A_766, %get3A_767] : memref<2048x64xf32, #tpu.memory_space<vmem>>, vector<2048x64xf32>
      %mul3A_769 = arith.mulf %slice3A_759, %get3A_768 : vector<2048x64xf32>
      %get3A_770 = arith.constant 0 : index
      %get3A_771 = arith.constant 0 : index
      %get3A_772 = vector.load %arg7[%get3A_770, %get3A_771] : memref<2048x64xf32, #tpu.memory_space<vmem>>, vector<2048x64xf32>
      %mul3A_773 = arith.mulf %dot_general3A_765, %get3A_772 : vector<2048x64xf32>
      %add3A_774 = arith.addf %mul3A_769, %mul3A_773 : vector<2048x64xf32>
      %slice3A_775 = vector.extract_strided_slice %dot_general3A_750 {offsets = [0, 0], sizes = [2048, 128], strides = [1, 1]} : vector<2048x192xf32> to vector<2048x128xf32>
      %concatenate3A_776 = tpu.concatenate %slice3A_775, %add3A_774 in 1 : vector<2048x128xf32>, vector<2048x64xf32> -> vector<2048x192xf32>
      %convert_element_type3A_777 = arith.truncf %concatenate3A_776 : vector<2048x192xf32> to vector<2048x192xbf16>
      %swap3A_778 = arith.constant 6 : index
      %swap3A_779 = arith.constant 0 : index
      %swap3A_780 = arith.constant 0 : index
      %swap3A_781 = vector.load %arg10[%swap3A_778, %swap3A_779, %swap3A_780] : memref<8x2048x192xbf16, #tpu.memory_space<vmem>>, vector<1x2048x192xbf16>
      %swap3A_782 = vector.shape_cast %swap3A_781 : vector<1x2048x192xbf16> to vector<2048x192xbf16>
      %swap3A_783 = vector.shape_cast %convert_element_type3A_777 : vector<2048x192xbf16> to vector<1x2048x192xbf16>
      tpu.vector_store %arg10[%swap3A_778, %swap3A_779, %swap3A_780], %swap3A_783 {strides = array<i32>} : memref<8x2048x192xbf16, #tpu.memory_space<vmem>>, vector<1x2048x192xbf16>,
      %convert_element_type3A_784 = arith.truncf %dot_general3A_758 : vector<2048x128xf32> to vector<2048x128xbf16>
      %swap3A_785 = arith.constant 6 : index
      %swap3A_786 = arith.constant 0 : index
      %swap3A_787 = arith.constant 0 : index
      %swap3A_788 = vector.load %arg11[%swap3A_785, %swap3A_786, %swap3A_787] : memref<8x2048x128xbf16, #tpu.memory_space<vmem>>, vector<1x2048x128xbf16>
      %swap3A_789 = vector.shape_cast %swap3A_788 : vector<1x2048x128xbf16> to vector<2048x128xbf16>
      %swap3A_790 = vector.shape_cast %convert_element_type3A_784 : vector<2048x128xbf16> to vector<1x2048x128xbf16>
      tpu.vector_store %arg11[%swap3A_785, %swap3A_786, %swap3A_787], %swap3A_790 {strides = array<i32>} : memref<8x2048x128xbf16, #tpu.memory_space<vmem>>, vector<1x2048x128xbf16>,
      %get3A_791 = arith.constant 7 : index
      %get3A_792 = arith.constant 0 : index
      %get3A_793 = arith.constant 0 : index
      %get3A_794 = vector.load %arg5[%get3A_791, %get3A_792, %get3A_793] : memref<8x320x256xf32, #tpu.memory_space<vmem>>, vector<1x192x256xf32>
      %get3A_795 = vector.shape_cast %get3A_794 : vector<1x192x256xf32> to vector<192x256xf32>
      %convert_element_type3A_796 = arith.truncf %get3A_795 : vector<192x256xf32> to vector<192x256xbf16>
      %dot_general3A_797 = arith.constant dense<0.000000e+00> : vector<2048x192xf32>
      %dot_general3A_798 = tpu.matmul %get3A_454, %convert_element_type3A_796, %dot_general3A_797 {dimension_numbers = #tpu.dot_dimension_numbers<[1], [1], [0], [0], [0, 0, 1, 0], [], []>, transpose_lhs_hint = false} : vector<2048x256xbf16>, vector<192x256xbf16>, vector<2048x192xf32> -> vector<2048x192xf32>
      %get3A_799 = arith.constant 7 : index
      %get3A_800 = arith.constant 192 : index
      %get3A_801 = arith.constant 0 : index
      %get3A_802 = vector.load %arg5[%get3A_799, %get3A_800, %get3A_801] : memref<8x320x256xf32, #tpu.memory_space<vmem>>, vector<1x128x256xf32>
      %get3A_803 = vector.shape_cast %get3A_802 : vector<1x128x256xf32> to vector<128x256xf32>
      %convert_element_type3A_804 = arith.truncf %get3A_803 : vector<128x256xf32> to vector<128x256xbf16>
      %dot_general3A_805 = arith.constant dense<0.000000e+00> : vector<2048x128xf32>
      %dot_general3A_806 = tpu.matmul %get3A_454, %convert_element_type3A_804, %dot_general3A_805 {dimension_numbers = #tpu.dot_dimension_numbers<[1], [1], [0], [0], [0, 0, 1, 0], [], []>, transpose_lhs_hint = false} : vector<2048x256xbf16>, vector<128x256xbf16>, vector<2048x128xf32> -> vector<2048x128xf32>
      %slice3A_807 = vector.extract_strided_slice %dot_general3A_798 {offsets = [0, 128], sizes = [2048, 64], strides = [1, 1]} : vector<2048x192xf32> to vector<2048x64xf32>
      %convert_element_type3A_808 = arith.truncf %slice3A_807 : vector<2048x64xf32> to vector<2048x64xbf16>
      %get3A_809 = arith.constant 0 : index
      %get3A_810 = arith.constant 0 : index
      %get3A_811 = vector.load %arg8[%get3A_809, %get3A_810] : memref<64x64xbf16, #tpu.memory_space<vmem>>, vector<64x64xbf16>
      %dot_general3A_812 = arith.constant dense<0.000000e+00> : vector<2048x64xf32>
      %dot_general3A_813 = tpu.matmul %convert_element_type3A_808, %get3A_811, %dot_general3A_812 {dimension_numbers = #tpu.dot_dimension_numbers<[1], [0], [0], [1], [0, 0, 1, 1], [], []>, transpose_lhs_hint = false} : vector<2048x64xbf16>, vector<64x64xbf16>, vector<2048x64xf32> -> vector<2048x64xf32>
      %get3A_814 = arith.constant 0 : index
      %get3A_815 = arith.constant 0 : index
      %get3A_816 = vector.load %arg6[%get3A_814, %get3A_815] : memref<2048x64xf32, #tpu.memory_space<vmem>>, vector<2048x64xf32>
      %mul3A_817 = arith.mulf %slice3A_807, %get3A_816 : vector<2048x64xf32>
      %get3A_818 = arith.constant 0 : index
      %get3A_819 = arith.constant 0 : index
      %get3A_820 = vector.load %arg7[%get3A_818, %get3A_819] : memref<2048x64xf32, #tpu.memory_space<vmem>>, vector<2048x64xf32>
      %mul3A_821 = arith.mulf %dot_general3A_813, %get3A_820 : vector<2048x64xf32>
      %add3A_822 = arith.addf %mul3A_817, %mul3A_821 : vector<2048x64xf32>
      %slice3A_823 = vector.extract_strided_slice %dot_general3A_798 {offsets = [0, 0], sizes = [2048, 128], strides = [1, 1]} : vector<2048x192xf32> to vector<2048x128xf32>
      %concatenate3A_824 = tpu.concatenate %slice3A_823, %add3A_822 in 1 : vector<2048x128xf32>, vector<2048x64xf32> -> vector<2048x192xf32>
      %convert_element_type3A_825 = arith.truncf %concatenate3A_824 : vector<2048x192xf32> to vector<2048x192xbf16>
      %swap3A_826 = arith.constant 7 : index
      %swap3A_827 = arith.constant 0 : index
      %swap3A_828 = arith.constant 0 : index
      %swap3A_829 = vector.load %arg10[%swap3A_826, %swap3A_827, %swap3A_828] : memref<8x2048x192xbf16, #tpu.memory_space<vmem>>, vector<1x2048x192xbf16>
      %swap3A_830 = vector.shape_cast %swap3A_829 : vector<1x2048x192xbf16> to vector<2048x192xbf16>
      %swap3A_831 = vector.shape_cast %convert_element_type3A_825 : vector<2048x192xbf16> to vector<1x2048x192xbf16>
      tpu.vector_store %arg10[%swap3A_826, %swap3A_827, %swap3A_828], %swap3A_831 {strides = array<i32>} : memref<8x2048x192xbf16, #tpu.memory_space<vmem>>, vector<1x2048x192xbf16>,
      %convert_element_type3A_832 = arith.truncf %dot_general3A_806 : vector<2048x128xf32> to vector<2048x128xbf16>
      %swap3A_833 = arith.constant 7 : index
      %swap3A_834 = arith.constant 0 : index
      %swap3A_835 = arith.constant 0 : index
      %swap3A_836 = vector.load %arg11[%swap3A_833, %swap3A_834, %swap3A_835] : memref<8x2048x128xbf16, #tpu.memory_space<vmem>>, vector<1x2048x128xbf16>
      %swap3A_837 = vector.shape_cast %swap3A_836 : vector<1x2048x128xbf16> to vector<2048x128xbf16>
      %swap3A_838 = vector.shape_cast %convert_element_type3A_832 : vector<2048x128xbf16> to vector<1x2048x128xbf16>
      tpu.vector_store %arg11[%swap3A_833, %swap3A_834, %swap3A_835], %swap3A_838 {strides = array<i32>} : memref<8x2048x128xbf16, #tpu.memory_space<vmem>>, vector<1x2048x128xbf16>,
    } else {
    }
    %get3A = arith.constant 0 : index
    %get3A_2 = arith.constant 0 : index
    %get3A_3 = vector.load %arg2[%get3A, %get3A_2] : memref<512x512xbf16, #tpu.memory_space<vmem>>, vector<512x512xbf16>
    %mul3A = arith.constant 512 : i32
    %mul3A_4 = arith.muli %arg1, %mul3A : i32
    %get3A_5 = arith.index_cast %mul3A_4 : i32 to index
    %get3A_6 = arith.constant 0 : index
    %get3A_7 = vector.load %arg6[%get3A_5, %get3A_6] : memref<2048x64xf32, #tpu.memory_space<vmem>>, vector<512x64xf32>
    %mul3A_8 = arith.constant 512 : i32
    %mul3A_9 = arith.muli %arg1, %mul3A_8 : i32
    %get3A_10 = arith.index_cast %mul3A_9 : i32 to index
    %get3A_11 = arith.constant 0 : index
    %get3A_12 = vector.load %arg7[%get3A_10, %get3A_11] : memref<2048x64xf32, #tpu.memory_space<vmem>>, vector<512x64xf32>
    %get3A_13 = arith.constant 0 : index
    %get3A_14 = arith.constant 0 : index
    %get3A_15 = arith.constant 0 : index
    %get3A_16 = vector.load %arg4[%get3A_13, %get3A_14, %get3A_15] : memref<8x192x512xf32, #tpu.memory_space<vmem>>, vector<1x192x512xf32>
    %get3A_17 = vector.shape_cast %get3A_16 : vector<1x192x512xf32> to vector<192x512xf32>
    %convert_element_type3A_18 = arith.truncf %get3A_17 : vector<192x512xf32> to vector<192x512xbf16>
    %dot_general3A = arith.constant dense<0.000000e+00> : vector<512x192xf32>
    %dot_general3A_19 = tpu.matmul %get3A_3, %convert_element_type3A_18, %dot_general3A {dimension_numbers = #tpu.dot_dimension_numbers<[1], [1], [0], [0], [0, 0, 1, 0], [], []>, transpose_lhs_hint = false} : vector<512x512xbf16>, vector<192x512xbf16>, vector<512x192xf32> -> vector<512x192xf32>
    %slice3A = vector.extract_strided_slice %dot_general3A_19 {offsets = [0, 128], sizes = [512, 64], strides = [1, 1]} : vector<512x192xf32> to vector<512x64xf32>
    %convert_element_type3A_20 = arith.truncf %slice3A : vector<512x64xf32> to vector<512x64xbf16>
    %get3A_21 = arith.constant 0 : index
    %get3A_22 = arith.constant 0 : index
    %get3A_23 = vector.load %arg8[%get3A_21, %get3A_22] : memref<64x64xbf16, #tpu.memory_space<vmem>>, vector<64x64xbf16>
    %dot_general3A_24 = arith.constant dense<0.000000e+00> : vector<512x64xf32>
    %dot_general3A_25 = tpu.matmul %convert_element_type3A_20, %get3A_23, %dot_general3A_24 {dimension_numbers = #tpu.dot_dimension_numbers<[1], [0], [0], [1], [0, 0, 1, 1], [], []>, transpose_lhs_hint = false} : vector<512x64xbf16>, vector<64x64xbf16>, vector<512x64xf32> -> vector<512x64xf32>
    %mul3A_26 = arith.mulf %slice3A, %get3A_7 : vector<512x64xf32>
    %mul3A_27 = arith.mulf %dot_general3A_25, %get3A_12 : vector<512x64xf32>
    %add3A = arith.addf %mul3A_26, %mul3A_27 : vector<512x64xf32>
    %slice3A_28 = vector.extract_strided_slice %dot_general3A_19 {offsets = [0, 0], sizes = [512, 128], strides = [1, 1]} : vector<512x192xf32> to vector<512x128xf32>
    %concatenate3A = tpu.concatenate %slice3A_28, %add3A in 1 : vector<512x128xf32>, vector<512x64xf32> -> vector<512x192xf32>
    %convert_element_type3A_29 = arith.truncf %concatenate3A : vector<512x192xf32> to vector<512x192xbf16>
    %get3A_30 = arith.constant 1 : index
    %get3A_31 = arith.constant 0 : index
    %get3A_32 = arith.constant 0 : index
    %get3A_33 = vector.load %arg4[%get3A_30, %get3A_31, %get3A_32] : memref<8x192x512xf32, #tpu.memory_space<vmem>>, vector<1x192x512xf32>
    %get3A_34 = vector.shape_cast %get3A_33 : vector<1x192x512xf32> to vector<192x512xf32>
    %convert_element_type3A_35 = arith.truncf %get3A_34 : vector<192x512xf32> to vector<192x512xbf16>
    %dot_general3A_36 = arith.constant dense<0.000000e+00> : vector<512x192xf32>
    %dot_general3A_37 = tpu.matmul %get3A_3, %convert_element_type3A_35, %dot_general3A_36 {dimension_numbers = #tpu.dot_dimension_numbers<[1], [1], [0], [0], [0, 0, 1, 0], [], []>, transpose_lhs_hint = false} : vector<512x512xbf16>, vector<192x512xbf16>, vector<512x192xf32> -> vector<512x192xf32>
    %slice3A_38 = vector.extract_strided_slice %dot_general3A_37 {offsets = [0, 128], sizes = [512, 64], strides = [1, 1]} : vector<512x192xf32> to vector<512x64xf32>
    %convert_element_type3A_39 = arith.truncf %slice3A_38 : vector<512x64xf32> to vector<512x64xbf16>
    %get3A_40 = arith.constant 0 : index
    %get3A_41 = arith.constant 0 : index
    %get3A_42 = vector.load %arg8[%get3A_40, %get3A_41] : memref<64x64xbf16, #tpu.memory_space<vmem>>, vector<64x64xbf16>
    %dot_general3A_43 = arith.constant dense<0.000000e+00> : vector<512x64xf32>
    %dot_general3A_44 = tpu.matmul %convert_element_type3A_39, %get3A_42, %dot_general3A_43 {dimension_numbers = #tpu.dot_dimension_numbers<[1], [0], [0], [1], [0, 0, 1, 1], [], []>, transpose_lhs_hint = false} : vector<512x64xbf16>, vector<64x64xbf16>, vector<512x64xf32> -> vector<512x64xf32>
    %mul3A_45 = arith.mulf %slice3A_38, %get3A_7 : vector<512x64xf32>
    %mul3A_46 = arith.mulf %dot_general3A_44, %get3A_12 : vector<512x64xf32>
    %add3A_47 = arith.addf %mul3A_45, %mul3A_46 : vector<512x64xf32>
    %slice3A_48 = vector.extract_strided_slice %dot_general3A_37 {offsets = [0, 0], sizes = [512, 128], strides = [1, 1]} : vector<512x192xf32> to vector<512x128xf32>
    %concatenate3A_49 = tpu.concatenate %slice3A_48, %add3A_47 in 1 : vector<512x128xf32>, vector<512x64xf32> -> vector<512x192xf32>
    %convert_element_type3A_50 = arith.truncf %concatenate3A_49 : vector<512x192xf32> to vector<512x192xbf16>
    %get3A_51 = arith.constant 2 : index
    %get3A_52 = arith.constant 0 : index
    %get3A_53 = arith.constant 0 : index
    %get3A_54 = vector.load %arg4[%get3A_51, %get3A_52, %get3A_53] : memref<8x192x512xf32, #tpu.memory_space<vmem>>, vector<1x192x512xf32>
    %get3A_55 = vector.shape_cast %get3A_54 : vector<1x192x512xf32> to vector<192x512xf32>
    %convert_element_type3A_56 = arith.truncf %get3A_55 : vector<192x512xf32> to vector<192x512xbf16>
    %dot_general3A_57 = arith.constant dense<0.000000e+00> : vector<512x192xf32>
    %dot_general3A_58 = tpu.matmul %get3A_3, %convert_element_type3A_56, %dot_general3A_57 {dimension_numbers = #tpu.dot_dimension_numbers<[1], [1], [0], [0], [0, 0, 1, 0], [], []>, transpose_lhs_hint = false} : vector<512x512xbf16>, vector<192x512xbf16>, vector<512x192xf32> -> vector<512x192xf32>
    %slice3A_59 = vector.extract_strided_slice %dot_general3A_58 {offsets = [0, 128], sizes = [512, 64], strides = [1, 1]} : vector<512x192xf32> to vector<512x64xf32>
    %convert_element_type3A_60 = arith.truncf %slice3A_59 : vector<512x64xf32> to vector<512x64xbf16>
    %get3A_61 = arith.constant 0 : index
    %get3A_62 = arith.constant 0 : index
    %get3A_63 = vector.load %arg8[%get3A_61, %get3A_62] : memref<64x64xbf16, #tpu.memory_space<vmem>>, vector<64x64xbf16>
    %dot_general3A_64 = arith.constant dense<0.000000e+00> : vector<512x64xf32>
    %dot_general3A_65 = tpu.matmul %convert_element_type3A_60, %get3A_63, %dot_general3A_64 {dimension_numbers = #tpu.dot_dimension_numbers<[1], [0], [0], [1], [0, 0, 1, 1], [], []>, transpose_lhs_hint = false} : vector<512x64xbf16>, vector<64x64xbf16>, vector<512x64xf32> -> vector<512x64xf32>
    %mul3A_66 = arith.mulf %slice3A_59, %get3A_7 : vector<512x64xf32>
    %mul3A_67 = arith.mulf %dot_general3A_65, %get3A_12 : vector<512x64xf32>
    %add3A_68 = arith.addf %mul3A_66, %mul3A_67 : vector<512x64xf32>
    %slice3A_69 = vector.extract_strided_slice %dot_general3A_58 {offsets = [0, 0], sizes = [512, 128], strides = [1, 1]} : vector<512x192xf32> to vector<512x128xf32>
    %concatenate3A_70 = tpu.concatenate %slice3A_69, %add3A_68 in 1 : vector<512x128xf32>, vector<512x64xf32> -> vector<512x192xf32>
    %convert_element_type3A_71 = arith.truncf %concatenate3A_70 : vector<512x192xf32> to vector<512x192xbf16>
    %get3A_72 = arith.constant 3 : index
    %get3A_73 = arith.constant 0 : index
    %get3A_74 = arith.constant 0 : index
    %get3A_75 = vector.load %arg4[%get3A_72, %get3A_73, %get3A_74] : memref<8x192x512xf32, #tpu.memory_space<vmem>>, vector<1x192x512xf32>
    %get3A_76 = vector.shape_cast %get3A_75 : vector<1x192x512xf32> to vector<192x512xf32>
    %convert_element_type3A_77 = arith.truncf %get3A_76 : vector<192x512xf32> to vector<192x512xbf16>
    %dot_general3A_78 = arith.constant dense<0.000000e+00> : vector<512x192xf32>
    %dot_general3A_79 = tpu.matmul %get3A_3, %convert_element_type3A_77, %dot_general3A_78 {dimension_numbers = #tpu.dot_dimension_numbers<[1], [1], [0], [0], [0, 0, 1, 0], [], []>, transpose_lhs_hint = false} : vector<512x512xbf16>, vector<192x512xbf16>, vector<512x192xf32> -> vector<512x192xf32>
    %slice3A_80 = vector.extract_strided_slice %dot_general3A_79 {offsets = [0, 128], sizes = [512, 64], strides = [1, 1]} : vector<512x192xf32> to vector<512x64xf32>
    %convert_element_type3A_81 = arith.truncf %slice3A_80 : vector<512x64xf32> to vector<512x64xbf16>
    %get3A_82 = arith.constant 0 : index
    %get3A_83 = arith.constant 0 : index
    %get3A_84 = vector.load %arg8[%get3A_82, %get3A_83] : memref<64x64xbf16, #tpu.memory_space<vmem>>, vector<64x64xbf16>
    %dot_general3A_85 = arith.constant dense<0.000000e+00> : vector<512x64xf32>
    %dot_general3A_86 = tpu.matmul %convert_element_type3A_81, %get3A_84, %dot_general3A_85 {dimension_numbers = #tpu.dot_dimension_numbers<[1], [0], [0], [1], [0, 0, 1, 1], [], []>, transpose_lhs_hint = false} : vector<512x64xbf16>, vector<64x64xbf16>, vector<512x64xf32> -> vector<512x64xf32>
    %mul3A_87 = arith.mulf %slice3A_80, %get3A_7 : vector<512x64xf32>
    %mul3A_88 = arith.mulf %dot_general3A_86, %get3A_12 : vector<512x64xf32>
    %add3A_89 = arith.addf %mul3A_87, %mul3A_88 : vector<512x64xf32>
    %slice3A_90 = vector.extract_strided_slice %dot_general3A_79 {offsets = [0, 0], sizes = [512, 128], strides = [1, 1]} : vector<512x192xf32> to vector<512x128xf32>
    %concatenate3A_91 = tpu.concatenate %slice3A_90, %add3A_89 in 1 : vector<512x128xf32>, vector<512x64xf32> -> vector<512x192xf32>
    %convert_element_type3A_92 = arith.truncf %concatenate3A_91 : vector<512x192xf32> to vector<512x192xbf16>
    %get3A_93 = arith.constant 4 : index
    %get3A_94 = arith.constant 0 : index
    %get3A_95 = arith.constant 0 : index
    %get3A_96 = vector.load %arg4[%get3A_93, %get3A_94, %get3A_95] : memref<8x192x512xf32, #tpu.memory_space<vmem>>, vector<1x192x512xf32>
    %get3A_97 = vector.shape_cast %get3A_96 : vector<1x192x512xf32> to vector<192x512xf32>
    %convert_element_type3A_98 = arith.truncf %get3A_97 : vector<192x512xf32> to vector<192x512xbf16>
    %dot_general3A_99 = arith.constant dense<0.000000e+00> : vector<512x192xf32>
    %dot_general3A_100 = tpu.matmul %get3A_3, %convert_element_type3A_98, %dot_general3A_99 {dimension_numbers = #tpu.dot_dimension_numbers<[1], [1], [0], [0], [0, 0, 1, 0], [], []>, transpose_lhs_hint = false} : vector<512x512xbf16>, vector<192x512xbf16>, vector<512x192xf32> -> vector<512x192xf32>
    %slice3A_101 = vector.extract_strided_slice %dot_general3A_100 {offsets = [0, 128], sizes = [512, 64], strides = [1, 1]} : vector<512x192xf32> to vector<512x64xf32>
    %convert_element_type3A_102 = arith.truncf %slice3A_101 : vector<512x64xf32> to vector<512x64xbf16>
    %get3A_103 = arith.constant 0 : index
    %get3A_104 = arith.constant 0 : index
    %get3A_105 = vector.load %arg8[%get3A_103, %get3A_104] : memref<64x64xbf16, #tpu.memory_space<vmem>>, vector<64x64xbf16>
    %dot_general3A_106 = arith.constant dense<0.000000e+00> : vector<512x64xf32>
    %dot_general3A_107 = tpu.matmul %convert_element_type3A_102, %get3A_105, %dot_general3A_106 {dimension_numbers = #tpu.dot_dimension_numbers<[1], [0], [0], [1], [0, 0, 1, 1], [], []>, transpose_lhs_hint = false} : vector<512x64xbf16>, vector<64x64xbf16>, vector<512x64xf32> -> vector<512x64xf32>
    %mul3A_108 = arith.mulf %slice3A_101, %get3A_7 : vector<512x64xf32>
    %mul3A_109 = arith.mulf %dot_general3A_107, %get3A_12 : vector<512x64xf32>
    %add3A_110 = arith.addf %mul3A_108, %mul3A_109 : vector<512x64xf32>
    %slice3A_111 = vector.extract_strided_slice %dot_general3A_100 {offsets = [0, 0], sizes = [512, 128], strides = [1, 1]} : vector<512x192xf32> to vector<512x128xf32>
    %concatenate3A_112 = tpu.concatenate %slice3A_111, %add3A_110 in 1 : vector<512x128xf32>, vector<512x64xf32> -> vector<512x192xf32>
    %convert_element_type3A_113 = arith.truncf %concatenate3A_112 : vector<512x192xf32> to vector<512x192xbf16>
    %get3A_114 = arith.constant 5 : index
    %get3A_115 = arith.constant 0 : index
    %get3A_116 = arith.constant 0 : index
    %get3A_117 = vector.load %arg4[%get3A_114, %get3A_115, %get3A_116] : memref<8x192x512xf32, #tpu.memory_space<vmem>>, vector<1x192x512xf32>
    %get3A_118 = vector.shape_cast %get3A_117 : vector<1x192x512xf32> to vector<192x512xf32>
    %convert_element_type3A_119 = arith.truncf %get3A_118 : vector<192x512xf32> to vector<192x512xbf16>
    %dot_general3A_120 = arith.constant dense<0.000000e+00> : vector<512x192xf32>
    %dot_general3A_121 = tpu.matmul %get3A_3, %convert_element_type3A_119, %dot_general3A_120 {dimension_numbers = #tpu.dot_dimension_numbers<[1], [1], [0], [0], [0, 0, 1, 0], [], []>, transpose_lhs_hint = false} : vector<512x512xbf16>, vector<192x512xbf16>, vector<512x192xf32> -> vector<512x192xf32>
    %slice3A_122 = vector.extract_strided_slice %dot_general3A_121 {offsets = [0, 128], sizes = [512, 64], strides = [1, 1]} : vector<512x192xf32> to vector<512x64xf32>
    %convert_element_type3A_123 = arith.truncf %slice3A_122 : vector<512x64xf32> to vector<512x64xbf16>
    %get3A_124 = arith.constant 0 : index
    %get3A_125 = arith.constant 0 : index
    %get3A_126 = vector.load %arg8[%get3A_124, %get3A_125] : memref<64x64xbf16, #tpu.memory_space<vmem>>, vector<64x64xbf16>
    %dot_general3A_127 = arith.constant dense<0.000000e+00> : vector<512x64xf32>
    %dot_general3A_128 = tpu.matmul %convert_element_type3A_123, %get3A_126, %dot_general3A_127 {dimension_numbers = #tpu.dot_dimension_numbers<[1], [0], [0], [1], [0, 0, 1, 1], [], []>, transpose_lhs_hint = false} : vector<512x64xbf16>, vector<64x64xbf16>, vector<512x64xf32> -> vector<512x64xf32>
    %mul3A_129 = arith.mulf %slice3A_122, %get3A_7 : vector<512x64xf32>
    %mul3A_130 = arith.mulf %dot_general3A_128, %get3A_12 : vector<512x64xf32>
    %add3A_131 = arith.addf %mul3A_129, %mul3A_130 : vector<512x64xf32>
    %slice3A_132 = vector.extract_strided_slice %dot_general3A_121 {offsets = [0, 0], sizes = [512, 128], strides = [1, 1]} : vector<512x192xf32> to vector<512x128xf32>
    %concatenate3A_133 = tpu.concatenate %slice3A_132, %add3A_131 in 1 : vector<512x128xf32>, vector<512x64xf32> -> vector<512x192xf32>
    %convert_element_type3A_134 = arith.truncf %concatenate3A_133 : vector<512x192xf32> to vector<512x192xbf16>
    %get3A_135 = arith.constant 6 : index
    %get3A_136 = arith.constant 0 : index
    %get3A_137 = arith.constant 0 : index
    %get3A_138 = vector.load %arg4[%get3A_135, %get3A_136, %get3A_137] : memref<8x192x512xf32, #tpu.memory_space<vmem>>, vector<1x192x512xf32>
    %get3A_139 = vector.shape_cast %get3A_138 : vector<1x192x512xf32> to vector<192x512xf32>
    %convert_element_type3A_140 = arith.truncf %get3A_139 : vector<192x512xf32> to vector<192x512xbf16>
    %dot_general3A_141 = arith.constant dense<0.000000e+00> : vector<512x192xf32>
    %dot_general3A_142 = tpu.matmul %get3A_3, %convert_element_type3A_140, %dot_general3A_141 {dimension_numbers = #tpu.dot_dimension_numbers<[1], [1], [0], [0], [0, 0, 1, 0], [], []>, transpose_lhs_hint = false} : vector<512x512xbf16>, vector<192x512xbf16>, vector<512x192xf32> -> vector<512x192xf32>
    %slice3A_143 = vector.extract_strided_slice %dot_general3A_142 {offsets = [0, 128], sizes = [512, 64], strides = [1, 1]} : vector<512x192xf32> to vector<512x64xf32>
    %convert_element_type3A_144 = arith.truncf %slice3A_143 : vector<512x64xf32> to vector<512x64xbf16>
    %get3A_145 = arith.constant 0 : index
    %get3A_146 = arith.constant 0 : index
    %get3A_147 = vector.load %arg8[%get3A_145, %get3A_146] : memref<64x64xbf16, #tpu.memory_space<vmem>>, vector<64x64xbf16>
    %dot_general3A_148 = arith.constant dense<0.000000e+00> : vector<512x64xf32>
    %dot_general3A_149 = tpu.matmul %convert_element_type3A_144, %get3A_147, %dot_general3A_148 {dimension_numbers = #tpu.dot_dimension_numbers<[1], [0], [0], [1], [0, 0, 1, 1], [], []>, transpose_lhs_hint = false} : vector<512x64xbf16>, vector<64x64xbf16>, vector<512x64xf32> -> vector<512x64xf32>
    %mul3A_150 = arith.mulf %slice3A_143, %get3A_7 : vector<512x64xf32>
    %mul3A_151 = arith.mulf %dot_general3A_149, %get3A_12 : vector<512x64xf32>
    %add3A_152 = arith.addf %mul3A_150, %mul3A_151 : vector<512x64xf32>
    %slice3A_153 = vector.extract_strided_slice %dot_general3A_142 {offsets = [0, 0], sizes = [512, 128], strides = [1, 1]} : vector<512x192xf32> to vector<512x128xf32>
    %concatenate3A_154 = tpu.concatenate %slice3A_153, %add3A_152 in 1 : vector<512x128xf32>, vector<512x64xf32> -> vector<512x192xf32>
    %convert_element_type3A_155 = arith.truncf %concatenate3A_154 : vector<512x192xf32> to vector<512x192xbf16>
    %get3A_156 = arith.constant 7 : index
    %get3A_157 = arith.constant 0 : index
    %get3A_158 = arith.constant 0 : index
    %get3A_159 = vector.load %arg4[%get3A_156, %get3A_157, %get3A_158] : memref<8x192x512xf32, #tpu.memory_space<vmem>>, vector<1x192x512xf32>
    %get3A_160 = vector.shape_cast %get3A_159 : vector<1x192x512xf32> to vector<192x512xf32>
    %convert_element_type3A_161 = arith.truncf %get3A_160 : vector<192x512xf32> to vector<192x512xbf16>
    %dot_general3A_162 = arith.constant dense<0.000000e+00> : vector<512x192xf32>
    %dot_general3A_163 = tpu.matmul %get3A_3, %convert_element_type3A_161, %dot_general3A_162 {dimension_numbers = #tpu.dot_dimension_numbers<[1], [1], [0], [0], [0, 0, 1, 0], [], []>, transpose_lhs_hint = false} : vector<512x512xbf16>, vector<192x512xbf16>, vector<512x192xf32> -> vector<512x192xf32>
    %slice3A_164 = vector.extract_strided_slice %dot_general3A_163 {offsets = [0, 128], sizes = [512, 64], strides = [1, 1]} : vector<512x192xf32> to vector<512x64xf32>
    %convert_element_type3A_165 = arith.truncf %slice3A_164 : vector<512x64xf32> to vector<512x64xbf16>
    %get3A_166 = arith.constant 0 : index
    %get3A_167 = arith.constant 0 : index
    %get3A_168 = vector.load %arg8[%get3A_166, %get3A_167] : memref<64x64xbf16, #tpu.memory_space<vmem>>, vector<64x64xbf16>
    %dot_general3A_169 = arith.constant dense<0.000000e+00> : vector<512x64xf32>
    %dot_general3A_170 = tpu.matmul %convert_element_type3A_165, %get3A_168, %dot_general3A_169 {dimension_numbers = #tpu.dot_dimension_numbers<[1], [0], [0], [1], [0, 0, 1, 1], [], []>, transpose_lhs_hint = false} : vector<512x64xbf16>, vector<64x64xbf16>, vector<512x64xf32> -> vector<512x64xf32>
    %mul3A_171 = arith.mulf %slice3A_164, %get3A_7 : vector<512x64xf32>
    %mul3A_172 = arith.mulf %dot_general3A_170, %get3A_12 : vector<512x64xf32>
    %add3A_173 = arith.addf %mul3A_171, %mul3A_172 : vector<512x64xf32>
    %slice3A_174 = vector.extract_strided_slice %dot_general3A_163 {offsets = [0, 0], sizes = [512, 128], strides = [1, 1]} : vector<512x192xf32> to vector<512x128xf32>
    %concatenate3A_175 = tpu.concatenate %slice3A_174, %add3A_173 in 1 : vector<512x128xf32>, vector<512x64xf32> -> vector<512x192xf32>
    %convert_element_type3A_176 = arith.truncf %concatenate3A_175 : vector<512x192xf32> to vector<512x192xbf16>
    %broadcast_in_dim3A = arith.constant 0.000000e+00 : f32
    %broadcast_in_dim3A_177 = vector.broadcast %broadcast_in_dim3A : f32 to vector<512x1xf32>
    %broadcast_in_dim3A_178 = arith.constant 0.000000e+00 : f32
    %broadcast_in_dim3A_179 = vector.broadcast %broadcast_in_dim3A_178 : f32 to vector<512x128xf32>
    %while3A = arith.constant 0 : i32
    %while3A_180 = arith.subi %arg1, %while3A : i32
    %while3A_181 = arith.addi %while3A, %while3A_180 : i32
    %while3A_182 = arith.constant 1 : i32
    %while3A_183 = arith.divsi %while3A_180, %while3A_182 : i32
    %while3A_184 = arith.muli %while3A_183, %while3A_182 : i32
    %while3A_185 = arith.addi %while3A, %while3A_184 : i32
    %while3A_186 = arith.constant 1 : i32
    %while3A_187:16 = scf.for %while3A_452 = %while3A to %while3A_185 step %while3A_186 iter_args(%while3A_453 = %broadcast_in_dim3A_177, %while3A_454 = %broadcast_in_dim3A_179, %while3A_455 = %broadcast_in_dim3A_177, %while3A_456 = %broadcast_in_dim3A_179, %while3A_457 = %broadcast_in_dim3A_177, %while3A_458 = %broadcast_in_dim3A_179, %while3A_459 = %broadcast_in_dim3A_177, %while3A_460 = %broadcast_in_dim3A_179, %while3A_461 = %broadcast_in_dim3A_177, %while3A_462 = %broadcast_in_dim3A_179, %while3A_463 = %broadcast_in_dim3A_177, %while3A_464 = %broadcast_in_dim3A_179, %while3A_465 = %broadcast_in_dim3A_177, %while3A_466 = %broadcast_in_dim3A_179, %while3A_467 = %broadcast_in_dim3A_177, %while3A_468 = %broadcast_in_dim3A_179) -> (vector<512x1xf32>, vector<512x128xf32>, vector<512x1xf32>, vector<512x128xf32>, vector<512x1xf32>, vector<512x128xf32>, vector<512x1xf32>, vector<512x128xf32>, vector<512x1xf32>, vector<512x128xf32>, vector<512x1xf32>, vector<512x128xf32>, vector<512x1xf32>, vector<512x128xf32>, vector<512x1xf32>, vector<512x128xf32>)  : i32 {
      %mul3A_469 = arith.constant 512 : i32
      %mul3A_470 = arith.muli %while3A_452, %mul3A_469 : i32
      %multiple_of3A_471 = tpu.assume_multiple %mul3A_470, 512 : i32
      %get3A_472 = arith.constant 0 : index
      %get3A_473 = arith.index_cast %multiple_of3A_471 : i32 to index
      %get3A_474 = arith.constant 0 : index
      %get3A_475 = vector.load %arg10[%get3A_472, %get3A_473, %get3A_474] : memref<8x2048x192xbf16, #tpu.memory_space<vmem>>, vector<1x512x192xbf16>
      %get3A_476 = vector.shape_cast %get3A_475 : vector<1x512x192xbf16> to vector<512x192xbf16>
      %get3A_477 = arith.constant 0 : index
      %get3A_478 = arith.index_cast %multiple_of3A_471 : i32 to index
      %get3A_479 = arith.constant 0 : index
      %get3A_480 = vector.load %arg11[%get3A_477, %get3A_478, %get3A_479] : memref<8x2048x128xbf16, #tpu.memory_space<vmem>>, vector<1x512x128xbf16>
      %get3A_481 = vector.shape_cast %get3A_480 : vector<1x512x128xbf16> to vector<512x128xbf16>
      %dot_general3A_482 = arith.constant dense<0.000000e+00> : vector<512x512xf32>
      %dot_general3A_483 = tpu.matmul %convert_element_type3A_29, %get3A_476, %dot_general3A_482 {dimension_numbers = #tpu.dot_dimension_numbers<[1], [1], [0], [0], [0, 0, 1, 0], [], []>, transpose_lhs_hint = false} : vector<512x192xbf16>, vector<512x192xbf16>, vector<512x512xf32> -> vector<512x512xf32>
      %mul3A_484 = arith.constant 0.0721687824 : f32
      %mul3A_485 = vector.broadcast %mul3A_484 : f32 to vector<512x512xf32>
      %mul3A_486 = arith.mulf %dot_general3A_483, %mul3A_485 : vector<512x512xf32>
      %exp3A_487 = math.exp %mul3A_486 : vector<512x512xf32>
      %convert_element_type3A_488 = arith.truncf %exp3A_487 : vector<512x512xf32> to vector<512x512xbf16>
      %dot_general3A_489 = arith.constant dense<0.000000e+00> : vector<512x128xf32>
      %dot_general3A_490 = tpu.matmul %convert_element_type3A_488, %get3A_481, %dot_general3A_489 {dimension_numbers = #tpu.dot_dimension_numbers<[1], [0], [0], [1], [0, 0, 1, 1], [], []>, transpose_lhs_hint = false} : vector<512x512xbf16>, vector<512x128xbf16>, vector<512x128xf32> -> vector<512x128xf32>
      %add3A_491 = arith.addf %while3A_454, %dot_general3A_490 : vector<512x128xf32>
      %reduce_sum3A_492 = arith.constant dense<0.000000e+00> : vector<512xf32>
      %reduce_sum3A_493 = vector.multi_reduction <add>, %exp3A_487, %reduce_sum3A_492 [1] : vector<512x512xf32> to vector<512xf32>
      %broadcast_in_dim3A_494 = vector.shape_cast %reduce_sum3A_493 : vector<512xf32> to vector<512x1xf32>
      %add3A_495 = arith.addf %while3A_453, %broadcast_in_dim3A_494 : vector<512x1xf32>
      %get3A_496 = arith.constant 1 : index
      %get3A_497 = arith.index_cast %multiple_of3A_471 : i32 to index
      %get3A_498 = arith.constant 0 : index
      %get3A_499 = vector.load %arg10[%get3A_496, %get3A_497, %get3A_498] : memref<8x2048x192xbf16, #tpu.memory_space<vmem>>, vector<1x512x192xbf16>
      %get3A_500 = vector.shape_cast %get3A_499 : vector<1x512x192xbf16> to vector<512x192xbf16>
      %get3A_501 = arith.constant 1 : index
      %get3A_502 = arith.index_cast %multiple_of3A_471 : i32 to index
      %get3A_503 = arith.constant 0 : index
      %get3A_504 = vector.load %arg11[%get3A_501, %get3A_502, %get3A_503] : memref<8x2048x128xbf16, #tpu.memory_space<vmem>>, vector<1x512x128xbf16>
      %get3A_505 = vector.shape_cast %get3A_504 : vector<1x512x128xbf16> to vector<512x128xbf16>
      %dot_general3A_506 = arith.constant dense<0.000000e+00> : vector<512x512xf32>
      %dot_general3A_507 = tpu.matmul %convert_element_type3A_50, %get3A_500, %dot_general3A_506 {dimension_numbers = #tpu.dot_dimension_numbers<[1], [1], [0], [0], [0, 0, 1, 0], [], []>, transpose_lhs_hint = false} : vector<512x192xbf16>, vector<512x192xbf16>, vector<512x512xf32> -> vector<512x512xf32>
      %mul3A_508 = arith.constant 0.0721687824 : f32
      %mul3A_509 = vector.broadcast %mul3A_508 : f32 to vector<512x512xf32>
      %mul3A_510 = arith.mulf %dot_general3A_507, %mul3A_509 : vector<512x512xf32>
      %exp3A_511 = math.exp %mul3A_510 : vector<512x512xf32>
      %convert_element_type3A_512 = arith.truncf %exp3A_511 : vector<512x512xf32> to vector<512x512xbf16>
      %dot_general3A_513 = arith.constant dense<0.000000e+00> : vector<512x128xf32>
      %dot_general3A_514 = tpu.matmul %convert_element_type3A_512, %get3A_505, %dot_general3A_513 {dimension_numbers = #tpu.dot_dimension_numbers<[1], [0], [0], [1], [0, 0, 1, 1], [], []>, transpose_lhs_hint = false} : vector<512x512xbf16>, vector<512x128xbf16>, vector<512x128xf32> -> vector<512x128xf32>
      %add3A_515 = arith.addf %while3A_456, %dot_general3A_514 : vector<512x128xf32>
      %reduce_sum3A_516 = arith.constant dense<0.000000e+00> : vector<512xf32>
      %reduce_sum3A_517 = vector.multi_reduction <add>, %exp3A_511, %reduce_sum3A_516 [1] : vector<512x512xf32> to vector<512xf32>
      %broadcast_in_dim3A_518 = vector.shape_cast %reduce_sum3A_517 : vector<512xf32> to vector<512x1xf32>
      %add3A_519 = arith.addf %while3A_455, %broadcast_in_dim3A_518 : vector<512x1xf32>
      %get3A_520 = arith.constant 2 : index
      %get3A_521 = arith.index_cast %multiple_of3A_471 : i32 to index
      %get3A_522 = arith.constant 0 : index
      %get3A_523 = vector.load %arg10[%get3A_520, %get3A_521, %get3A_522] : memref<8x2048x192xbf16, #tpu.memory_space<vmem>>, vector<1x512x192xbf16>
      %get3A_524 = vector.shape_cast %get3A_523 : vector<1x512x192xbf16> to vector<512x192xbf16>
      %get3A_525 = arith.constant 2 : index
      %get3A_526 = arith.index_cast %multiple_of3A_471 : i32 to index
      %get3A_527 = arith.constant 0 : index
      %get3A_528 = vector.load %arg11[%get3A_525, %get3A_526, %get3A_527] : memref<8x2048x128xbf16, #tpu.memory_space<vmem>>, vector<1x512x128xbf16>
      %get3A_529 = vector.shape_cast %get3A_528 : vector<1x512x128xbf16> to vector<512x128xbf16>
      %dot_general3A_530 = arith.constant dense<0.000000e+00> : vector<512x512xf32>
      %dot_general3A_531 = tpu.matmul %convert_element_type3A_71, %get3A_524, %dot_general3A_530 {dimension_numbers = #tpu.dot_dimension_numbers<[1], [1], [0], [0], [0, 0, 1, 0], [], []>, transpose_lhs_hint = false} : vector<512x192xbf16>, vector<512x192xbf16>, vector<512x512xf32> -> vector<512x512xf32>
      %mul3A_532 = arith.constant 0.0721687824 : f32
      %mul3A_533 = vector.broadcast %mul3A_532 : f32 to vector<512x512xf32>
      %mul3A_534 = arith.mulf %dot_general3A_531, %mul3A_533 : vector<512x512xf32>
      %exp3A_535 = math.exp %mul3A_534 : vector<512x512xf32>
      %convert_element_type3A_536 = arith.truncf %exp3A_535 : vector<512x512xf32> to vector<512x512xbf16>
      %dot_general3A_537 = arith.constant dense<0.000000e+00> : vector<512x128xf32>
      %dot_general3A_538 = tpu.matmul %convert_element_type3A_536, %get3A_529, %dot_general3A_537 {dimension_numbers = #tpu.dot_dimension_numbers<[1], [0], [0], [1], [0, 0, 1, 1], [], []>, transpose_lhs_hint = false} : vector<512x512xbf16>, vector<512x128xbf16>, vector<512x128xf32> -> vector<512x128xf32>
      %add3A_539 = arith.addf %while3A_458, %dot_general3A_538 : vector<512x128xf32>
      %reduce_sum3A_540 = arith.constant dense<0.000000e+00> : vector<512xf32>
      %reduce_sum3A_541 = vector.multi_reduction <add>, %exp3A_535, %reduce_sum3A_540 [1] : vector<512x512xf32> to vector<512xf32>
      %broadcast_in_dim3A_542 = vector.shape_cast %reduce_sum3A_541 : vector<512xf32> to vector<512x1xf32>
      %add3A_543 = arith.addf %while3A_457, %broadcast_in_dim3A_542 : vector<512x1xf32>
      %get3A_544 = arith.constant 3 : index
      %get3A_545 = arith.index_cast %multiple_of3A_471 : i32 to index
      %get3A_546 = arith.constant 0 : index
      %get3A_547 = vector.load %arg10[%get3A_544, %get3A_545, %get3A_546] : memref<8x2048x192xbf16, #tpu.memory_space<vmem>>, vector<1x512x192xbf16>
      %get3A_548 = vector.shape_cast %get3A_547 : vector<1x512x192xbf16> to vector<512x192xbf16>
      %get3A_549 = arith.constant 3 : index
      %get3A_550 = arith.index_cast %multiple_of3A_471 : i32 to index
      %get3A_551 = arith.constant 0 : index
      %get3A_552 = vector.load %arg11[%get3A_549, %get3A_550, %get3A_551] : memref<8x2048x128xbf16, #tpu.memory_space<vmem>>, vector<1x512x128xbf16>
      %get3A_553 = vector.shape_cast %get3A_552 : vector<1x512x128xbf16> to vector<512x128xbf16>
      %dot_general3A_554 = arith.constant dense<0.000000e+00> : vector<512x512xf32>
      %dot_general3A_555 = tpu.matmul %convert_element_type3A_92, %get3A_548, %dot_general3A_554 {dimension_numbers = #tpu.dot_dimension_numbers<[1], [1], [0], [0], [0, 0, 1, 0], [], []>, transpose_lhs_hint = false} : vector<512x192xbf16>, vector<512x192xbf16>, vector<512x512xf32> -> vector<512x512xf32>
      %mul3A_556 = arith.constant 0.0721687824 : f32
      %mul3A_557 = vector.broadcast %mul3A_556 : f32 to vector<512x512xf32>
      %mul3A_558 = arith.mulf %dot_general3A_555, %mul3A_557 : vector<512x512xf32>
      %exp3A_559 = math.exp %mul3A_558 : vector<512x512xf32>
      %convert_element_type3A_560 = arith.truncf %exp3A_559 : vector<512x512xf32> to vector<512x512xbf16>
      %dot_general3A_561 = arith.constant dense<0.000000e+00> : vector<512x128xf32>
      %dot_general3A_562 = tpu.matmul %convert_element_type3A_560, %get3A_553, %dot_general3A_561 {dimension_numbers = #tpu.dot_dimension_numbers<[1], [0], [0], [1], [0, 0, 1, 1], [], []>, transpose_lhs_hint = false} : vector<512x512xbf16>, vector<512x128xbf16>, vector<512x128xf32> -> vector<512x128xf32>
      %add3A_563 = arith.addf %while3A_460, %dot_general3A_562 : vector<512x128xf32>
      %reduce_sum3A_564 = arith.constant dense<0.000000e+00> : vector<512xf32>
      %reduce_sum3A_565 = vector.multi_reduction <add>, %exp3A_559, %reduce_sum3A_564 [1] : vector<512x512xf32> to vector<512xf32>
      %broadcast_in_dim3A_566 = vector.shape_cast %reduce_sum3A_565 : vector<512xf32> to vector<512x1xf32>
      %add3A_567 = arith.addf %while3A_459, %broadcast_in_dim3A_566 : vector<512x1xf32>
      %get3A_568 = arith.constant 4 : index
      %get3A_569 = arith.index_cast %multiple_of3A_471 : i32 to index
      %get3A_570 = arith.constant 0 : index
      %get3A_571 = vector.load %arg10[%get3A_568, %get3A_569, %get3A_570] : memref<8x2048x192xbf16, #tpu.memory_space<vmem>>, vector<1x512x192xbf16>
      %get3A_572 = vector.shape_cast %get3A_571 : vector<1x512x192xbf16> to vector<512x192xbf16>
      %get3A_573 = arith.constant 4 : index
      %get3A_574 = arith.index_cast %multiple_of3A_471 : i32 to index
      %get3A_575 = arith.constant 0 : index
      %get3A_576 = vector.load %arg11[%get3A_573, %get3A_574, %get3A_575] : memref<8x2048x128xbf16, #tpu.memory_space<vmem>>, vector<1x512x128xbf16>
      %get3A_577 = vector.shape_cast %get3A_576 : vector<1x512x128xbf16> to vector<512x128xbf16>
      %dot_general3A_578 = arith.constant dense<0.000000e+00> : vector<512x512xf32>
      %dot_general3A_579 = tpu.matmul %convert_element_type3A_113, %get3A_572, %dot_general3A_578 {dimension_numbers = #tpu.dot_dimension_numbers<[1], [1], [0], [0], [0, 0, 1, 0], [], []>, transpose_lhs_hint = false} : vector<512x192xbf16>, vector<512x192xbf16>, vector<512x512xf32> -> vector<512x512xf32>
      %mul3A_580 = arith.constant 0.0721687824 : f32
      %mul3A_581 = vector.broadcast %mul3A_580 : f32 to vector<512x512xf32>
      %mul3A_582 = arith.mulf %dot_general3A_579, %mul3A_581 : vector<512x512xf32>
      %exp3A_583 = math.exp %mul3A_582 : vector<512x512xf32>
      %convert_element_type3A_584 = arith.truncf %exp3A_583 : vector<512x512xf32> to vector<512x512xbf16>
      %dot_general3A_585 = arith.constant dense<0.000000e+00> : vector<512x128xf32>
      %dot_general3A_586 = tpu.matmul %convert_element_type3A_584, %get3A_577, %dot_general3A_585 {dimension_numbers = #tpu.dot_dimension_numbers<[1], [0], [0], [1], [0, 0, 1, 1], [], []>, transpose_lhs_hint = false} : vector<512x512xbf16>, vector<512x128xbf16>, vector<512x128xf32> -> vector<512x128xf32>
      %add3A_587 = arith.addf %while3A_462, %dot_general3A_586 : vector<512x128xf32>
      %reduce_sum3A_588 = arith.constant dense<0.000000e+00> : vector<512xf32>
      %reduce_sum3A_589 = vector.multi_reduction <add>, %exp3A_583, %reduce_sum3A_588 [1] : vector<512x512xf32> to vector<512xf32>
      %broadcast_in_dim3A_590 = vector.shape_cast %reduce_sum3A_589 : vector<512xf32> to vector<512x1xf32>
      %add3A_591 = arith.addf %while3A_461, %broadcast_in_dim3A_590 : vector<512x1xf32>
      %get3A_592 = arith.constant 5 : index
      %get3A_593 = arith.index_cast %multiple_of3A_471 : i32 to index
      %get3A_594 = arith.constant 0 : index
      %get3A_595 = vector.load %arg10[%get3A_592, %get3A_593, %get3A_594] : memref<8x2048x192xbf16, #tpu.memory_space<vmem>>, vector<1x512x192xbf16>
      %get3A_596 = vector.shape_cast %get3A_595 : vector<1x512x192xbf16> to vector<512x192xbf16>
      %get3A_597 = arith.constant 5 : index
      %get3A_598 = arith.index_cast %multiple_of3A_471 : i32 to index
      %get3A_599 = arith.constant 0 : index
      %get3A_600 = vector.load %arg11[%get3A_597, %get3A_598, %get3A_599] : memref<8x2048x128xbf16, #tpu.memory_space<vmem>>, vector<1x512x128xbf16>
      %get3A_601 = vector.shape_cast %get3A_600 : vector<1x512x128xbf16> to vector<512x128xbf16>
      %dot_general3A_602 = arith.constant dense<0.000000e+00> : vector<512x512xf32>
      %dot_general3A_603 = tpu.matmul %convert_element_type3A_134, %get3A_596, %dot_general3A_602 {dimension_numbers = #tpu.dot_dimension_numbers<[1], [1], [0], [0], [0, 0, 1, 0], [], []>, transpose_lhs_hint = false} : vector<512x192xbf16>, vector<512x192xbf16>, vector<512x512xf32> -> vector<512x512xf32>
      %mul3A_604 = arith.constant 0.0721687824 : f32
      %mul3A_605 = vector.broadcast %mul3A_604 : f32 to vector<512x512xf32>
      %mul3A_606 = arith.mulf %dot_general3A_603, %mul3A_605 : vector<512x512xf32>
      %exp3A_607 = math.exp %mul3A_606 : vector<512x512xf32>
      %convert_element_type3A_608 = arith.truncf %exp3A_607 : vector<512x512xf32> to vector<512x512xbf16>
      %dot_general3A_609 = arith.constant dense<0.000000e+00> : vector<512x128xf32>
      %dot_general3A_610 = tpu.matmul %convert_element_type3A_608, %get3A_601, %dot_general3A_609 {dimension_numbers = #tpu.dot_dimension_numbers<[1], [0], [0], [1], [0, 0, 1, 1], [], []>, transpose_lhs_hint = false} : vector<512x512xbf16>, vector<512x128xbf16>, vector<512x128xf32> -> vector<512x128xf32>
      %add3A_611 = arith.addf %while3A_464, %dot_general3A_610 : vector<512x128xf32>
      %reduce_sum3A_612 = arith.constant dense<0.000000e+00> : vector<512xf32>
      %reduce_sum3A_613 = vector.multi_reduction <add>, %exp3A_607, %reduce_sum3A_612 [1] : vector<512x512xf32> to vector<512xf32>
      %broadcast_in_dim3A_614 = vector.shape_cast %reduce_sum3A_613 : vector<512xf32> to vector<512x1xf32>
      %add3A_615 = arith.addf %while3A_463, %broadcast_in_dim3A_614 : vector<512x1xf32>
      %get3A_616 = arith.constant 6 : index
      %get3A_617 = arith.index_cast %multiple_of3A_471 : i32 to index
      %get3A_618 = arith.constant 0 : index
      %get3A_619 = vector.load %arg10[%get3A_616, %get3A_617, %get3A_618] : memref<8x2048x192xbf16, #tpu.memory_space<vmem>>, vector<1x512x192xbf16>
      %get3A_620 = vector.shape_cast %get3A_619 : vector<1x512x192xbf16> to vector<512x192xbf16>
      %get3A_621 = arith.constant 6 : index
      %get3A_622 = arith.index_cast %multiple_of3A_471 : i32 to index
      %get3A_623 = arith.constant 0 : index
      %get3A_624 = vector.load %arg11[%get3A_621, %get3A_622, %get3A_623] : memref<8x2048x128xbf16, #tpu.memory_space<vmem>>, vector<1x512x128xbf16>
      %get3A_625 = vector.shape_cast %get3A_624 : vector<1x512x128xbf16> to vector<512x128xbf16>
      %dot_general3A_626 = arith.constant dense<0.000000e+00> : vector<512x512xf32>
      %dot_general3A_627 = tpu.matmul %convert_element_type3A_155, %get3A_620, %dot_general3A_626 {dimension_numbers = #tpu.dot_dimension_numbers<[1], [1], [0], [0], [0, 0, 1, 0], [], []>, transpose_lhs_hint = false} : vector<512x192xbf16>, vector<512x192xbf16>, vector<512x512xf32> -> vector<512x512xf32>
      %mul3A_628 = arith.constant 0.0721687824 : f32
      %mul3A_629 = vector.broadcast %mul3A_628 : f32 to vector<512x512xf32>
      %mul3A_630 = arith.mulf %dot_general3A_627, %mul3A_629 : vector<512x512xf32>
      %exp3A_631 = math.exp %mul3A_630 : vector<512x512xf32>
      %convert_element_type3A_632 = arith.truncf %exp3A_631 : vector<512x512xf32> to vector<512x512xbf16>
      %dot_general3A_633 = arith.constant dense<0.000000e+00> : vector<512x128xf32>
      %dot_general3A_634 = tpu.matmul %convert_element_type3A_632, %get3A_625, %dot_general3A_633 {dimension_numbers = #tpu.dot_dimension_numbers<[1], [0], [0], [1], [0, 0, 1, 1], [], []>, transpose_lhs_hint = false} : vector<512x512xbf16>, vector<512x128xbf16>, vector<512x128xf32> -> vector<512x128xf32>
      %add3A_635 = arith.addf %while3A_466, %dot_general3A_634 : vector<512x128xf32>
      %reduce_sum3A_636 = arith.constant dense<0.000000e+00> : vector<512xf32>
      %reduce_sum3A_637 = vector.multi_reduction <add>, %exp3A_631, %reduce_sum3A_636 [1] : vector<512x512xf32> to vector<512xf32>
      %broadcast_in_dim3A_638 = vector.shape_cast %reduce_sum3A_637 : vector<512xf32> to vector<512x1xf32>
      %add3A_639 = arith.addf %while3A_465, %broadcast_in_dim3A_638 : vector<512x1xf32>
      %get3A_640 = arith.constant 7 : index
      %get3A_641 = arith.index_cast %multiple_of3A_471 : i32 to index
      %get3A_642 = arith.constant 0 : index
      %get3A_643 = vector.load %arg10[%get3A_640, %get3A_641, %get3A_642] : memref<8x2048x192xbf16, #tpu.memory_space<vmem>>, vector<1x512x192xbf16>
      %get3A_644 = vector.shape_cast %get3A_643 : vector<1x512x192xbf16> to vector<512x192xbf16>
      %get3A_645 = arith.constant 7 : index
      %get3A_646 = arith.index_cast %multiple_of3A_471 : i32 to index
      %get3A_647 = arith.constant 0 : index
      %get3A_648 = vector.load %arg11[%get3A_645, %get3A_646, %get3A_647] : memref<8x2048x128xbf16, #tpu.memory_space<vmem>>, vector<1x512x128xbf16>
      %get3A_649 = vector.shape_cast %get3A_648 : vector<1x512x128xbf16> to vector<512x128xbf16>
      %dot_general3A_650 = arith.constant dense<0.000000e+00> : vector<512x512xf32>
      %dot_general3A_651 = tpu.matmul %convert_element_type3A_176, %get3A_644, %dot_general3A_650 {dimension_numbers = #tpu.dot_dimension_numbers<[1], [1], [0], [0], [0, 0, 1, 0], [], []>, transpose_lhs_hint = false} : vector<512x192xbf16>, vector<512x192xbf16>, vector<512x512xf32> -> vector<512x512xf32>
      %mul3A_652 = arith.constant 0.0721687824 : f32
      %mul3A_653 = vector.broadcast %mul3A_652 : f32 to vector<512x512xf32>
      %mul3A_654 = arith.mulf %dot_general3A_651, %mul3A_653 : vector<512x512xf32>
      %exp3A_655 = math.exp %mul3A_654 : vector<512x512xf32>
      %convert_element_type3A_656 = arith.truncf %exp3A_655 : vector<512x512xf32> to vector<512x512xbf16>
      %dot_general3A_657 = arith.constant dense<0.000000e+00> : vector<512x128xf32>
      %dot_general3A_658 = tpu.matmul %convert_element_type3A_656, %get3A_649, %dot_general3A_657 {dimension_numbers = #tpu.dot_dimension_numbers<[1], [0], [0], [1], [0, 0, 1, 1], [], []>, transpose_lhs_hint = false} : vector<512x512xbf16>, vector<512x128xbf16>, vector<512x128xf32> -> vector<512x128xf32>
      %add3A_659 = arith.addf %while3A_468, %dot_general3A_658 : vector<512x128xf32>
      %reduce_sum3A_660 = arith.constant dense<0.000000e+00> : vector<512xf32>
      %reduce_sum3A_661 = vector.multi_reduction <add>, %exp3A_655, %reduce_sum3A_660 [1] : vector<512x512xf32> to vector<512xf32>
      %broadcast_in_dim3A_662 = vector.shape_cast %reduce_sum3A_661 : vector<512xf32> to vector<512x1xf32>
      %add3A_663 = arith.addf %while3A_467, %broadcast_in_dim3A_662 : vector<512x1xf32>
      scf.yield %add3A_495, %add3A_491, %add3A_519, %add3A_515, %add3A_543, %add3A_539, %add3A_567, %add3A_563, %add3A_591, %add3A_587, %add3A_615, %add3A_611, %add3A_639, %add3A_635, %add3A_663, %add3A_659 : vector<512x1xf32>, vector<512x128xf32>, vector<512x1xf32>, vector<512x128xf32>, vector<512x1xf32>, vector<512x128xf32>, vector<512x1xf32>, vector<512x128xf32>, vector<512x1xf32>, vector<512x128xf32>, vector<512x1xf32>, vector<512x128xf32>, vector<512x1xf32>, vector<512x128xf32>, vector<512x1xf32>, vector<512x128xf32>
    }
    %while3A_188 = arith.constant 1 : i32
    %while3A_189:16 = scf.for %while3A_452 = %while3A_185 to %while3A_181 step %while3A_188 iter_args(%while3A_453 = %while3A_187#0, %while3A_454 = %while3A_187#1, %while3A_455 = %while3A_187#2, %while3A_456 = %while3A_187#3, %while3A_457 = %while3A_187#4, %while3A_458 = %while3A_187#5, %while3A_459 = %while3A_187#6, %while3A_460 = %while3A_187#7, %while3A_461 = %while3A_187#8, %while3A_462 = %while3A_187#9, %while3A_463 = %while3A_187#10, %while3A_464 = %while3A_187#11, %while3A_465 = %while3A_187#12, %while3A_466 = %while3A_187#13, %while3A_467 = %while3A_187#14, %while3A_468 = %while3A_187#15) -> (vector<512x1xf32>, vector<512x128xf32>, vector<512x1xf32>, vector<512x128xf32>, vector<512x1xf32>, vector<512x128xf32>, vector<512x1xf32>, vector<512x128xf32>, vector<512x1xf32>, vector<512x128xf32>, vector<512x1xf32>, vector<512x128xf32>, vector<512x1xf32>, vector<512x128xf32>, vector<512x1xf32>, vector<512x128xf32>)  : i32 {
      %mul3A_469 = arith.constant 512 : i32
      %mul3A_470 = arith.muli %while3A_452, %mul3A_469 : i32
      %multiple_of3A_471 = tpu.assume_multiple %mul3A_470, 512 : i32
      %get3A_472 = arith.constant 0 : index
      %get3A_473 = arith.index_cast %multiple_of3A_471 : i32 to index
      %get3A_474 = arith.constant 0 : index
      %get3A_475 = vector.load %arg10[%get3A_472, %get3A_473, %get3A_474] : memref<8x2048x192xbf16, #tpu.memory_space<vmem>>, vector<1x512x192xbf16>
      %get3A_476 = vector.shape_cast %get3A_475 : vector<1x512x192xbf16> to vector<512x192xbf16>
      %get3A_477 = arith.constant 0 : index
      %get3A_478 = arith.index_cast %multiple_of3A_471 : i32 to index
      %get3A_479 = arith.constant 0 : index
      %get3A_480 = vector.load %arg11[%get3A_477, %get3A_478, %get3A_479] : memref<8x2048x128xbf16, #tpu.memory_space<vmem>>, vector<1x512x128xbf16>
      %get3A_481 = vector.shape_cast %get3A_480 : vector<1x512x128xbf16> to vector<512x128xbf16>
      %dot_general3A_482 = arith.constant dense<0.000000e+00> : vector<512x512xf32>
      %dot_general3A_483 = tpu.matmul %convert_element_type3A_29, %get3A_476, %dot_general3A_482 {dimension_numbers = #tpu.dot_dimension_numbers<[1], [1], [0], [0], [0, 0, 1, 0], [], []>, transpose_lhs_hint = false} : vector<512x192xbf16>, vector<512x192xbf16>, vector<512x512xf32> -> vector<512x512xf32>
      %mul3A_484 = arith.constant 0.0721687824 : f32
      %mul3A_485 = vector.broadcast %mul3A_484 : f32 to vector<512x512xf32>
      %mul3A_486 = arith.mulf %dot_general3A_483, %mul3A_485 : vector<512x512xf32>
      %exp3A_487 = math.exp %mul3A_486 : vector<512x512xf32>
      %convert_element_type3A_488 = arith.truncf %exp3A_487 : vector<512x512xf32> to vector<512x512xbf16>
      %dot_general3A_489 = arith.constant dense<0.000000e+00> : vector<512x128xf32>
      %dot_general3A_490 = tpu.matmul %convert_element_type3A_488, %get3A_481, %dot_general3A_489 {dimension_numbers = #tpu.dot_dimension_numbers<[1], [0], [0], [1], [0, 0, 1, 1], [], []>, transpose_lhs_hint = false} : vector<512x512xbf16>, vector<512x128xbf16>, vector<512x128xf32> -> vector<512x128xf32>
      %add3A_491 = arith.addf %while3A_454, %dot_general3A_490 : vector<512x128xf32>
      %reduce_sum3A_492 = arith.constant dense<0.000000e+00> : vector<512xf32>
      %reduce_sum3A_493 = vector.multi_reduction <add>, %exp3A_487, %reduce_sum3A_492 [1] : vector<512x512xf32> to vector<512xf32>
      %broadcast_in_dim3A_494 = vector.shape_cast %reduce_sum3A_493 : vector<512xf32> to vector<512x1xf32>
      %add3A_495 = arith.addf %while3A_453, %broadcast_in_dim3A_494 : vector<512x1xf32>
      %get3A_496 = arith.constant 1 : index
      %get3A_497 = arith.index_cast %multiple_of3A_471 : i32 to index
      %get3A_498 = arith.constant 0 : index
      %get3A_499 = vector.load %arg10[%get3A_496, %get3A_497, %get3A_498] : memref<8x2048x192xbf16, #tpu.memory_space<vmem>>, vector<1x512x192xbf16>
      %get3A_500 = vector.shape_cast %get3A_499 : vector<1x512x192xbf16> to vector<512x192xbf16>
      %get3A_501 = arith.constant 1 : index
      %get3A_502 = arith.index_cast %multiple_of3A_471 : i32 to index
      %get3A_503 = arith.constant 0 : index
      %get3A_504 = vector.load %arg11[%get3A_501, %get3A_502, %get3A_503] : memref<8x2048x128xbf16, #tpu.memory_space<vmem>>, vector<1x512x128xbf16>
      %get3A_505 = vector.shape_cast %get3A_504 : vector<1x512x128xbf16> to vector<512x128xbf16>
      %dot_general3A_506 = arith.constant dense<0.000000e+00> : vector<512x512xf32>
      %dot_general3A_507 = tpu.matmul %convert_element_type3A_50, %get3A_500, %dot_general3A_506 {dimension_numbers = #tpu.dot_dimension_numbers<[1], [1], [0], [0], [0, 0, 1, 0], [], []>, transpose_lhs_hint = false} : vector<512x192xbf16>, vector<512x192xbf16>, vector<512x512xf32> -> vector<512x512xf32>
      %mul3A_508 = arith.constant 0.0721687824 : f32
      %mul3A_509 = vector.broadcast %mul3A_508 : f32 to vector<512x512xf32>
      %mul3A_510 = arith.mulf %dot_general3A_507, %mul3A_509 : vector<512x512xf32>
      %exp3A_511 = math.exp %mul3A_510 : vector<512x512xf32>
      %convert_element_type3A_512 = arith.truncf %exp3A_511 : vector<512x512xf32> to vector<512x512xbf16>
      %dot_general3A_513 = arith.constant dense<0.000000e+00> : vector<512x128xf32>
      %dot_general3A_514 = tpu.matmul %convert_element_type3A_512, %get3A_505, %dot_general3A_513 {dimension_numbers = #tpu.dot_dimension_numbers<[1], [0], [0], [1], [0, 0, 1, 1], [], []>, transpose_lhs_hint = false} : vector<512x512xbf16>, vector<512x128xbf16>, vector<512x128xf32> -> vector<512x128xf32>
      %add3A_515 = arith.addf %while3A_456, %dot_general3A_514 : vector<512x128xf32>
      %reduce_sum3A_516 = arith.constant dense<0.000000e+00> : vector<512xf32>
      %reduce_sum3A_517 = vector.multi_reduction <add>, %exp3A_511, %reduce_sum3A_516 [1] : vector<512x512xf32> to vector<512xf32>
      %broadcast_in_dim3A_518 = vector.shape_cast %reduce_sum3A_517 : vector<512xf32> to vector<512x1xf32>
      %add3A_519 = arith.addf %while3A_455, %broadcast_in_dim3A_518 : vector<512x1xf32>
      %get3A_520 = arith.constant 2 : index
      %get3A_521 = arith.index_cast %multiple_of3A_471 : i32 to index
      %get3A_522 = arith.constant 0 : index
      %get3A_523 = vector.load %arg10[%get3A_520, %get3A_521, %get3A_522] : memref<8x2048x192xbf16, #tpu.memory_space<vmem>>, vector<1x512x192xbf16>
      %get3A_524 = vector.shape_cast %get3A_523 : vector<1x512x192xbf16> to vector<512x192xbf16>
      %get3A_525 = arith.constant 2 : index
      %get3A_526 = arith.index_cast %multiple_of3A_471 : i32 to index
      %get3A_527 = arith.constant 0 : index
      %get3A_528 = vector.load %arg11[%get3A_525, %get3A_526, %get3A_527] : memref<8x2048x128xbf16, #tpu.memory_space<vmem>>, vector<1x512x128xbf16>
      %get3A_529 = vector.shape_cast %get3A_528 : vector<1x512x128xbf16> to vector<512x128xbf16>
      %dot_general3A_530 = arith.constant dense<0.000000e+00> : vector<512x512xf32>
      %dot_general3A_531 = tpu.matmul %convert_element_type3A_71, %get3A_524, %dot_general3A_530 {dimension_numbers = #tpu.dot_dimension_numbers<[1], [1], [0], [0], [0, 0, 1, 0], [], []>, transpose_lhs_hint = false} : vector<512x192xbf16>, vector<512x192xbf16>, vector<512x512xf32> -> vector<512x512xf32>
      %mul3A_532 = arith.constant 0.0721687824 : f32
      %mul3A_533 = vector.broadcast %mul3A_532 : f32 to vector<512x512xf32>
      %mul3A_534 = arith.mulf %dot_general3A_531, %mul3A_533 : vector<512x512xf32>
      %exp3A_535 = math.exp %mul3A_534 : vector<512x512xf32>
      %convert_element_type3A_536 = arith.truncf %exp3A_535 : vector<512x512xf32> to vector<512x512xbf16>
      %dot_general3A_537 = arith.constant dense<0.000000e+00> : vector<512x128xf32>
      %dot_general3A_538 = tpu.matmul %convert_element_type3A_536, %get3A_529, %dot_general3A_537 {dimension_numbers = #tpu.dot_dimension_numbers<[1], [0], [0], [1], [0, 0, 1, 1], [], []>, transpose_lhs_hint = false} : vector<512x512xbf16>, vector<512x128xbf16>, vector<512x128xf32> -> vector<512x128xf32>
      %add3A_539 = arith.addf %while3A_458, %dot_general3A_538 : vector<512x128xf32>
      %reduce_sum3A_540 = arith.constant dense<0.000000e+00> : vector<512xf32>
      %reduce_sum3A_541 = vector.multi_reduction <add>, %exp3A_535, %reduce_sum3A_540 [1] : vector<512x512xf32> to vector<512xf32>
      %broadcast_in_dim3A_542 = vector.shape_cast %reduce_sum3A_541 : vector<512xf32> to vector<512x1xf32>
      %add3A_543 = arith.addf %while3A_457, %broadcast_in_dim3A_542 : vector<512x1xf32>
      %get3A_544 = arith.constant 3 : index
      %get3A_545 = arith.index_cast %multiple_of3A_471 : i32 to index
      %get3A_546 = arith.constant 0 : index
      %get3A_547 = vector.load %arg10[%get3A_544, %get3A_545, %get3A_546] : memref<8x2048x192xbf16, #tpu.memory_space<vmem>>, vector<1x512x192xbf16>
      %get3A_548 = vector.shape_cast %get3A_547 : vector<1x512x192xbf16> to vector<512x192xbf16>
      %get3A_549 = arith.constant 3 : index
      %get3A_550 = arith.index_cast %multiple_of3A_471 : i32 to index
      %get3A_551 = arith.constant 0 : index
      %get3A_552 = vector.load %arg11[%get3A_549, %get3A_550, %get3A_551] : memref<8x2048x128xbf16, #tpu.memory_space<vmem>>, vector<1x512x128xbf16>
      %get3A_553 = vector.shape_cast %get3A_552 : vector<1x512x128xbf16> to vector<512x128xbf16>
      %dot_general3A_554 = arith.constant dense<0.000000e+00> : vector<512x512xf32>
      %dot_general3A_555 = tpu.matmul %convert_element_type3A_92, %get3A_548, %dot_general3A_554 {dimension_numbers = #tpu.dot_dimension_numbers<[1], [1], [0], [0], [0, 0, 1, 0], [], []>, transpose_lhs_hint = false} : vector<512x192xbf16>, vector<512x192xbf16>, vector<512x512xf32> -> vector<512x512xf32>
      %mul3A_556 = arith.constant 0.0721687824 : f32
      %mul3A_557 = vector.broadcast %mul3A_556 : f32 to vector<512x512xf32>
      %mul3A_558 = arith.mulf %dot_general3A_555, %mul3A_557 : vector<512x512xf32>
      %exp3A_559 = math.exp %mul3A_558 : vector<512x512xf32>
      %convert_element_type3A_560 = arith.truncf %exp3A_559 : vector<512x512xf32> to vector<512x512xbf16>
      %dot_general3A_561 = arith.constant dense<0.000000e+00> : vector<512x128xf32>
      %dot_general3A_562 = tpu.matmul %convert_element_type3A_560, %get3A_553, %dot_general3A_561 {dimension_numbers = #tpu.dot_dimension_numbers<[1], [0], [0], [1], [0, 0, 1, 1], [], []>, transpose_lhs_hint = false} : vector<512x512xbf16>, vector<512x128xbf16>, vector<512x128xf32> -> vector<512x128xf32>
      %add3A_563 = arith.addf %while3A_460, %dot_general3A_562 : vector<512x128xf32>
      %reduce_sum3A_564 = arith.constant dense<0.000000e+00> : vector<512xf32>
      %reduce_sum3A_565 = vector.multi_reduction <add>, %exp3A_559, %reduce_sum3A_564 [1] : vector<512x512xf32> to vector<512xf32>
      %broadcast_in_dim3A_566 = vector.shape_cast %reduce_sum3A_565 : vector<512xf32> to vector<512x1xf32>
      %add3A_567 = arith.addf %while3A_459, %broadcast_in_dim3A_566 : vector<512x1xf32>
      %get3A_568 = arith.constant 4 : index
      %get3A_569 = arith.index_cast %multiple_of3A_471 : i32 to index
      %get3A_570 = arith.constant 0 : index
      %get3A_571 = vector.load %arg10[%get3A_568, %get3A_569, %get3A_570] : memref<8x2048x192xbf16, #tpu.memory_space<vmem>>, vector<1x512x192xbf16>
      %get3A_572 = vector.shape_cast %get3A_571 : vector<1x512x192xbf16> to vector<512x192xbf16>
      %get3A_573 = arith.constant 4 : index
      %get3A_574 = arith.index_cast %multiple_of3A_471 : i32 to index
      %get3A_575 = arith.constant 0 : index
      %get3A_576 = vector.load %arg11[%get3A_573, %get3A_574, %get3A_575] : memref<8x2048x128xbf16, #tpu.memory_space<vmem>>, vector<1x512x128xbf16>
      %get3A_577 = vector.shape_cast %get3A_576 : vector<1x512x128xbf16> to vector<512x128xbf16>
      %dot_general3A_578 = arith.constant dense<0.000000e+00> : vector<512x512xf32>
      %dot_general3A_579 = tpu.matmul %convert_element_type3A_113, %get3A_572, %dot_general3A_578 {dimension_numbers = #tpu.dot_dimension_numbers<[1], [1], [0], [0], [0, 0, 1, 0], [], []>, transpose_lhs_hint = false} : vector<512x192xbf16>, vector<512x192xbf16>, vector<512x512xf32> -> vector<512x512xf32>
      %mul3A_580 = arith.constant 0.0721687824 : f32
      %mul3A_581 = vector.broadcast %mul3A_580 : f32 to vector<512x512xf32>
      %mul3A_582 = arith.mulf %dot_general3A_579, %mul3A_581 : vector<512x512xf32>
      %exp3A_583 = math.exp %mul3A_582 : vector<512x512xf32>
      %convert_element_type3A_584 = arith.truncf %exp3A_583 : vector<512x512xf32> to vector<512x512xbf16>
      %dot_general3A_585 = arith.constant dense<0.000000e+00> : vector<512x128xf32>
      %dot_general3A_586 = tpu.matmul %convert_element_type3A_584, %get3A_577, %dot_general3A_585 {dimension_numbers = #tpu.dot_dimension_numbers<[1], [0], [0], [1], [0, 0, 1, 1], [], []>, transpose_lhs_hint = false} : vector<512x512xbf16>, vector<512x128xbf16>, vector<512x128xf32> -> vector<512x128xf32>
      %add3A_587 = arith.addf %while3A_462, %dot_general3A_586 : vector<512x128xf32>
      %reduce_sum3A_588 = arith.constant dense<0.000000e+00> : vector<512xf32>
      %reduce_sum3A_589 = vector.multi_reduction <add>, %exp3A_583, %reduce_sum3A_588 [1] : vector<512x512xf32> to vector<512xf32>
      %broadcast_in_dim3A_590 = vector.shape_cast %reduce_sum3A_589 : vector<512xf32> to vector<512x1xf32>
      %add3A_591 = arith.addf %while3A_461, %broadcast_in_dim3A_590 : vector<512x1xf32>
      %get3A_592 = arith.constant 5 : index
      %get3A_593 = arith.index_cast %multiple_of3A_471 : i32 to index
      %get3A_594 = arith.constant 0 : index
      %get3A_595 = vector.load %arg10[%get3A_592, %get3A_593, %get3A_594] : memref<8x2048x192xbf16, #tpu.memory_space<vmem>>, vector<1x512x192xbf16>
      %get3A_596 = vector.shape_cast %get3A_595 : vector<1x512x192xbf16> to vector<512x192xbf16>
      %get3A_597 = arith.constant 5 : index
      %get3A_598 = arith.index_cast %multiple_of3A_471 : i32 to index
      %get3A_599 = arith.constant 0 : index
      %get3A_600 = vector.load %arg11[%get3A_597, %get3A_598, %get3A_599] : memref<8x2048x128xbf16, #tpu.memory_space<vmem>>, vector<1x512x128xbf16>
      %get3A_601 = vector.shape_cast %get3A_600 : vector<1x512x128xbf16> to vector<512x128xbf16>
      %dot_general3A_602 = arith.constant dense<0.000000e+00> : vector<512x512xf32>
      %dot_general3A_603 = tpu.matmul %convert_element_type3A_134, %get3A_596, %dot_general3A_602 {dimension_numbers = #tpu.dot_dimension_numbers<[1], [1], [0], [0], [0, 0, 1, 0], [], []>, transpose_lhs_hint = false} : vector<512x192xbf16>, vector<512x192xbf16>, vector<512x512xf32> -> vector<512x512xf32>
      %mul3A_604 = arith.constant 0.0721687824 : f32
      %mul3A_605 = vector.broadcast %mul3A_604 : f32 to vector<512x512xf32>
      %mul3A_606 = arith.mulf %dot_general3A_603, %mul3A_605 : vector<512x512xf32>
      %exp3A_607 = math.exp %mul3A_606 : vector<512x512xf32>
      %convert_element_type3A_608 = arith.truncf %exp3A_607 : vector<512x512xf32> to vector<512x512xbf16>
      %dot_general3A_609 = arith.constant dense<0.000000e+00> : vector<512x128xf32>
      %dot_general3A_610 = tpu.matmul %convert_element_type3A_608, %get3A_601, %dot_general3A_609 {dimension_numbers = #tpu.dot_dimension_numbers<[1], [0], [0], [1], [0, 0, 1, 1], [], []>, transpose_lhs_hint = false} : vector<512x512xbf16>, vector<512x128xbf16>, vector<512x128xf32> -> vector<512x128xf32>
      %add3A_611 = arith.addf %while3A_464, %dot_general3A_610 : vector<512x128xf32>
      %reduce_sum3A_612 = arith.constant dense<0.000000e+00> : vector<512xf32>
      %reduce_sum3A_613 = vector.multi_reduction <add>, %exp3A_607, %reduce_sum3A_612 [1] : vector<512x512xf32> to vector<512xf32>
      %broadcast_in_dim3A_614 = vector.shape_cast %reduce_sum3A_613 : vector<512xf32> to vector<512x1xf32>
      %add3A_615 = arith.addf %while3A_463, %broadcast_in_dim3A_614 : vector<512x1xf32>
      %get3A_616 = arith.constant 6 : index
      %get3A_617 = arith.index_cast %multiple_of3A_471 : i32 to index
      %get3A_618 = arith.constant 0 : index
      %get3A_619 = vector.load %arg10[%get3A_616, %get3A_617, %get3A_618] : memref<8x2048x192xbf16, #tpu.memory_space<vmem>>, vector<1x512x192xbf16>
      %get3A_620 = vector.shape_cast %get3A_619 : vector<1x512x192xbf16> to vector<512x192xbf16>
      %get3A_621 = arith.constant 6 : index
      %get3A_622 = arith.index_cast %multiple_of3A_471 : i32 to index
      %get3A_623 = arith.constant 0 : index
      %get3A_624 = vector.load %arg11[%get3A_621, %get3A_622, %get3A_623] : memref<8x2048x128xbf16, #tpu.memory_space<vmem>>, vector<1x512x128xbf16>
      %get3A_625 = vector.shape_cast %get3A_624 : vector<1x512x128xbf16> to vector<512x128xbf16>
      %dot_general3A_626 = arith.constant dense<0.000000e+00> : vector<512x512xf32>
      %dot_general3A_627 = tpu.matmul %convert_element_type3A_155, %get3A_620, %dot_general3A_626 {dimension_numbers = #tpu.dot_dimension_numbers<[1], [1], [0], [0], [0, 0, 1, 0], [], []>, transpose_lhs_hint = false} : vector<512x192xbf16>, vector<512x192xbf16>, vector<512x512xf32> -> vector<512x512xf32>
      %mul3A_628 = arith.constant 0.0721687824 : f32
      %mul3A_629 = vector.broadcast %mul3A_628 : f32 to vector<512x512xf32>
      %mul3A_630 = arith.mulf %dot_general3A_627, %mul3A_629 : vector<512x512xf32>
      %exp3A_631 = math.exp %mul3A_630 : vector<512x512xf32>
      %convert_element_type3A_632 = arith.truncf %exp3A_631 : vector<512x512xf32> to vector<512x512xbf16>
      %dot_general3A_633 = arith.constant dense<0.000000e+00> : vector<512x128xf32>
      %dot_general3A_634 = tpu.matmul %convert_element_type3A_632, %get3A_625, %dot_general3A_633 {dimension_numbers = #tpu.dot_dimension_numbers<[1], [0], [0], [1], [0, 0, 1, 1], [], []>, transpose_lhs_hint = false} : vector<512x512xbf16>, vector<512x128xbf16>, vector<512x128xf32> -> vector<512x128xf32>
      %add3A_635 = arith.addf %while3A_466, %dot_general3A_634 : vector<512x128xf32>
      %reduce_sum3A_636 = arith.constant dense<0.000000e+00> : vector<512xf32>
      %reduce_sum3A_637 = vector.multi_reduction <add>, %exp3A_631, %reduce_sum3A_636 [1] : vector<512x512xf32> to vector<512xf32>
      %broadcast_in_dim3A_638 = vector.shape_cast %reduce_sum3A_637 : vector<512xf32> to vector<512x1xf32>
      %add3A_639 = arith.addf %while3A_465, %broadcast_in_dim3A_638 : vector<512x1xf32>
      %get3A_640 = arith.constant 7 : index
      %get3A_641 = arith.index_cast %multiple_of3A_471 : i32 to index
      %get3A_642 = arith.constant 0 : index
      %get3A_643 = vector.load %arg10[%get3A_640, %get3A_641, %get3A_642] : memref<8x2048x192xbf16, #tpu.memory_space<vmem>>, vector<1x512x192xbf16>
      %get3A_644 = vector.shape_cast %get3A_643 : vector<1x512x192xbf16> to vector<512x192xbf16>
      %get3A_645 = arith.constant 7 : index
      %get3A_646 = arith.index_cast %multiple_of3A_471 : i32 to index
      %get3A_647 = arith.constant 0 : index
      %get3A_648 = vector.load %arg11[%get3A_645, %get3A_646, %get3A_647] : memref<8x2048x128xbf16, #tpu.memory_space<vmem>>, vector<1x512x128xbf16>
      %get3A_649 = vector.shape_cast %get3A_648 : vector<1x512x128xbf16> to vector<512x128xbf16>
      %dot_general3A_650 = arith.constant dense<0.000000e+00> : vector<512x512xf32>
      %dot_general3A_651 = tpu.matmul %convert_element_type3A_176, %get3A_644, %dot_general3A_650 {dimension_numbers = #tpu.dot_dimension_numbers<[1], [1], [0], [0], [0, 0, 1, 0], [], []>, transpose_lhs_hint = false} : vector<512x192xbf16>, vector<512x192xbf16>, vector<512x512xf32> -> vector<512x512xf32>
      %mul3A_652 = arith.constant 0.0721687824 : f32
      %mul3A_653 = vector.broadcast %mul3A_652 : f32 to vector<512x512xf32>
      %mul3A_654 = arith.mulf %dot_general3A_651, %mul3A_653 : vector<512x512xf32>
      %exp3A_655 = math.exp %mul3A_654 : vector<512x512xf32>
      %convert_element_type3A_656 = arith.truncf %exp3A_655 : vector<512x512xf32> to vector<512x512xbf16>
      %dot_general3A_657 = arith.constant dense<0.000000e+00> : vector<512x128xf32>
      %dot_general3A_658 = tpu.matmul %convert_element_type3A_656, %get3A_649, %dot_general3A_657 {dimension_numbers = #tpu.dot_dimension_numbers<[1], [0], [0], [1], [0, 0, 1, 1], [], []>, transpose_lhs_hint = false} : vector<512x512xbf16>, vector<512x128xbf16>, vector<512x128xf32> -> vector<512x128xf32>
      %add3A_659 = arith.addf %while3A_468, %dot_general3A_658 : vector<512x128xf32>
      %reduce_sum3A_660 = arith.constant dense<0.000000e+00> : vector<512xf32>
      %reduce_sum3A_661 = vector.multi_reduction <add>, %exp3A_655, %reduce_sum3A_660 [1] : vector<512x512xf32> to vector<512xf32>
      %broadcast_in_dim3A_662 = vector.shape_cast %reduce_sum3A_661 : vector<512xf32> to vector<512x1xf32>
      %add3A_663 = arith.addf %while3A_467, %broadcast_in_dim3A_662 : vector<512x1xf32>
      scf.yield %add3A_495, %add3A_491, %add3A_519, %add3A_515, %add3A_543, %add3A_539, %add3A_567, %add3A_563, %add3A_591, %add3A_587, %add3A_615, %add3A_611, %add3A_639, %add3A_635, %add3A_663, %add3A_659 : vector<512x1xf32>, vector<512x128xf32>, vector<512x1xf32>, vector<512x128xf32>, vector<512x1xf32>, vector<512x128xf32>, vector<512x1xf32>, vector<512x128xf32>, vector<512x1xf32>, vector<512x128xf32>, vector<512x1xf32>, vector<512x128xf32>, vector<512x1xf32>, vector<512x128xf32>, vector<512x1xf32>, vector<512x128xf32>
    }
    %mul3A_190 = arith.constant 512 : i32
    %mul3A_191 = arith.muli %arg1, %mul3A_190 : i32
    %multiple_of3A = tpu.assume_multiple %mul3A_191, 512 : i32
    %get3A_192 = arith.constant 0 : index
    %get3A_193 = arith.index_cast %multiple_of3A : i32 to index
    %get3A_194 = arith.constant 0 : index
    %get3A_195 = vector.load %arg10[%get3A_192, %get3A_193, %get3A_194] : memref<8x2048x192xbf16, #tpu.memory_space<vmem>>, vector<1x512x192xbf16>
    %get3A_196 = vector.shape_cast %get3A_195 : vector<1x512x192xbf16> to vector<512x192xbf16>
    %get3A_197 = arith.constant 0 : index
    %get3A_198 = arith.index_cast %multiple_of3A : i32 to index
    %get3A_199 = arith.constant 0 : index
    %get3A_200 = vector.load %arg11[%get3A_197, %get3A_198, %get3A_199] : memref<8x2048x128xbf16, #tpu.memory_space<vmem>>, vector<1x512x128xbf16>
    %get3A_201 = vector.shape_cast %get3A_200 : vector<1x512x128xbf16> to vector<512x128xbf16>
    %dot_general3A_202 = arith.constant dense<0.000000e+00> : vector<512x512xf32>
    %dot_general3A_203 = tpu.matmul %convert_element_type3A_29, %get3A_196, %dot_general3A_202 {dimension_numbers = #tpu.dot_dimension_numbers<[1], [1], [0], [0], [0, 0, 1, 0], [], []>, transpose_lhs_hint = false} : vector<512x192xbf16>, vector<512x192xbf16>, vector<512x512xf32> -> vector<512x512xf32>
    %mul3A_204 = arith.constant 0.0721687824 : f32
    %mul3A_205 = vector.broadcast %mul3A_204 : f32 to vector<512x512xf32>
    %mul3A_206 = arith.mulf %dot_general3A_203, %mul3A_205 : vector<512x512xf32>
    %iota3A = tpu.iota {dimensions = array<i32: 0>} : vector<512x512xi32>
    %iota3A_207 = tpu.iota {dimensions = array<i32: 1>} : vector<512x512xi32>
    %ge3A = arith.cmpi sge, %iota3A, %iota3A_207 : vector<512x512xi32>
    %jit3A = arith.constant -1.000000e+09 : f32
    %broadcast_in_dim3A_208 = vector.broadcast %jit3A : f32 to vector<512x512xf32>
    %select_n3A = arith.select %ge3A, %mul3A_206, %broadcast_in_dim3A_208 : vector<512x512xi1>, vector<512x512xf32>
    %exp3A = math.exp %select_n3A : vector<512x512xf32>
    %convert_element_type3A_209 = arith.truncf %exp3A : vector<512x512xf32> to vector<512x512xbf16>
    %dot_general3A_210 = arith.constant dense<0.000000e+00> : vector<512x128xf32>
    %dot_general3A_211 = tpu.matmul %convert_element_type3A_209, %get3A_201, %dot_general3A_210 {dimension_numbers = #tpu.dot_dimension_numbers<[1], [0], [0], [1], [0, 0, 1, 1], [], []>, transpose_lhs_hint = false} : vector<512x512xbf16>, vector<512x128xbf16>, vector<512x128xf32> -> vector<512x128xf32>
    %add3A_212 = arith.addf %while3A_189#1, %dot_general3A_211 : vector<512x128xf32>
    %reduce_sum3A = arith.constant dense<0.000000e+00> : vector<512xf32>
    %reduce_sum3A_213 = vector.multi_reduction <add>, %exp3A, %reduce_sum3A [1] : vector<512x512xf32> to vector<512xf32>
    %broadcast_in_dim3A_214 = vector.shape_cast %reduce_sum3A_213 : vector<512xf32> to vector<512x1xf32>
    %add3A_215 = arith.addf %while3A_189#0, %broadcast_in_dim3A_214 : vector<512x1xf32>
    %div3A = vector.broadcast %add3A_215 : vector<512x1xf32> to vector<512x128xf32>
    %div3A_216 = arith.divf %add3A_212, %div3A : vector<512x128xf32>
    %convert_element_type3A_217 = arith.truncf %div3A_216 : vector<512x128xf32> to vector<512x128xbf16>
    %get3A_218 = arith.constant 1 : index
    %get3A_219 = arith.index_cast %multiple_of3A : i32 to index
    %get3A_220 = arith.constant 0 : index
    %get3A_221 = vector.load %arg10[%get3A_218, %get3A_219, %get3A_220] : memref<8x2048x192xbf16, #tpu.memory_space<vmem>>, vector<1x512x192xbf16>
    %get3A_222 = vector.shape_cast %get3A_221 : vector<1x512x192xbf16> to vector<512x192xbf16>
    %get3A_223 = arith.constant 1 : index
    %get3A_224 = arith.index_cast %multiple_of3A : i32 to index
    %get3A_225 = arith.constant 0 : index
    %get3A_226 = vector.load %arg11[%get3A_223, %get3A_224, %get3A_225] : memref<8x2048x128xbf16, #tpu.memory_space<vmem>>, vector<1x512x128xbf16>
    %get3A_227 = vector.shape_cast %get3A_226 : vector<1x512x128xbf16> to vector<512x128xbf16>
    %dot_general3A_228 = arith.constant dense<0.000000e+00> : vector<512x512xf32>
    %dot_general3A_229 = tpu.matmul %convert_element_type3A_50, %get3A_222, %dot_general3A_228 {dimension_numbers = #tpu.dot_dimension_numbers<[1], [1], [0], [0], [0, 0, 1, 0], [], []>, transpose_lhs_hint = false} : vector<512x192xbf16>, vector<512x192xbf16>, vector<512x512xf32> -> vector<512x512xf32>
    %mul3A_230 = arith.constant 0.0721687824 : f32
    %mul3A_231 = vector.broadcast %mul3A_230 : f32 to vector<512x512xf32>
    %mul3A_232 = arith.mulf %dot_general3A_229, %mul3A_231 : vector<512x512xf32>
    %iota3A_233 = tpu.iota {dimensions = array<i32: 0>} : vector<512x512xi32>
    %iota3A_234 = tpu.iota {dimensions = array<i32: 1>} : vector<512x512xi32>
    %ge3A_235 = arith.cmpi sge, %iota3A_233, %iota3A_234 : vector<512x512xi32>
    %jit3A_236 = arith.constant -1.000000e+09 : f32
    %broadcast_in_dim3A_237 = vector.broadcast %jit3A_236 : f32 to vector<512x512xf32>
    %select_n3A_238 = arith.select %ge3A_235, %mul3A_232, %broadcast_in_dim3A_237 : vector<512x512xi1>, vector<512x512xf32>
    %exp3A_239 = math.exp %select_n3A_238 : vector<512x512xf32>
    %convert_element_type3A_240 = arith.truncf %exp3A_239 : vector<512x512xf32> to vector<512x512xbf16>
    %dot_general3A_241 = arith.constant dense<0.000000e+00> : vector<512x128xf32>
    %dot_general3A_242 = tpu.matmul %convert_element_type3A_240, %get3A_227, %dot_general3A_241 {dimension_numbers = #tpu.dot_dimension_numbers<[1], [0], [0], [1], [0, 0, 1, 1], [], []>, transpose_lhs_hint = false} : vector<512x512xbf16>, vector<512x128xbf16>, vector<512x128xf32> -> vector<512x128xf32>
    %add3A_243 = arith.addf %while3A_189#3, %dot_general3A_242 : vector<512x128xf32>
    %reduce_sum3A_244 = arith.constant dense<0.000000e+00> : vector<512xf32>
    %reduce_sum3A_245 = vector.multi_reduction <add>, %exp3A_239, %reduce_sum3A_244 [1] : vector<512x512xf32> to vector<512xf32>
    %broadcast_in_dim3A_246 = vector.shape_cast %reduce_sum3A_245 : vector<512xf32> to vector<512x1xf32>
    %add3A_247 = arith.addf %while3A_189#2, %broadcast_in_dim3A_246 : vector<512x1xf32>
    %div3A_248 = vector.broadcast %add3A_247 : vector<512x1xf32> to vector<512x128xf32>
    %div3A_249 = arith.divf %add3A_243, %div3A_248 : vector<512x128xf32>
    %convert_element_type3A_250 = arith.truncf %div3A_249 : vector<512x128xf32> to vector<512x128xbf16>
    %get3A_251 = arith.constant 2 : index
    %get3A_252 = arith.index_cast %multiple_of3A : i32 to index
    %get3A_253 = arith.constant 0 : index
    %get3A_254 = vector.load %arg10[%get3A_251, %get3A_252, %get3A_253] : memref<8x2048x192xbf16, #tpu.memory_space<vmem>>, vector<1x512x192xbf16>
    %get3A_255 = vector.shape_cast %get3A_254 : vector<1x512x192xbf16> to vector<512x192xbf16>
    %get3A_256 = arith.constant 2 : index
    %get3A_257 = arith.index_cast %multiple_of3A : i32 to index
    %get3A_258 = arith.constant 0 : index
    %get3A_259 = vector.load %arg11[%get3A_256, %get3A_257, %get3A_258] : memref<8x2048x128xbf16, #tpu.memory_space<vmem>>, vector<1x512x128xbf16>
    %get3A_260 = vector.shape_cast %get3A_259 : vector<1x512x128xbf16> to vector<512x128xbf16>
    %dot_general3A_261 = arith.constant dense<0.000000e+00> : vector<512x512xf32>
    %dot_general3A_262 = tpu.matmul %convert_element_type3A_71, %get3A_255, %dot_general3A_261 {dimension_numbers = #tpu.dot_dimension_numbers<[1], [1], [0], [0], [0, 0, 1, 0], [], []>, transpose_lhs_hint = false} : vector<512x192xbf16>, vector<512x192xbf16>, vector<512x512xf32> -> vector<512x512xf32>
    %mul3A_263 = arith.constant 0.0721687824 : f32
    %mul3A_264 = vector.broadcast %mul3A_263 : f32 to vector<512x512xf32>
    %mul3A_265 = arith.mulf %dot_general3A_262, %mul3A_264 : vector<512x512xf32>
    %iota3A_266 = tpu.iota {dimensions = array<i32: 0>} : vector<512x512xi32>
    %iota3A_267 = tpu.iota {dimensions = array<i32: 1>} : vector<512x512xi32>
    %ge3A_268 = arith.cmpi sge, %iota3A_266, %iota3A_267 : vector<512x512xi32>
    %jit3A_269 = arith.constant -1.000000e+09 : f32
    %broadcast_in_dim3A_270 = vector.broadcast %jit3A_269 : f32 to vector<512x512xf32>
    %select_n3A_271 = arith.select %ge3A_268, %mul3A_265, %broadcast_in_dim3A_270 : vector<512x512xi1>, vector<512x512xf32>
    %exp3A_272 = math.exp %select_n3A_271 : vector<512x512xf32>
    %convert_element_type3A_273 = arith.truncf %exp3A_272 : vector<512x512xf32> to vector<512x512xbf16>
    %dot_general3A_274 = arith.constant dense<0.000000e+00> : vector<512x128xf32>
    %dot_general3A_275 = tpu.matmul %convert_element_type3A_273, %get3A_260, %dot_general3A_274 {dimension_numbers = #tpu.dot_dimension_numbers<[1], [0], [0], [1], [0, 0, 1, 1], [], []>, transpose_lhs_hint = false} : vector<512x512xbf16>, vector<512x128xbf16>, vector<512x128xf32> -> vector<512x128xf32>
    %add3A_276 = arith.addf %while3A_189#5, %dot_general3A_275 : vector<512x128xf32>
    %reduce_sum3A_277 = arith.constant dense<0.000000e+00> : vector<512xf32>
    %reduce_sum3A_278 = vector.multi_reduction <add>, %exp3A_272, %reduce_sum3A_277 [1] : vector<512x512xf32> to vector<512xf32>
    %broadcast_in_dim3A_279 = vector.shape_cast %reduce_sum3A_278 : vector<512xf32> to vector<512x1xf32>
    %add3A_280 = arith.addf %while3A_189#4, %broadcast_in_dim3A_279 : vector<512x1xf32>
    %div3A_281 = vector.broadcast %add3A_280 : vector<512x1xf32> to vector<512x128xf32>
    %div3A_282 = arith.divf %add3A_276, %div3A_281 : vector<512x128xf32>
    %convert_element_type3A_283 = arith.truncf %div3A_282 : vector<512x128xf32> to vector<512x128xbf16>
    %get3A_284 = arith.constant 3 : index
    %get3A_285 = arith.index_cast %multiple_of3A : i32 to index
    %get3A_286 = arith.constant 0 : index
    %get3A_287 = vector.load %arg10[%get3A_284, %get3A_285, %get3A_286] : memref<8x2048x192xbf16, #tpu.memory_space<vmem>>, vector<1x512x192xbf16>
    %get3A_288 = vector.shape_cast %get3A_287 : vector<1x512x192xbf16> to vector<512x192xbf16>
    %get3A_289 = arith.constant 3 : index
    %get3A_290 = arith.index_cast %multiple_of3A : i32 to index
    %get3A_291 = arith.constant 0 : index
    %get3A_292 = vector.load %arg11[%get3A_289, %get3A_290, %get3A_291] : memref<8x2048x128xbf16, #tpu.memory_space<vmem>>, vector<1x512x128xbf16>
    %get3A_293 = vector.shape_cast %get3A_292 : vector<1x512x128xbf16> to vector<512x128xbf16>
    %dot_general3A_294 = arith.constant dense<0.000000e+00> : vector<512x512xf32>
    %dot_general3A_295 = tpu.matmul %convert_element_type3A_92, %get3A_288, %dot_general3A_294 {dimension_numbers = #tpu.dot_dimension_numbers<[1], [1], [0], [0], [0, 0, 1, 0], [], []>, transpose_lhs_hint = false} : vector<512x192xbf16>, vector<512x192xbf16>, vector<512x512xf32> -> vector<512x512xf32>
    %mul3A_296 = arith.constant 0.0721687824 : f32
    %mul3A_297 = vector.broadcast %mul3A_296 : f32 to vector<512x512xf32>
    %mul3A_298 = arith.mulf %dot_general3A_295, %mul3A_297 : vector<512x512xf32>
    %iota3A_299 = tpu.iota {dimensions = array<i32: 0>} : vector<512x512xi32>
    %iota3A_300 = tpu.iota {dimensions = array<i32: 1>} : vector<512x512xi32>
    %ge3A_301 = arith.cmpi sge, %iota3A_299, %iota3A_300 : vector<512x512xi32>
    %jit3A_302 = arith.constant -1.000000e+09 : f32
    %broadcast_in_dim3A_303 = vector.broadcast %jit3A_302 : f32 to vector<512x512xf32>
    %select_n3A_304 = arith.select %ge3A_301, %mul3A_298, %broadcast_in_dim3A_303 : vector<512x512xi1>, vector<512x512xf32>
    %exp3A_305 = math.exp %select_n3A_304 : vector<512x512xf32>
    %convert_element_type3A_306 = arith.truncf %exp3A_305 : vector<512x512xf32> to vector<512x512xbf16>
    %dot_general3A_307 = arith.constant dense<0.000000e+00> : vector<512x128xf32>
    %dot_general3A_308 = tpu.matmul %convert_element_type3A_306, %get3A_293, %dot_general3A_307 {dimension_numbers = #tpu.dot_dimension_numbers<[1], [0], [0], [1], [0, 0, 1, 1], [], []>, transpose_lhs_hint = false} : vector<512x512xbf16>, vector<512x128xbf16>, vector<512x128xf32> -> vector<512x128xf32>
    %add3A_309 = arith.addf %while3A_189#7, %dot_general3A_308 : vector<512x128xf32>
    %reduce_sum3A_310 = arith.constant dense<0.000000e+00> : vector<512xf32>
    %reduce_sum3A_311 = vector.multi_reduction <add>, %exp3A_305, %reduce_sum3A_310 [1] : vector<512x512xf32> to vector<512xf32>
    %broadcast_in_dim3A_312 = vector.shape_cast %reduce_sum3A_311 : vector<512xf32> to vector<512x1xf32>
    %add3A_313 = arith.addf %while3A_189#6, %broadcast_in_dim3A_312 : vector<512x1xf32>
    %div3A_314 = vector.broadcast %add3A_313 : vector<512x1xf32> to vector<512x128xf32>
    %div3A_315 = arith.divf %add3A_309, %div3A_314 : vector<512x128xf32>
    %convert_element_type3A_316 = arith.truncf %div3A_315 : vector<512x128xf32> to vector<512x128xbf16>
    %get3A_317 = arith.constant 4 : index
    %get3A_318 = arith.index_cast %multiple_of3A : i32 to index
    %get3A_319 = arith.constant 0 : index
    %get3A_320 = vector.load %arg10[%get3A_317, %get3A_318, %get3A_319] : memref<8x2048x192xbf16, #tpu.memory_space<vmem>>, vector<1x512x192xbf16>
    %get3A_321 = vector.shape_cast %get3A_320 : vector<1x512x192xbf16> to vector<512x192xbf16>
    %get3A_322 = arith.constant 4 : index
    %get3A_323 = arith.index_cast %multiple_of3A : i32 to index
    %get3A_324 = arith.constant 0 : index
    %get3A_325 = vector.load %arg11[%get3A_322, %get3A_323, %get3A_324] : memref<8x2048x128xbf16, #tpu.memory_space<vmem>>, vector<1x512x128xbf16>
    %get3A_326 = vector.shape_cast %get3A_325 : vector<1x512x128xbf16> to vector<512x128xbf16>
    %dot_general3A_327 = arith.constant dense<0.000000e+00> : vector<512x512xf32>
    %dot_general3A_328 = tpu.matmul %convert_element_type3A_113, %get3A_321, %dot_general3A_327 {dimension_numbers = #tpu.dot_dimension_numbers<[1], [1], [0], [0], [0, 0, 1, 0], [], []>, transpose_lhs_hint = false} : vector<512x192xbf16>, vector<512x192xbf16>, vector<512x512xf32> -> vector<512x512xf32>
    %mul3A_329 = arith.constant 0.0721687824 : f32
    %mul3A_330 = vector.broadcast %mul3A_329 : f32 to vector<512x512xf32>
    %mul3A_331 = arith.mulf %dot_general3A_328, %mul3A_330 : vector<512x512xf32>
    %iota3A_332 = tpu.iota {dimensions = array<i32: 0>} : vector<512x512xi32>
    %iota3A_333 = tpu.iota {dimensions = array<i32: 1>} : vector<512x512xi32>
    %ge3A_334 = arith.cmpi sge, %iota3A_332, %iota3A_333 : vector<512x512xi32>
    %jit3A_335 = arith.constant -1.000000e+09 : f32
    %broadcast_in_dim3A_336 = vector.broadcast %jit3A_335 : f32 to vector<512x512xf32>
    %select_n3A_337 = arith.select %ge3A_334, %mul3A_331, %broadcast_in_dim3A_336 : vector<512x512xi1>, vector<512x512xf32>
    %exp3A_338 = math.exp %select_n3A_337 : vector<512x512xf32>
    %convert_element_type3A_339 = arith.truncf %exp3A_338 : vector<512x512xf32> to vector<512x512xbf16>
    %dot_general3A_340 = arith.constant dense<0.000000e+00> : vector<512x128xf32>
    %dot_general3A_341 = tpu.matmul %convert_element_type3A_339, %get3A_326, %dot_general3A_340 {dimension_numbers = #tpu.dot_dimension_numbers<[1], [0], [0], [1], [0, 0, 1, 1], [], []>, transpose_lhs_hint = false} : vector<512x512xbf16>, vector<512x128xbf16>, vector<512x128xf32> -> vector<512x128xf32>
    %add3A_342 = arith.addf %while3A_189#9, %dot_general3A_341 : vector<512x128xf32>
    %reduce_sum3A_343 = arith.constant dense<0.000000e+00> : vector<512xf32>
    %reduce_sum3A_344 = vector.multi_reduction <add>, %exp3A_338, %reduce_sum3A_343 [1] : vector<512x512xf32> to vector<512xf32>
    %broadcast_in_dim3A_345 = vector.shape_cast %reduce_sum3A_344 : vector<512xf32> to vector<512x1xf32>
    %add3A_346 = arith.addf %while3A_189#8, %broadcast_in_dim3A_345 : vector<512x1xf32>
    %div3A_347 = vector.broadcast %add3A_346 : vector<512x1xf32> to vector<512x128xf32>
    %div3A_348 = arith.divf %add3A_342, %div3A_347 : vector<512x128xf32>
    %convert_element_type3A_349 = arith.truncf %div3A_348 : vector<512x128xf32> to vector<512x128xbf16>
    %get3A_350 = arith.constant 5 : index
    %get3A_351 = arith.index_cast %multiple_of3A : i32 to index
    %get3A_352 = arith.constant 0 : index
    %get3A_353 = vector.load %arg10[%get3A_350, %get3A_351, %get3A_352] : memref<8x2048x192xbf16, #tpu.memory_space<vmem>>, vector<1x512x192xbf16>
    %get3A_354 = vector.shape_cast %get3A_353 : vector<1x512x192xbf16> to vector<512x192xbf16>
    %get3A_355 = arith.constant 5 : index
    %get3A_356 = arith.index_cast %multiple_of3A : i32 to index
    %get3A_357 = arith.constant 0 : index
    %get3A_358 = vector.load %arg11[%get3A_355, %get3A_356, %get3A_357] : memref<8x2048x128xbf16, #tpu.memory_space<vmem>>, vector<1x512x128xbf16>
    %get3A_359 = vector.shape_cast %get3A_358 : vector<1x512x128xbf16> to vector<512x128xbf16>
    %dot_general3A_360 = arith.constant dense<0.000000e+00> : vector<512x512xf32>
    %dot_general3A_361 = tpu.matmul %convert_element_type3A_134, %get3A_354, %dot_general3A_360 {dimension_numbers = #tpu.dot_dimension_numbers<[1], [1], [0], [0], [0, 0, 1, 0], [], []>, transpose_lhs_hint = false} : vector<512x192xbf16>, vector<512x192xbf16>, vector<512x512xf32> -> vector<512x512xf32>
    %mul3A_362 = arith.constant 0.0721687824 : f32
    %mul3A_363 = vector.broadcast %mul3A_362 : f32 to vector<512x512xf32>
    %mul3A_364 = arith.mulf %dot_general3A_361, %mul3A_363 : vector<512x512xf32>
    %iota3A_365 = tpu.iota {dimensions = array<i32: 0>} : vector<512x512xi32>
    %iota3A_366 = tpu.iota {dimensions = array<i32: 1>} : vector<512x512xi32>
    %ge3A_367 = arith.cmpi sge, %iota3A_365, %iota3A_366 : vector<512x512xi32>
    %jit3A_368 = arith.constant -1.000000e+09 : f32
    %broadcast_in_dim3A_369 = vector.broadcast %jit3A_368 : f32 to vector<512x512xf32>
    %select_n3A_370 = arith.select %ge3A_367, %mul3A_364, %broadcast_in_dim3A_369 : vector<512x512xi1>, vector<512x512xf32>
    %exp3A_371 = math.exp %select_n3A_370 : vector<512x512xf32>
    %convert_element_type3A_372 = arith.truncf %exp3A_371 : vector<512x512xf32> to vector<512x512xbf16>
    %dot_general3A_373 = arith.constant dense<0.000000e+00> : vector<512x128xf32>
    %dot_general3A_374 = tpu.matmul %convert_element_type3A_372, %get3A_359, %dot_general3A_373 {dimension_numbers = #tpu.dot_dimension_numbers<[1], [0], [0], [1], [0, 0, 1, 1], [], []>, transpose_lhs_hint = false} : vector<512x512xbf16>, vector<512x128xbf16>, vector<512x128xf32> -> vector<512x128xf32>
    %add3A_375 = arith.addf %while3A_189#11, %dot_general3A_374 : vector<512x128xf32>
    %reduce_sum3A_376 = arith.constant dense<0.000000e+00> : vector<512xf32>
    %reduce_sum3A_377 = vector.multi_reduction <add>, %exp3A_371, %reduce_sum3A_376 [1] : vector<512x512xf32> to vector<512xf32>
    %broadcast_in_dim3A_378 = vector.shape_cast %reduce_sum3A_377 : vector<512xf32> to vector<512x1xf32>
    %add3A_379 = arith.addf %while3A_189#10, %broadcast_in_dim3A_378 : vector<512x1xf32>
    %div3A_380 = vector.broadcast %add3A_379 : vector<512x1xf32> to vector<512x128xf32>
    %div3A_381 = arith.divf %add3A_375, %div3A_380 : vector<512x128xf32>
    %convert_element_type3A_382 = arith.truncf %div3A_381 : vector<512x128xf32> to vector<512x128xbf16>
    %get3A_383 = arith.constant 6 : index
    %get3A_384 = arith.index_cast %multiple_of3A : i32 to index
    %get3A_385 = arith.constant 0 : index
    %get3A_386 = vector.load %arg10[%get3A_383, %get3A_384, %get3A_385] : memref<8x2048x192xbf16, #tpu.memory_space<vmem>>, vector<1x512x192xbf16>
    %get3A_387 = vector.shape_cast %get3A_386 : vector<1x512x192xbf16> to vector<512x192xbf16>
    %get3A_388 = arith.constant 6 : index
    %get3A_389 = arith.index_cast %multiple_of3A : i32 to index
    %get3A_390 = arith.constant 0 : index
    %get3A_391 = vector.load %arg11[%get3A_388, %get3A_389, %get3A_390] : memref<8x2048x128xbf16, #tpu.memory_space<vmem>>, vector<1x512x128xbf16>
    %get3A_392 = vector.shape_cast %get3A_391 : vector<1x512x128xbf16> to vector<512x128xbf16>
    %dot_general3A_393 = arith.constant dense<0.000000e+00> : vector<512x512xf32>
    %dot_general3A_394 = tpu.matmul %convert_element_type3A_155, %get3A_387, %dot_general3A_393 {dimension_numbers = #tpu.dot_dimension_numbers<[1], [1], [0], [0], [0, 0, 1, 0], [], []>, transpose_lhs_hint = false} : vector<512x192xbf16>, vector<512x192xbf16>, vector<512x512xf32> -> vector<512x512xf32>
    %mul3A_395 = arith.constant 0.0721687824 : f32
    %mul3A_396 = vector.broadcast %mul3A_395 : f32 to vector<512x512xf32>
    %mul3A_397 = arith.mulf %dot_general3A_394, %mul3A_396 : vector<512x512xf32>
    %iota3A_398 = tpu.iota {dimensions = array<i32: 0>} : vector<512x512xi32>
    %iota3A_399 = tpu.iota {dimensions = array<i32: 1>} : vector<512x512xi32>
    %ge3A_400 = arith.cmpi sge, %iota3A_398, %iota3A_399 : vector<512x512xi32>
    %jit3A_401 = arith.constant -1.000000e+09 : f32
    %broadcast_in_dim3A_402 = vector.broadcast %jit3A_401 : f32 to vector<512x512xf32>
    %select_n3A_403 = arith.select %ge3A_400, %mul3A_397, %broadcast_in_dim3A_402 : vector<512x512xi1>, vector<512x512xf32>
    %exp3A_404 = math.exp %select_n3A_403 : vector<512x512xf32>
    %convert_element_type3A_405 = arith.truncf %exp3A_404 : vector<512x512xf32> to vector<512x512xbf16>
    %dot_general3A_406 = arith.constant dense<0.000000e+00> : vector<512x128xf32>
    %dot_general3A_407 = tpu.matmul %convert_element_type3A_405, %get3A_392, %dot_general3A_406 {dimension_numbers = #tpu.dot_dimension_numbers<[1], [0], [0], [1], [0, 0, 1, 1], [], []>, transpose_lhs_hint = false} : vector<512x512xbf16>, vector<512x128xbf16>, vector<512x128xf32> -> vector<512x128xf32>
    %add3A_408 = arith.addf %while3A_189#13, %dot_general3A_407 : vector<512x128xf32>
    %reduce_sum3A_409 = arith.constant dense<0.000000e+00> : vector<512xf32>
    %reduce_sum3A_410 = vector.multi_reduction <add>, %exp3A_404, %reduce_sum3A_409 [1] : vector<512x512xf32> to vector<512xf32>
    %broadcast_in_dim3A_411 = vector.shape_cast %reduce_sum3A_410 : vector<512xf32> to vector<512x1xf32>
    %add3A_412 = arith.addf %while3A_189#12, %broadcast_in_dim3A_411 : vector<512x1xf32>
    %div3A_413 = vector.broadcast %add3A_412 : vector<512x1xf32> to vector<512x128xf32>
    %div3A_414 = arith.divf %add3A_408, %div3A_413 : vector<512x128xf32>
    %convert_element_type3A_415 = arith.truncf %div3A_414 : vector<512x128xf32> to vector<512x128xbf16>
    %get3A_416 = arith.constant 7 : index
    %get3A_417 = arith.index_cast %multiple_of3A : i32 to index
    %get3A_418 = arith.constant 0 : index
    %get3A_419 = vector.load %arg10[%get3A_416, %get3A_417, %get3A_418] : memref<8x2048x192xbf16, #tpu.memory_space<vmem>>, vector<1x512x192xbf16>
    %get3A_420 = vector.shape_cast %get3A_419 : vector<1x512x192xbf16> to vector<512x192xbf16>
    %get3A_421 = arith.constant 7 : index
    %get3A_422 = arith.index_cast %multiple_of3A : i32 to index
    %get3A_423 = arith.constant 0 : index
    %get3A_424 = vector.load %arg11[%get3A_421, %get3A_422, %get3A_423] : memref<8x2048x128xbf16, #tpu.memory_space<vmem>>, vector<1x512x128xbf16>
    %get3A_425 = vector.shape_cast %get3A_424 : vector<1x512x128xbf16> to vector<512x128xbf16>
    %dot_general3A_426 = arith.constant dense<0.000000e+00> : vector<512x512xf32>
    %dot_general3A_427 = tpu.matmul %convert_element_type3A_176, %get3A_420, %dot_general3A_426 {dimension_numbers = #tpu.dot_dimension_numbers<[1], [1], [0], [0], [0, 0, 1, 0], [], []>, transpose_lhs_hint = false} : vector<512x192xbf16>, vector<512x192xbf16>, vector<512x512xf32> -> vector<512x512xf32>
    %mul3A_428 = arith.constant 0.0721687824 : f32
    %mul3A_429 = vector.broadcast %mul3A_428 : f32 to vector<512x512xf32>
    %mul3A_430 = arith.mulf %dot_general3A_427, %mul3A_429 : vector<512x512xf32>
    %iota3A_431 = tpu.iota {dimensions = array<i32: 0>} : vector<512x512xi32>
    %iota3A_432 = tpu.iota {dimensions = array<i32: 1>} : vector<512x512xi32>
    %ge3A_433 = arith.cmpi sge, %iota3A_431, %iota3A_432 : vector<512x512xi32>
    %jit3A_434 = arith.constant -1.000000e+09 : f32
    %broadcast_in_dim3A_435 = vector.broadcast %jit3A_434 : f32 to vector<512x512xf32>
    %select_n3A_436 = arith.select %ge3A_433, %mul3A_430, %broadcast_in_dim3A_435 : vector<512x512xi1>, vector<512x512xf32>
    %exp3A_437 = math.exp %select_n3A_436 : vector<512x512xf32>
    %convert_element_type3A_438 = arith.truncf %exp3A_437 : vector<512x512xf32> to vector<512x512xbf16>
    %dot_general3A_439 = arith.constant dense<0.000000e+00> : vector<512x128xf32>
    %dot_general3A_440 = tpu.matmul %convert_element_type3A_438, %get3A_425, %dot_general3A_439 {dimension_numbers = #tpu.dot_dimension_numbers<[1], [0], [0], [1], [0, 0, 1, 1], [], []>, transpose_lhs_hint = false} : vector<512x512xbf16>, vector<512x128xbf16>, vector<512x128xf32> -> vector<512x128xf32>
    %add3A_441 = arith.addf %while3A_189#15, %dot_general3A_440 : vector<512x128xf32>
    %reduce_sum3A_442 = arith.constant dense<0.000000e+00> : vector<512xf32>
    %reduce_sum3A_443 = vector.multi_reduction <add>, %exp3A_437, %reduce_sum3A_442 [1] : vector<512x512xf32> to vector<512xf32>
    %broadcast_in_dim3A_444 = vector.shape_cast %reduce_sum3A_443 : vector<512xf32> to vector<512x1xf32>
    %add3A_445 = arith.addf %while3A_189#14, %broadcast_in_dim3A_444 : vector<512x1xf32>
    %div3A_446 = vector.broadcast %add3A_445 : vector<512x1xf32> to vector<512x128xf32>
    %div3A_447 = arith.divf %add3A_441, %div3A_446 : vector<512x128xf32>
    %convert_element_type3A_448 = arith.truncf %div3A_447 : vector<512x128xf32> to vector<512x128xbf16>
    %concatenate3A_449 = tpu.concatenate %convert_element_type3A_217, %convert_element_type3A_250, %convert_element_type3A_283, %convert_element_type3A_316, %convert_element_type3A_349, %convert_element_type3A_382, %convert_element_type3A_415, %convert_element_type3A_448 in 1 : vector<512x128xbf16>, vector<512x128xbf16>, vector<512x128xbf16>, vector<512x128xbf16>, vector<512x128xbf16>, vector<512x128xbf16>, vector<512x128xbf16>, vector<512x128xbf16> -> vector<512x1024xbf16>
    %swap3A = arith.constant 0 : index
    %swap3A_450 = arith.constant 0 : index
    %swap3A_451 = vector.load %arg9[%swap3A, %swap3A_450] : memref<512x1024xbf16, #tpu.memory_space<vmem>>, vector<512x1024xbf16>
    tpu.vector_store %arg9[%swap3A, %swap3A_450], %concatenate3A_449 {strides = array<i32>} : memref<512x1024xbf16, #tpu.memory_space<vmem>>, vector<512x1024xbf16>,
    return
  }
  func.func @transform_0(%arg0: i32, %arg1: i32) -> (i32, i32) {
    %c0_i32 = arith.constant 0 : i32
    %c0_i32_0 = arith.constant 0 : i32
    return %arg1, %c0_i32 : i32, i32
  }
  func.func @transform_1(%arg0: i32, %arg1: i32) -> (i32, i32) {
    %c0_i32 = arith.constant 0 : i32
    %c0_i32_0 = arith.constant 0 : i32
    %c0_i32_1 = arith.constant 0 : i32
    return %c0_i32, %c0_i32_0 : i32, i32
  }
  func.func @transform_2(%arg0: i32, %arg1: i32) -> (i32, i32, i32) {
    %c0_i32 = arith.constant 0 : i32
    %c0_i32_0 = arith.constant 0 : i32
    %c0_i32_1 = arith.constant 0 : i32
    return %arg0, %c0_i32, %c0_i32_0 : i32, i32, i32
  }
  func.func @transform_3(%arg0: i32, %arg1: i32) -> (i32, i32, i32) {
    %c0_i32 = arith.constant 0 : i32
    %c0_i32_0 = arith.constant 0 : i32
    %c0_i32_1 = arith.constant 0 : i32
    return %arg0, %c0_i32, %c0_i32_0 : i32, i32, i32
  }
  func.func @transform_4(%arg0: i32, %arg1: i32) -> (i32, i32) {
    %c0_i32 = arith.constant 0 : i32
    %c0_i32_0 = arith.constant 0 : i32
    %c0_i32_1 = arith.constant 0 : i32
    return %c0_i32, %c0_i32_0 : i32, i32
  }
  func.func @transform_5(%arg0: i32, %arg1: i32) -> (i32, i32) {
    %c0_i32 = arith.constant 0 : i32
    %c0_i32_0 = arith.constant 0 : i32
    %c0_i32_1 = arith.constant 0 : i32
    return %c0_i32, %c0_i32_0 : i32, i32
  }
  func.func @transform_6(%arg0: i32, %arg1: i32) -> (i32, i32) {
    %c0_i32 = arith.constant 0 : i32
    %c0_i32_0 = arith.constant 0 : i32
    %c0_i32_1 = arith.constant 0 : i32
    return %c0_i32, %c0_i32_0 : i32, i32
  }
  func.func @transform_7(%arg0: i32, %arg1: i32) -> (i32, i32) {
    %c0_i32 = arith.constant 0 : i32
    return %arg1, %arg0 : i32, i32
  }
}

module attributes {stable_mosaic.version = 14 : i64} {
  func.func @_k3_body(%arg0: i32, %arg1: memref<256x1024xf32, #tpu.memory_space<vmem>>, %arg2: memref<256x2048xbf16, #tpu.memory_space<vmem>>, %arg3: memref<1024x2048xbf16, #tpu.memory_space<vmem>>, %arg4: memref<1x1024xf32, #tpu.memory_space<vmem>>, %arg5: memref<128x1024xf32, #tpu.memory_space<vmem>>, %arg6: memref<1x128xf32, #tpu.memory_space<vmem>>, %arg7: memref<256x1024xf32, #tpu.memory_space<vmem>>, %arg8: memref<256x1024xf32, #tpu.memory_space<vmem>>, %arg9: memref<256x128xf32, #tpu.memory_space<vmem>>, %arg10: memref<256x128xf32, #tpu.memory_space<vmem>>, %arg11: memref<256x128xi32, #tpu.memory_space<vmem>>) attributes {dimension_semantics = [#tpu.dimension_semantics<arbitrary>], iteration_bounds = array<i64: 8>, scalar_prefetch = 0 : i64, scratch_operands = 0 : i64, tpu.core_type = #tpu.core_type<tc>, window_params = [{transform_indices = @transform_0, window_bounds = array<i64: 256, 1024>}, {transform_indices = @transform_1, window_bounds = array<i64: 256, 2048>}, {pipeline_mode = #tpu.pipeline_mode<synchronous>, transform_indices = @transform_2, window_bounds = array<i64: 1024, 2048>}, {pipeline_mode = #tpu.pipeline_mode<synchronous>, transform_indices = @transform_3, window_bounds = array<i64: 1, 1024>}, {pipeline_mode = #tpu.pipeline_mode<synchronous>, transform_indices = @transform_4, window_bounds = array<i64: 128, 1024>}, {pipeline_mode = #tpu.pipeline_mode<synchronous>, transform_indices = @transform_5, window_bounds = array<i64: 1, 128>}, {transform_indices = @transform_6, window_bounds = array<i64: 256, 1024>}, {transform_indices = @transform_7, window_bounds = array<i64: 256, 1024>}, {transform_indices = @transform_8, window_bounds = array<i64: 256, 128>}, {transform_indices = @transform_9, window_bounds = array<i64: 256, 128>}, {transform_indices = @transform_10, window_bounds = array<i64: 256, 128>}]} {
    %get3A = arith.constant 0 : index
    %get3A_0 = arith.constant 0 : index
    %get3A_1 = vector.load %arg1[%get3A, %get3A_0] : memref<256x1024xf32, #tpu.memory_space<vmem>>, vector<256x1024xf32>
    %get3A_2 = arith.constant 0 : index
    %get3A_3 = arith.constant 0 : index
    %get3A_4 = vector.load %arg2[%get3A_2, %get3A_3] : memref<256x2048xbf16, #tpu.memory_space<vmem>>, vector<256x2048xbf16>
    %get3A_5 = arith.constant 0 : index
    %get3A_6 = arith.constant 0 : index
    %get3A_7 = vector.load %arg3[%get3A_5, %get3A_6] : memref<1024x2048xbf16, #tpu.memory_space<vmem>>, vector<1024x2048xbf16>
    %dot_general3A = arith.constant dense<0.000000e+00> : vector<256x1024xf32>
    %dot_general3A_8 = tpu.matmul %get3A_4, %get3A_7, %dot_general3A {dimension_numbers = #tpu.dot_dimension_numbers<[1], [1], [0], [0], [0, 0, 1, 0], [], []>, transpose_lhs_hint = false} : vector<256x2048xbf16>, vector<1024x2048xbf16>, vector<256x1024xf32> -> vector<256x1024xf32>
    %add3A = arith.addf %get3A_1, %dot_general3A_8 : vector<256x1024xf32>
    %swap3A = arith.constant 0 : index
    %swap3A_9 = arith.constant 0 : index
    %swap3A_10 = vector.load %arg7[%swap3A, %swap3A_9] : memref<256x1024xf32, #tpu.memory_space<vmem>>, vector<256x1024xf32>
    tpu.vector_store %arg7[%swap3A, %swap3A_9], %add3A {strides = array<i32>} : memref<256x1024xf32, #tpu.memory_space<vmem>>, vector<256x1024xf32>,
    %get3A_11 = arith.constant 0 : index
    %get3A_12 = arith.constant 0 : index
    %get3A_13 = vector.load %arg4[%get3A_11, %get3A_12] : memref<1x1024xf32, #tpu.memory_space<vmem>>, vector<1x1024xf32>
    %mul3A = arith.mulf %add3A, %add3A : vector<256x1024xf32>
    %reduce_sum3A = arith.constant dense<0.000000e+00> : vector<256xf32>
    %reduce_sum3A_14 = vector.multi_reduction <add>, %mul3A, %reduce_sum3A [1] : vector<256x1024xf32> to vector<256xf32>
    %broadcast_in_dim3A = vector.shape_cast %reduce_sum3A_14 : vector<256xf32> to vector<256x1xf32>
    %div3A = arith.constant 1.024000e+03 : f32
    %div3A_15 = vector.broadcast %div3A : f32 to vector<256x1xf32>
    %div3A_16 = arith.divf %broadcast_in_dim3A, %div3A_15 : vector<256x1xf32>
    %add3A_17 = arith.constant 9.99999997E-7 : f32
    %add3A_18 = vector.broadcast %add3A_17 : f32 to vector<256x1xf32>
    %add3A_19 = arith.addf %div3A_16, %add3A_18 : vector<256x1xf32>
    %rsqrt3A = math.rsqrt %add3A_19 : vector<256x1xf32>
    %mul3A_20 = vector.broadcast %rsqrt3A : vector<256x1xf32> to vector<256x1024xf32>
    %mul3A_21 = arith.mulf %add3A, %mul3A_20 : vector<256x1024xf32>
    %mul3A_22 = vector.broadcast %get3A_13 : vector<1x1024xf32> to vector<256x1024xf32>
    %mul3A_23 = arith.mulf %mul3A_21, %mul3A_22 : vector<256x1024xf32>
    %swap3A_24 = arith.constant 0 : index
    %swap3A_25 = arith.constant 0 : index
    %swap3A_26 = vector.load %arg8[%swap3A_24, %swap3A_25] : memref<256x1024xf32, #tpu.memory_space<vmem>>, vector<256x1024xf32>
    tpu.vector_store %arg8[%swap3A_24, %swap3A_25], %mul3A_23 {strides = array<i32>} : memref<256x1024xf32, #tpu.memory_space<vmem>>, vector<256x1024xf32>,
    %get3A_27 = arith.constant 0 : index
    %get3A_28 = arith.constant 0 : index
    %get3A_29 = vector.load %arg5[%get3A_27, %get3A_28] : memref<128x1024xf32, #tpu.memory_space<vmem>>, vector<128x1024xf32>
    %dot_general3A_30 = arith.constant dense<0.000000e+00> : vector<256x128xf32>
    %dot_general3A_31 = tpu.matmul %mul3A_23, %get3A_29, %dot_general3A_30 {dimension_numbers = #tpu.dot_dimension_numbers<[1], [1], [0], [0], [0, 0, 1, 0], [], []>, transpose_lhs_hint = false} : vector<256x1024xf32>, vector<128x1024xf32>, vector<256x128xf32> -> vector<256x128xf32>
    %get3A_32 = arith.constant 0 : index
    %get3A_33 = arith.constant 0 : index
    %get3A_34 = vector.load %arg6[%get3A_32, %get3A_33] : memref<1x128xf32, #tpu.memory_space<vmem>>, vector<1x128xf32>
    %add3A_35 = vector.broadcast %get3A_34 : vector<1x128xf32> to vector<256x128xf32>
    %add3A_36 = arith.addf %dot_general3A_31, %add3A_35 : vector<256x128xf32>
    %iota3A = tpu.iota {dimensions = array<i32: 1>} : vector<256x128xi32>
    %reduce_max3A = arith.constant dense<0xFF800000> : vector<256xf32>
    %reduce_max3A_37 = vector.multi_reduction <maximumf>, %add3A_36, %reduce_max3A [1] : vector<256x128xf32> to vector<256xf32>
    %broadcast_in_dim3A_38 = vector.shape_cast %reduce_max3A_37 : vector<256xf32> to vector<256x1xf32>
    %eq3A = vector.broadcast %broadcast_in_dim3A_38 : vector<256x1xf32> to vector<256x128xf32>
    %eq3A_39 = arith.cmpf oeq, %add3A_36, %eq3A : vector<256x128xf32>
    %jit3A = arith.constant 128 : i32
    %broadcast_in_dim3A_40 = vector.broadcast %jit3A : i32 to vector<256x128xi32>
    %select_n3A = arith.select %eq3A_39, %iota3A, %broadcast_in_dim3A_40 : vector<256x128xi1>, vector<256x128xi32>
    %reduce_min3A = arith.constant dense<2147483647> : vector<256xi32>
    %reduce_min3A_41 = vector.multi_reduction <minsi>, %select_n3A, %reduce_min3A [1] : vector<256x128xi32> to vector<256xi32>
    %broadcast_in_dim3A_42 = vector.shape_cast %reduce_min3A_41 : vector<256xi32> to vector<256x1xi32>
    %eq3A_43 = vector.broadcast %broadcast_in_dim3A_42 : vector<256x1xi32> to vector<256x128xi32>
    %eq3A_44 = arith.cmpi eq, %iota3A, %eq3A_43 : vector<256x128xi32>
    %jit3A_45 = arith.constant -1.000000e+30 : f32
    %broadcast_in_dim3A_46 = vector.broadcast %jit3A_45 : f32 to vector<256x128xf32>
    %select_n3A_47 = arith.select %eq3A_44, %broadcast_in_dim3A_46, %add3A_36 : vector<256x128xi1>, vector<256x128xf32>
    %reduce_max3A_48 = arith.constant dense<0xFF800000> : vector<256xf32>
    %reduce_max3A_49 = vector.multi_reduction <maximumf>, %select_n3A_47, %reduce_max3A_48 [1] : vector<256x128xf32> to vector<256xf32>
    %broadcast_in_dim3A_50 = vector.shape_cast %reduce_max3A_49 : vector<256xf32> to vector<256x1xf32>
    %eq3A_51 = vector.broadcast %broadcast_in_dim3A_50 : vector<256x1xf32> to vector<256x128xf32>
    %eq3A_52 = arith.cmpf oeq, %select_n3A_47, %eq3A_51 : vector<256x128xf32>
    %jit3A_53 = arith.constant 128 : i32
    %broadcast_in_dim3A_54 = vector.broadcast %jit3A_53 : i32 to vector<256x128xi32>
    %select_n3A_55 = arith.select %eq3A_52, %iota3A, %broadcast_in_dim3A_54 : vector<256x128xi1>, vector<256x128xi32>
    %reduce_min3A_56 = arith.constant dense<2147483647> : vector<256xi32>
    %reduce_min3A_57 = vector.multi_reduction <minsi>, %select_n3A_55, %reduce_min3A_56 [1] : vector<256x128xi32> to vector<256xi32>
    %broadcast_in_dim3A_58 = vector.shape_cast %reduce_min3A_57 : vector<256xi32> to vector<256x1xi32>
    %sub3A = arith.subf %broadcast_in_dim3A_38, %broadcast_in_dim3A_50 : vector<256x1xf32>
    %logistic3A = arith.negf %sub3A : vector<256x1xf32>
    %logistic3A_59 = math.exp %logistic3A : vector<256x1xf32>
    %logistic3A_60 = arith.constant 1.000000e+00 : f32
    %logistic3A_61 = vector.broadcast %logistic3A_60 : f32 to vector<256x1xf32>
    %logistic3A_62 = arith.addf %logistic3A_61, %logistic3A_59 : vector<256x1xf32>
    %logistic3A_63 = arith.divf %logistic3A_61, %logistic3A_62 : vector<256x1xf32>
    %broadcast_in_dim3A_64 = vector.shape_cast %logistic3A_63 : vector<256x1xf32> to vector<256x1xf32>
    %broadcast_in_dim3A_65 = vector.broadcast %broadcast_in_dim3A_64 : vector<256x1xf32> to vector<256x128xf32>
    %swap3A_66 = arith.constant 0 : index
    %swap3A_67 = arith.constant 0 : index
    %swap3A_68 = vector.load %arg9[%swap3A_66, %swap3A_67] : memref<256x128xf32, #tpu.memory_space<vmem>>, vector<256x128xf32>
    tpu.vector_store %arg9[%swap3A_66, %swap3A_67], %broadcast_in_dim3A_65 {strides = array<i32>} : memref<256x128xf32, #tpu.memory_space<vmem>>, vector<256x128xf32>,
    %sub3A_69 = arith.constant 1.000000e+00 : f32
    %sub3A_70 = vector.broadcast %sub3A_69 : f32 to vector<256x1xf32>
    %sub3A_71 = arith.subf %sub3A_70, %logistic3A_63 : vector<256x1xf32>
    %broadcast_in_dim3A_72 = vector.shape_cast %sub3A_71 : vector<256x1xf32> to vector<256x1xf32>
    %broadcast_in_dim3A_73 = vector.broadcast %broadcast_in_dim3A_72 : vector<256x1xf32> to vector<256x128xf32>
    %swap3A_74 = arith.constant 0 : index
    %swap3A_75 = arith.constant 0 : index
    %swap3A_76 = vector.load %arg10[%swap3A_74, %swap3A_75] : memref<256x128xf32, #tpu.memory_space<vmem>>, vector<256x128xf32>
    tpu.vector_store %arg10[%swap3A_74, %swap3A_75], %broadcast_in_dim3A_73 {strides = array<i32>} : memref<256x128xf32, #tpu.memory_space<vmem>>, vector<256x128xf32>,
    %eq3A_77 = arith.constant 0 : i32
    %eq3A_78 = vector.broadcast %eq3A_77 : i32 to vector<256x128xi32>
    %eq3A_79 = arith.cmpi eq, %iota3A, %eq3A_78 : vector<256x128xi32>
    %broadcast_in_dim3A_80 = vector.shape_cast %broadcast_in_dim3A_42 : vector<256x1xi32> to vector<256x1xi32>
    %broadcast_in_dim3A_81 = vector.broadcast %broadcast_in_dim3A_80 : vector<256x1xi32> to vector<256x128xi32>
    %eq3A_82 = arith.constant 1 : i32
    %eq3A_83 = vector.broadcast %eq3A_82 : i32 to vector<256x128xi32>
    %eq3A_84 = arith.cmpi eq, %iota3A, %eq3A_83 : vector<256x128xi32>
    %broadcast_in_dim3A_85 = vector.shape_cast %broadcast_in_dim3A_58 : vector<256x1xi32> to vector<256x1xi32>
    %broadcast_in_dim3A_86 = vector.broadcast %broadcast_in_dim3A_85 : vector<256x1xi32> to vector<256x128xi32>
    %jit3A_87 = arith.constant 0 : i32
    %broadcast_in_dim3A_88 = vector.broadcast %jit3A_87 : i32 to vector<256x128xi32>
    %select_n3A_89 = arith.select %eq3A_84, %broadcast_in_dim3A_86, %broadcast_in_dim3A_88 : vector<256x128xi1>, vector<256x128xi32>
    %select_n3A_90 = arith.select %eq3A_79, %broadcast_in_dim3A_81, %select_n3A_89 : vector<256x128xi1>, vector<256x128xi32>
    %swap3A_91 = arith.constant 0 : index
    %swap3A_92 = arith.constant 0 : index
    %swap3A_93 = vector.load %arg11[%swap3A_91, %swap3A_92] : memref<256x128xi32, #tpu.memory_space<vmem>>, vector<256x128xi32>
    tpu.vector_store %arg11[%swap3A_91, %swap3A_92], %select_n3A_90 {strides = array<i32>} : memref<256x128xi32, #tpu.memory_space<vmem>>, vector<256x128xi32>,
    return
  }
  func.func @transform_0(%arg0: i32) -> (i32, i32) {
    %c0_i32 = arith.constant 0 : i32
    %c0_i32_0 = arith.constant 0 : i32
    return %arg0, %c0_i32 : i32, i32
  }
  func.func @transform_1(%arg0: i32) -> (i32, i32) {
    %c0_i32 = arith.constant 0 : i32
    %c0_i32_0 = arith.constant 0 : i32
    return %arg0, %c0_i32 : i32, i32
  }
  func.func @transform_2(%arg0: i32) -> (i32, i32) {
    %c0_i32 = arith.constant 0 : i32
    %c0_i32_0 = arith.constant 0 : i32
    %c0_i32_1 = arith.constant 0 : i32
    return %c0_i32, %c0_i32_0 : i32, i32
  }
  func.func @transform_3(%arg0: i32) -> (i32, i32) {
    %c0_i32 = arith.constant 0 : i32
    %c0_i32_0 = arith.constant 0 : i32
    %c0_i32_1 = arith.constant 0 : i32
    return %c0_i32, %c0_i32_0 : i32, i32
  }
  func.func @transform_4(%arg0: i32) -> (i32, i32) {
    %c0_i32 = arith.constant 0 : i32
    %c0_i32_0 = arith.constant 0 : i32
    %c0_i32_1 = arith.constant 0 : i32
    return %c0_i32, %c0_i32_0 : i32, i32
  }
  func.func @transform_5(%arg0: i32) -> (i32, i32) {
    %c0_i32 = arith.constant 0 : i32
    %c0_i32_0 = arith.constant 0 : i32
    %c0_i32_1 = arith.constant 0 : i32
    return %c0_i32, %c0_i32_0 : i32, i32
  }
  func.func @transform_6(%arg0: i32) -> (i32, i32) {
    %c0_i32 = arith.constant 0 : i32
    %c0_i32_0 = arith.constant 0 : i32
    return %arg0, %c0_i32 : i32, i32
  }
  func.func @transform_7(%arg0: i32) -> (i32, i32) {
    %c0_i32 = arith.constant 0 : i32
    %c0_i32_0 = arith.constant 0 : i32
    return %arg0, %c0_i32 : i32, i32
  }
  func.func @transform_8(%arg0: i32) -> (i32, i32) {
    %c0_i32 = arith.constant 0 : i32
    %c0_i32_0 = arith.constant 0 : i32
    return %arg0, %c0_i32 : i32, i32
  }
  func.func @transform_9(%arg0: i32) -> (i32, i32) {
    %c0_i32 = arith.constant 0 : i32
    %c0_i32_0 = arith.constant 0 : i32
    return %arg0, %c0_i32 : i32, i32
  }
  func.func @transform_10(%arg0: i32) -> (i32, i32) {
    %c0_i32 = arith.constant 0 : i32
    %c0_i32_0 = arith.constant 0 : i32
    return %arg0, %c0_i32 : i32, i32
  }
}

module attributes {stable_mosaic.version = 14 : i64} {
  func.func @_k4_body(%arg0: i32, %arg1: memref<2x24xi32, #tpu.memory_space<smem>>, %arg2: memref<256x1024xf32, #tpu.memory_space<vmem>>, %arg3: memref<1x512x1024xf32, #tpu.memory_space<vmem>>, %arg4: memref<1x512x1024xf32, #tpu.memory_space<vmem>>, %arg5: memref<1x1024x512xf32, #tpu.memory_space<vmem>>, %arg6: memref<256x1024xf32, #tpu.memory_space<vmem>>, %arg7: memref<512x1024xbf16, #tpu.memory_space<vmem>>, %arg8: memref<512x1024xbf16, #tpu.memory_space<vmem>>, %arg9: memref<1024x512xbf16, #tpu.memory_space<vmem>>) attributes {dimension_semantics = [#tpu.dimension_semantics<arbitrary>], iteration_bounds = array<i64: 24>, scalar_prefetch = 1 : i64, scratch_operands = 3 : i64, tpu.core_type = #tpu.core_type<tc>, window_params = [{transform_indices = @transform_0, window_bounds = array<i64: 256, 1024>}, {transform_indices = @transform_1, window_bounds = array<i64: 1, 512, 1024>}, {transform_indices = @transform_2, window_bounds = array<i64: 1, 512, 1024>}, {transform_indices = @transform_3, window_bounds = array<i64: 1, 1024, 512>}, {transform_indices = @transform_4, window_bounds = array<i64: 256, 1024>}]} {
    %sub3A = arith.constant 1 : i32
    %sub3A_0 = arith.subi %arg0, %sub3A : i32
    %max3A = arith.constant 0 : i32
    %max3A_1 = arith.maxsi %sub3A_0, %max3A : i32
    %get3A = arith.constant 0 : index
    %get3A_2 = arith.index_cast %max3A_1 : i32 to index
    %get3A_3 = memref.load %arg1[%get3A, %get3A_2] : memref<2x24xi32, #tpu.memory_space<smem>>
    %eq3A = arith.constant 0 : i32
    %eq3A_4 = arith.cmpi eq, %arg0, %eq3A : i32
    %get3A_5 = arith.constant 0 : index
    %get3A_6 = arith.index_cast %arg0 : i32 to index
    %get3A_7 = memref.load %arg1[%get3A_5, %get3A_6] : memref<2x24xi32, #tpu.memory_space<smem>>
    %ne3A = arith.cmpi ne, %get3A_7, %get3A_3 : i32
    %or3A = arith.ori %eq3A_4, %ne3A : i1
    %get3A_8 = arith.constant 1 : index
    %get3A_9 = arith.index_cast %arg0 : i32 to index
    %get3A_10 = memref.load %arg1[%get3A_8, %get3A_9] : memref<2x24xi32, #tpu.memory_space<smem>>
    %eq3A_11 = arith.constant 1 : i32
    %eq3A_12 = arith.cmpi eq, %get3A_10, %eq3A_11 : i32
    %and3A = arith.andi %or3A, %eq3A_12 : i1
    %convert_element_type3A = arith.extui %and3A : i1 to i32
    %cond3A = arith.constant 0 : i32
    %cond3A_13 = arith.cmpi ne, %convert_element_type3A, %cond3A : i32
    scf.if %cond3A_13 {
      %get3A_22 = arith.constant 0 : index
      %get3A_23 = arith.constant 0 : index
      %get3A_24 = arith.constant 0 : index
      %get3A_25 = vector.load %arg3[%get3A_22, %get3A_23, %get3A_24] : memref<1x512x1024xf32, #tpu.memory_space<vmem>>, vector<1x512x1024xf32>
      %get3A_26 = vector.shape_cast %get3A_25 : vector<1x512x1024xf32> to vector<512x1024xf32>
      %convert_element_type3A_27 = arith.truncf %get3A_26 : vector<512x1024xf32> to vector<512x1024xbf16>
      %swap3A = arith.constant 0 : index
      %swap3A_28 = arith.constant 0 : index
      %swap3A_29 = vector.load %arg7[%swap3A, %swap3A_28] : memref<512x1024xbf16, #tpu.memory_space<vmem>>, vector<512x1024xbf16>
      tpu.vector_store %arg7[%swap3A, %swap3A_28], %convert_element_type3A_27 {strides = array<i32>} : memref<512x1024xbf16, #tpu.memory_space<vmem>>, vector<512x1024xbf16>,
      %get3A_30 = arith.constant 0 : index
      %get3A_31 = arith.constant 0 : index
      %get3A_32 = arith.constant 0 : index
      %get3A_33 = vector.load %arg4[%get3A_30, %get3A_31, %get3A_32] : memref<1x512x1024xf32, #tpu.memory_space<vmem>>, vector<1x512x1024xf32>
      %get3A_34 = vector.shape_cast %get3A_33 : vector<1x512x1024xf32> to vector<512x1024xf32>
      %convert_element_type3A_35 = arith.truncf %get3A_34 : vector<512x1024xf32> to vector<512x1024xbf16>
      %swap3A_36 = arith.constant 0 : index
      %swap3A_37 = arith.constant 0 : index
      %swap3A_38 = vector.load %arg8[%swap3A_36, %swap3A_37] : memref<512x1024xbf16, #tpu.memory_space<vmem>>, vector<512x1024xbf16>
      tpu.vector_store %arg8[%swap3A_36, %swap3A_37], %convert_element_type3A_35 {strides = array<i32>} : memref<512x1024xbf16, #tpu.memory_space<vmem>>, vector<512x1024xbf16>,
      %get3A_39 = arith.constant 0 : index
      %get3A_40 = arith.constant 0 : index
      %get3A_41 = arith.constant 0 : index
      %get3A_42 = vector.load %arg5[%get3A_39, %get3A_40, %get3A_41] : memref<1x1024x512xf32, #tpu.memory_space<vmem>>, vector<1x1024x512xf32>
      %get3A_43 = vector.shape_cast %get3A_42 : vector<1x1024x512xf32> to vector<1024x512xf32>
      %convert_element_type3A_44 = arith.truncf %get3A_43 : vector<1024x512xf32> to vector<1024x512xbf16>
      %swap3A_45 = arith.constant 0 : index
      %swap3A_46 = arith.constant 0 : index
      %swap3A_47 = vector.load %arg9[%swap3A_45, %swap3A_46] : memref<1024x512xbf16, #tpu.memory_space<vmem>>, vector<1024x512xbf16>
      tpu.vector_store %arg9[%swap3A_45, %swap3A_46], %convert_element_type3A_44 {strides = array<i32>} : memref<1024x512xbf16, #tpu.memory_space<vmem>>, vector<1024x512xbf16>,
    } else {
    }
    %get3A_14 = arith.constant 1 : index
    %get3A_15 = arith.index_cast %arg0 : i32 to index
    %get3A_16 = memref.load %arg1[%get3A_14, %get3A_15] : memref<2x24xi32, #tpu.memory_space<smem>>
    %eq3A_17 = arith.constant 1 : i32
    %eq3A_18 = arith.cmpi eq, %get3A_16, %eq3A_17 : i32
    %convert_element_type3A_19 = arith.extui %eq3A_18 : i1 to i32
    %cond3A_20 = arith.constant 0 : i32
    %cond3A_21 = arith.cmpi ne, %convert_element_type3A_19, %cond3A_20 : i32
    scf.if %cond3A_21 {
      %get3A_22 = arith.constant 0 : index
      %get3A_23 = arith.constant 0 : index
      %get3A_24 = vector.load %arg2[%get3A_22, %get3A_23] : memref<256x1024xf32, #tpu.memory_space<vmem>>, vector<256x1024xf32>
      %convert_element_type3A_25 = arith.truncf %get3A_24 : vector<256x1024xf32> to vector<256x1024xbf16>
      %get3A_26 = arith.constant 0 : index
      %get3A_27 = arith.constant 0 : index
      %get3A_28 = vector.load %arg7[%get3A_26, %get3A_27] : memref<512x1024xbf16, #tpu.memory_space<vmem>>, vector<512x1024xbf16>
      %dot_general3A = arith.constant dense<0.000000e+00> : vector<256x512xf32>
      %dot_general3A_29 = tpu.matmul %convert_element_type3A_25, %get3A_28, %dot_general3A {dimension_numbers = #tpu.dot_dimension_numbers<[1], [1], [0], [0], [0, 0, 1, 0], [], []>, transpose_lhs_hint = false} : vector<256x1024xbf16>, vector<512x1024xbf16>, vector<256x512xf32> -> vector<256x512xf32>
      %get3A_30 = arith.constant 0 : index
      %get3A_31 = arith.constant 0 : index
      %get3A_32 = vector.load %arg8[%get3A_30, %get3A_31] : memref<512x1024xbf16, #tpu.memory_space<vmem>>, vector<512x1024xbf16>
      %dot_general3A_33 = arith.constant dense<0.000000e+00> : vector<256x512xf32>
      %dot_general3A_34 = tpu.matmul %convert_element_type3A_25, %get3A_32, %dot_general3A_33 {dimension_numbers = #tpu.dot_dimension_numbers<[1], [1], [0], [0], [0, 0, 1, 0], [], []>, transpose_lhs_hint = false} : vector<256x1024xbf16>, vector<512x1024xbf16>, vector<256x512xf32> -> vector<256x512xf32>
      %logistic3A = arith.negf %dot_general3A_29 : vector<256x512xf32>
      %logistic3A_35 = math.exp %logistic3A : vector<256x512xf32>
      %logistic3A_36 = arith.constant 1.000000e+00 : f32
      %logistic3A_37 = vector.broadcast %logistic3A_36 : f32 to vector<256x512xf32>
      %logistic3A_38 = arith.addf %logistic3A_37, %logistic3A_35 : vector<256x512xf32>
      %logistic3A_39 = arith.divf %logistic3A_37, %logistic3A_38 : vector<256x512xf32>
      %mul3A = arith.mulf %dot_general3A_29, %logistic3A_39 : vector<256x512xf32>
      %mul3A_40 = arith.mulf %mul3A, %dot_general3A_34 : vector<256x512xf32>
      %convert_element_type3A_41 = arith.truncf %mul3A_40 : vector<256x512xf32> to vector<256x512xbf16>
      %get3A_42 = arith.constant 0 : index
      %get3A_43 = arith.constant 0 : index
      %get3A_44 = vector.load %arg9[%get3A_42, %get3A_43] : memref<1024x512xbf16, #tpu.memory_space<vmem>>, vector<1024x512xbf16>
      %dot_general3A_45 = arith.constant dense<0.000000e+00> : vector<256x1024xf32>
      %dot_general3A_46 = tpu.matmul %convert_element_type3A_41, %get3A_44, %dot_general3A_45 {dimension_numbers = #tpu.dot_dimension_numbers<[1], [1], [0], [0], [0, 0, 1, 0], [], []>, transpose_lhs_hint = false} : vector<256x512xbf16>, vector<1024x512xbf16>, vector<256x1024xf32> -> vector<256x1024xf32>
      %swap3A = arith.constant 0 : index
      %swap3A_47 = arith.constant 0 : index
      %swap3A_48 = vector.load %arg6[%swap3A, %swap3A_47] : memref<256x1024xf32, #tpu.memory_space<vmem>>, vector<256x1024xf32>
      tpu.vector_store %arg6[%swap3A, %swap3A_47], %dot_general3A_46 {strides = array<i32>} : memref<256x1024xf32, #tpu.memory_space<vmem>>, vector<256x1024xf32>,
    } else {
    }
    return
  }
  func.func @transform_0(%arg0: i32, %arg1: memref<2x24xi32, #tpu.memory_space<smem>>) -> (i32, i32) {
    %c0_i32 = arith.constant 0 : i32
    %c0_i32_0 = arith.constant 0 : i32
    return %arg0, %c0_i32 : i32, i32
  }
  func.func @transform_1(%arg0: i32, %arg1: memref<2x24xi32, #tpu.memory_space<smem>>) -> (i32, i32, i32) {
    %get3A = arith.constant 0 : index
    %get3A_0 = arith.index_cast %arg0 : i32 to index
    %get3A_1 = memref.load %arg1[%get3A, %get3A_0] : memref<2x24xi32, #tpu.memory_space<smem>>
    %c0_i32 = arith.constant 0 : i32
    %c0_i32_2 = arith.constant 0 : i32
    %c0_i32_3 = arith.constant 0 : i32
    return %get3A_1, %c0_i32, %c0_i32_2 : i32, i32, i32
  }
  func.func @transform_2(%arg0: i32, %arg1: memref<2x24xi32, #tpu.memory_space<smem>>) -> (i32, i32, i32) {
    %get3A = arith.constant 0 : index
    %get3A_0 = arith.index_cast %arg0 : i32 to index
    %get3A_1 = memref.load %arg1[%get3A, %get3A_0] : memref<2x24xi32, #tpu.memory_space<smem>>
    %c0_i32 = arith.constant 0 : i32
    %c0_i32_2 = arith.constant 0 : i32
    %c0_i32_3 = arith.constant 0 : i32
    return %get3A_1, %c0_i32, %c0_i32_2 : i32, i32, i32
  }
  func.func @transform_3(%arg0: i32, %arg1: memref<2x24xi32, #tpu.memory_space<smem>>) -> (i32, i32, i32) {
    %get3A = arith.constant 0 : index
    %get3A_0 = arith.index_cast %arg0 : i32 to index
    %get3A_1 = memref.load %arg1[%get3A, %get3A_0] : memref<2x24xi32, #tpu.memory_space<smem>>
    %c0_i32 = arith.constant 0 : i32
    %c0_i32_2 = arith.constant 0 : i32
    %c0_i32_3 = arith.constant 0 : i32
    return %get3A_1, %c0_i32, %c0_i32_2 : i32, i32, i32
  }
  func.func @transform_4(%arg0: i32, %arg1: memref<2x24xi32, #tpu.memory_space<smem>>) -> (i32, i32) {
    %c0_i32 = arith.constant 0 : i32
    %c0_i32_0 = arith.constant 0 : i32
    return %arg0, %c0_i32 : i32, i32
  }
}

module attributes {stable_mosaic.version = 14 : i64} {
  func.func @_k5a_body(%arg0: i32, %arg1: memref<256x1024xf32, #tpu.memory_space<vmem>>, %arg2: memref<256x1024xf32, #tpu.memory_space<vmem>>, %arg3: memref<512x1024xbf16, #tpu.memory_space<vmem>>, %arg4: memref<512x1024xbf16, #tpu.memory_space<vmem>>, %arg5: memref<1024x512xbf16, #tpu.memory_space<vmem>>, %arg6: memref<256x1024xf32, #tpu.memory_space<vmem>>) attributes {dimension_semantics = [#tpu.dimension_semantics<arbitrary>], iteration_bounds = array<i64: 8>, scalar_prefetch = 0 : i64, scratch_operands = 0 : i64, tpu.core_type = #tpu.core_type<tc>, window_params = [{transform_indices = @transform_0, window_bounds = array<i64: 256, 1024>}, {transform_indices = @transform_1, window_bounds = array<i64: 256, 1024>}, {pipeline_mode = #tpu.pipeline_mode<synchronous>, transform_indices = @transform_2, window_bounds = array<i64: 512, 1024>}, {pipeline_mode = #tpu.pipeline_mode<synchronous>, transform_indices = @transform_3, window_bounds = array<i64: 512, 1024>}, {pipeline_mode = #tpu.pipeline_mode<synchronous>, transform_indices = @transform_4, window_bounds = array<i64: 1024, 512>}, {transform_indices = @transform_5, window_bounds = array<i64: 256, 1024>}]} {
    %get3A = arith.constant 0 : index
    %get3A_0 = arith.constant 0 : index
    %get3A_1 = vector.load %arg2[%get3A, %get3A_0] : memref<256x1024xf32, #tpu.memory_space<vmem>>, vector<256x1024xf32>
    %convert_element_type3A = arith.truncf %get3A_1 : vector<256x1024xf32> to vector<256x1024xbf16>
    %get3A_2 = arith.constant 0 : index
    %get3A_3 = arith.constant 0 : index
    %get3A_4 = vector.load %arg3[%get3A_2, %get3A_3] : memref<512x1024xbf16, #tpu.memory_space<vmem>>, vector<512x1024xbf16>
    %dot_general3A = arith.constant dense<0.000000e+00> : vector<256x512xf32>
    %dot_general3A_5 = tpu.matmul %convert_element_type3A, %get3A_4, %dot_general3A {dimension_numbers = #tpu.dot_dimension_numbers<[1], [1], [0], [0], [0, 0, 1, 0], [], []>, transpose_lhs_hint = false} : vector<256x1024xbf16>, vector<512x1024xbf16>, vector<256x512xf32> -> vector<256x512xf32>
    %get3A_6 = arith.constant 0 : index
    %get3A_7 = arith.constant 0 : index
    %get3A_8 = vector.load %arg4[%get3A_6, %get3A_7] : memref<512x1024xbf16, #tpu.memory_space<vmem>>, vector<512x1024xbf16>
    %dot_general3A_9 = arith.constant dense<0.000000e+00> : vector<256x512xf32>
    %dot_general3A_10 = tpu.matmul %convert_element_type3A, %get3A_8, %dot_general3A_9 {dimension_numbers = #tpu.dot_dimension_numbers<[1], [1], [0], [0], [0, 0, 1, 0], [], []>, transpose_lhs_hint = false} : vector<256x1024xbf16>, vector<512x1024xbf16>, vector<256x512xf32> -> vector<256x512xf32>
    %logistic3A = arith.negf %dot_general3A_5 : vector<256x512xf32>
    %logistic3A_11 = math.exp %logistic3A : vector<256x512xf32>
    %logistic3A_12 = arith.constant 1.000000e+00 : f32
    %logistic3A_13 = vector.broadcast %logistic3A_12 : f32 to vector<256x512xf32>
    %logistic3A_14 = arith.addf %logistic3A_13, %logistic3A_11 : vector<256x512xf32>
    %logistic3A_15 = arith.divf %logistic3A_13, %logistic3A_14 : vector<256x512xf32>
    %mul3A = arith.mulf %dot_general3A_5, %logistic3A_15 : vector<256x512xf32>
    %mul3A_16 = arith.mulf %mul3A, %dot_general3A_10 : vector<256x512xf32>
    %convert_element_type3A_17 = arith.truncf %mul3A_16 : vector<256x512xf32> to vector<256x512xbf16>
    %get3A_18 = arith.constant 0 : index
    %get3A_19 = arith.constant 0 : index
    %get3A_20 = vector.load %arg1[%get3A_18, %get3A_19] : memref<256x1024xf32, #tpu.memory_space<vmem>>, vector<256x1024xf32>
    %get3A_21 = arith.constant 0 : index
    %get3A_22 = arith.constant 0 : index
    %get3A_23 = vector.load %arg5[%get3A_21, %get3A_22] : memref<1024x512xbf16, #tpu.memory_space<vmem>>, vector<1024x512xbf16>
    %dot_general3A_24 = arith.constant dense<0.000000e+00> : vector<256x1024xf32>
    %dot_general3A_25 = tpu.matmul %convert_element_type3A_17, %get3A_23, %dot_general3A_24 {dimension_numbers = #tpu.dot_dimension_numbers<[1], [1], [0], [0], [0, 0, 1, 0], [], []>, transpose_lhs_hint = false} : vector<256x512xbf16>, vector<1024x512xbf16>, vector<256x1024xf32> -> vector<256x1024xf32>
    %add3A = arith.addf %get3A_20, %dot_general3A_25 : vector<256x1024xf32>
    %swap3A = arith.constant 0 : index
    %swap3A_26 = arith.constant 0 : index
    %swap3A_27 = vector.load %arg6[%swap3A, %swap3A_26] : memref<256x1024xf32, #tpu.memory_space<vmem>>, vector<256x1024xf32>
    tpu.vector_store %arg6[%swap3A, %swap3A_26], %add3A {strides = array<i32>} : memref<256x1024xf32, #tpu.memory_space<vmem>>, vector<256x1024xf32>,
    return
  }
  func.func @transform_0(%arg0: i32) -> (i32, i32) {
    %c0_i32 = arith.constant 0 : i32
    %c0_i32_0 = arith.constant 0 : i32
    return %arg0, %c0_i32 : i32, i32
  }
  func.func @transform_1(%arg0: i32) -> (i32, i32) {
    %c0_i32 = arith.constant 0 : i32
    %c0_i32_0 = arith.constant 0 : i32
    return %arg0, %c0_i32 : i32, i32
  }
  func.func @transform_2(%arg0: i32) -> (i32, i32) {
    %c0_i32 = arith.constant 0 : i32
    %c0_i32_0 = arith.constant 0 : i32
    %c0_i32_1 = arith.constant 0 : i32
    return %c0_i32, %c0_i32_0 : i32, i32
  }
  func.func @transform_3(%arg0: i32) -> (i32, i32) {
    %c0_i32 = arith.constant 0 : i32
    %c0_i32_0 = arith.constant 0 : i32
    %c0_i32_1 = arith.constant 0 : i32
    return %c0_i32, %c0_i32_0 : i32, i32
  }
  func.func @transform_4(%arg0: i32) -> (i32, i32) {
    %c0_i32 = arith.constant 0 : i32
    %c0_i32_0 = arith.constant 0 : i32
    %c0_i32_1 = arith.constant 0 : i32
    return %c0_i32, %c0_i32_0 : i32, i32
  }
  func.func @transform_5(%arg0: i32) -> (i32, i32) {
    %c0_i32 = arith.constant 0 : i32
    %c0_i32_0 = arith.constant 0 : i32
    return %arg0, %c0_i32 : i32, i32
  }
}

module attributes {stable_mosaic.version = 14 : i64} {
  func.func @_k5b_body(%arg0: i32, %arg1: memref<256x1024xf32, #tpu.memory_space<vmem>>, %arg2: memref<256x1024xf32, #tpu.memory_space<vmem>>, %arg3: memref<256x1024xf32, #tpu.memory_space<vmem>>, %arg4: memref<256x128xf32, #tpu.memory_space<vmem>>, %arg5: memref<256x128xf32, #tpu.memory_space<vmem>>, %arg6: memref<256x1024xf32, #tpu.memory_space<vmem>>) attributes {dimension_semantics = [#tpu.dimension_semantics<arbitrary>], iteration_bounds = array<i64: 8>, scalar_prefetch = 0 : i64, scratch_operands = 0 : i64, tpu.core_type = #tpu.core_type<tc>, window_params = [{transform_indices = @transform_0, window_bounds = array<i64: 256, 1024>}, {transform_indices = @transform_1, window_bounds = array<i64: 256, 1024>}, {transform_indices = @transform_2, window_bounds = array<i64: 256, 1024>}, {transform_indices = @transform_3, window_bounds = array<i64: 256, 128>}, {transform_indices = @transform_4, window_bounds = array<i64: 256, 128>}, {transform_indices = @transform_5, window_bounds = array<i64: 256, 1024>}]} {
    %get3A = arith.constant 0 : index
    %get3A_0 = arith.constant 0 : index
    %get3A_1 = vector.load %arg4[%get3A, %get3A_0] : memref<256x128xf32, #tpu.memory_space<vmem>>, vector<256x128xf32>
    %concatenate3A = tpu.concatenate %get3A_1, %get3A_1, %get3A_1, %get3A_1, %get3A_1, %get3A_1, %get3A_1, %get3A_1 in 1 : vector<256x128xf32>, vector<256x128xf32>, vector<256x128xf32>, vector<256x128xf32>, vector<256x128xf32>, vector<256x128xf32>, vector<256x128xf32>, vector<256x128xf32> -> vector<256x1024xf32>
    %get3A_2 = arith.constant 0 : index
    %get3A_3 = arith.constant 0 : index
    %get3A_4 = vector.load %arg5[%get3A_2, %get3A_3] : memref<256x128xf32, #tpu.memory_space<vmem>>, vector<256x128xf32>
    %concatenate3A_5 = tpu.concatenate %get3A_4, %get3A_4, %get3A_4, %get3A_4, %get3A_4, %get3A_4, %get3A_4, %get3A_4 in 1 : vector<256x128xf32>, vector<256x128xf32>, vector<256x128xf32>, vector<256x128xf32>, vector<256x128xf32>, vector<256x128xf32>, vector<256x128xf32>, vector<256x128xf32> -> vector<256x1024xf32>
    %get3A_6 = arith.constant 0 : index
    %get3A_7 = arith.constant 0 : index
    %get3A_8 = vector.load %arg1[%get3A_6, %get3A_7] : memref<256x1024xf32, #tpu.memory_space<vmem>>, vector<256x1024xf32>
    %get3A_9 = arith.constant 0 : index
    %get3A_10 = arith.constant 0 : index
    %get3A_11 = vector.load %arg2[%get3A_9, %get3A_10] : memref<256x1024xf32, #tpu.memory_space<vmem>>, vector<256x1024xf32>
    %mul3A = arith.mulf %concatenate3A, %get3A_11 : vector<256x1024xf32>
    %add3A = arith.addf %get3A_8, %mul3A : vector<256x1024xf32>
    %get3A_12 = arith.constant 0 : index
    %get3A_13 = arith.constant 0 : index
    %get3A_14 = vector.load %arg3[%get3A_12, %get3A_13] : memref<256x1024xf32, #tpu.memory_space<vmem>>, vector<256x1024xf32>
    %mul3A_15 = arith.mulf %concatenate3A_5, %get3A_14 : vector<256x1024xf32>
    %add3A_16 = arith.addf %add3A, %mul3A_15 : vector<256x1024xf32>
    %swap3A = arith.constant 0 : index
    %swap3A_17 = arith.constant 0 : index
    %swap3A_18 = vector.load %arg6[%swap3A, %swap3A_17] : memref<256x1024xf32, #tpu.memory_space<vmem>>, vector<256x1024xf32>
    tpu.vector_store %arg6[%swap3A, %swap3A_17], %add3A_16 {strides = array<i32>} : memref<256x1024xf32, #tpu.memory_space<vmem>>, vector<256x1024xf32>,
    return
  }
  func.func @transform_0(%arg0: i32) -> (i32, i32) {
    %c0_i32 = arith.constant 0 : i32
    %c0_i32_0 = arith.constant 0 : i32
    return %arg0, %c0_i32 : i32, i32
  }
  func.func @transform_1(%arg0: i32) -> (i32, i32) {
    %c0_i32 = arith.constant 0 : i32
    %c0_i32_0 = arith.constant 0 : i32
    return %arg0, %c0_i32 : i32, i32
  }
  func.func @transform_2(%arg0: i32) -> (i32, i32) {
    %add3A = arith.constant 8 : i32
    %add3A_0 = arith.addi %arg0, %add3A : i32
    %c0_i32 = arith.constant 0 : i32
    %c0_i32_1 = arith.constant 0 : i32
    return %add3A_0, %c0_i32 : i32, i32
  }
  func.func @transform_3(%arg0: i32) -> (i32, i32) {
    %c0_i32 = arith.constant 0 : i32
    %c0_i32_0 = arith.constant 0 : i32
    return %arg0, %c0_i32 : i32, i32
  }
  func.func @transform_4(%arg0: i32) -> (i32, i32) {
    %c0_i32 = arith.constant 0 : i32
    %c0_i32_0 = arith.constant 0 : i32
    return %arg0, %c0_i32 : i32, i32
  }
  func.func @transform_5(%arg0: i32) -> (i32, i32) {
    %c0_i32 = arith.constant 0 : i32
    %c0_i32_0 = arith.constant 0 : i32
    return %arg0, %c0_i32 : i32, i32
  }
}

</mosaic_0001>

<sc_bundles>
// kernel: kernel.10.cloned.1.call-start
scs
__scs_entry_jumppad:
0x0: {  	(pc) =	sbr.rel $0x88, $3  }
0x1: {  	(tag) =	ssettag $0x0;
	lr =	simm.s32 $0x1  }
0x2: {  	[smem:$0x3F8F] =	sst lr;
	_ =	strace $0xD0000000  }
0x3: {  	_ = 	snop  }
0x4: {  	_ = 	snop  }
0x5: {  	_ = 	snop  }
0x6: {  	_ = 	snop  }
0x7: {  	_ = 	snop  }
__scs_overlays_trampoline_lowered:
0x8: {  	[smem:$0x3F9E] =	sst s0  }
0x9: {  	[smem:$0x3F9F] =	sst s1  }
0xa: {  	[smem:$0x3FA0] =	sst s2  }
0xb: {  	[smem:$0x3FA1] =	sst s3  }
0xc: {  	[smem:$0x3FA2] =	sst s4  }
0xd: {  	[smem:$0x3FA3] =	sst s5  }
0xe: {  	[smem:$0x3FA4] =	sst s6  }
0xf: {  	[smem:$0x3FA5] =	sst s7  }
0x10: {  	[smem:$0x3FA6] =	sst s8  }
0x11: {  	[smem:$0x3FA7] =	sst s9;
	s0 =	simm.s32 @!p0 $0x0  }
0x12: {  	s1 =	sld [smem:$0x3F8D];
	s0 =	simm.s32 @p0 $0x1  }
0x13: {  	[smem:$0x3FA8] =	sst s0;
	s0 =	simm.s32 @!p1 $0x0  }
0x14: {  	s2 =	sld [smem:$0x3F8C];
	s0 =	simm.s32 @p1 $0x1  }
0x15: {  	[smem:$0x3FA9] =	sst s0;
	s0 =	simm.s32 @!p2 $0x0  }
0x16: {  	s3 =	sld [smem:$0x3FDB];
	s0 =	simm.s32 @p2 $0x1  }
0x17: {  	s4 =	simm.s32 $0x1BF5;
	[smem:$0x3FAB] =	sst s0  }
0x18: {  	s0 =	sld [smem:$0x3F8E];
	_ =	swait.ge [sflag:s4], $0x0  }
0x19: {  	s7 =	sld [smem:$0x3F8F]  }
0x1a: {  	s8 =	sadd.s32 $0xFFFFE003, lr  }
0x1b: {  	s9 =	sadd.s32 $0xFFFFFEF7, lr;
	s5 =	simm.s32 $0xFFFFFFFF;
	p2 =	slt.u32 s8, $0xFFFFF086  }
0x1c: {  	p1 =	slt.u32 s9, $0xF7A;
	s5 =	simm.s32 @!p2 $0x0  }
0x1d: {  	s5 =	simm.s32 @p1 $0x1;
	p0 =	seq.s32 s7, s2  }
0x1e: {  	s7 =	smul.u32 @!p0 $0xF7A, s2;
	p2 =	seq.s32 @!p0 s5, $0x0  }
0x1f: {  	s9 =	smul.u32 $0xF7A, s1;
	s8 =	simm.s32 @!p0 $0x1BF5;
	p2 =	por !p2, p0  }
0x20: {  	[sflag:s8] =	ssyncset.s32 @!p0 $0xFFFFF086;
	s6 =	sadd.s32 @!p0 s3, s7;
	s7 =	simm.s32 @!p0 $0x108  }
0x21: {  	s3 =	sadd.s32 s3, s9;
	s6 =	sadd.s32 @!p0 $0x88, s6;
	s7 =	simm.s32 @p2 $0x1082  }
0x22: {  	[simem:s7], [sflag:s8] =	dma.local @!p0 [hbm:s6], $0xF7A  }
0x23: {  	s9 =	sor.u32 $0xD0000000, s2;
	s6 =	simm.s32 $0x108;
	_ =	swait.ge @!p0 [sflag:s8], $0x0  }
0x24: {  	s3 =	sadd.s32 $0x88, s3;
	s6 =	simm.s32 @!p1 $0x1082;
	[sflag:s4] =	ssyncset.s32 $0xFFFFF086  }
0x25: {  	[simem:s6], [sflag:s4] =	dma.local [hbm:s3], $0xF7A  }
0x26: {  	[smem:$0x3F8F] =	sst s1;
	(tag) =	ssettag s2;
	_ =	strace s9  }
0x27: {  	s1 =	sld [smem:$0x3F9F]  }
0x28: {  	s2 =	sld [smem:$0x3FA0]  }
0x29: {  	s4 =	sld [smem:$0x3FA2]  }
0x2a: {  	p0 =	seq.s32 s5, $0x0;
	s5 =	sld [smem:$0x3FA3]  }
0x2b: {  	s6 =	sld [smem:$0x3FA4]  }
0x2c: {  	s7 =	sld [smem:$0x3FA5]  }
0x2d: {  	s3 =	simm.s32 $0x108;
	s8 =	sld [smem:$0x3FA6]  }
0x2e: {  	s3 =	simm.s32 @!p0 $0x1082;
	s9 =	sld [smem:$0x3FA7]  }
0x2f: {  	lr =	sadd.s32 s0, s3;
	s0 =	sld [smem:$0x3F9E]  }
0x30: {  	s3 =	sld [smem:$0x3FA1]  }
0x31: {  	[smem:$0x3FAA] =	sst s10  }
0x32: {  	s10 =	sld [smem:$0x3FA8];
	_ =	sdelay $0x3  }
0x33: {  	p0 =	seq.s32 s10, $0x1;
	s10 =	sld [smem:$0x3FAA];
	_ =	sdelay $0x3  }
0x34: {  	[smem:$0x3FAA] =	sst s10  }
0x35: {  	s10 =	sld [smem:$0x3FA9];
	_ =	sdelay $0x3  }
0x36: {  	p1 =	seq.s32 s10, $0x1;
	s10 =	sld [smem:$0x3FAA];
	_ =	sdelay $0x3  }
0x37: {  	[smem:$0x3FAA] =	sst s10  }
0x38: {  	s10 =	sld [smem:$0x3FAB]  }
0x39: {  	_ = 	snop;
	(pc) =	sbr.ind lr, $3  }
0x3a: {  	_ = 	snop  }
0x3b: {  	_ = 	snop  }
0x3c: {  	p2 =	seq.s32 s10, $0x1;
	s10 =	sld [smem:$0x3FAA]  }
0x3d: {  	_ =	shalt  }
0x3e: {  	_ =	shalt  }
0x3f: {  	_ =	shalt  }
0x40: {  	_ =	shalt  }
0x41: {  	_ =	shalt  }
0x42: {  	_ =	shalt  }
0x43: {  	_ =	shalt  }
0x44: {  	_ =	shalt  }
0x45: {  	_ =	shalt  }
0x46: {  	_ =	shalt  }
0x47: {  	_ =	shalt  }
0x48: {  	_ =	shalt  }
0x49: {  	_ =	shalt  }
0x4a: {  	_ =	shalt  }
0x4b: {  	_ =	shalt  }
0x4c: {  	_ =	shalt  }
0x4d: {  	_ =	shalt  }
0x4e: {  	_ =	shalt  }
0x4f: {  	_ =	shalt  }
0x50: {  	_ =	shalt  }
0x51: {  	_ =	shalt  }
0x52: {  	_ =	shalt  }
0x53: {  	_ =	shalt  }
0x54: {  	_ =	shalt  }
0x55: {  	_ =	shalt  }
0x56: {  	_ =	shalt  }
0x57: {  	_ =	shalt  }
0x58: {  	_ =	shalt  }
0x59: {  	_ =	shalt  }
0x5a: {  	_ =	shalt  }
0x5b: {  	_ =	shalt  }
0x5c: {  	_ =	shalt  }
0x5d: {  	_ =	shalt  }
0x5e: {  	_ =	shalt  }
0x5f: {  	_ =	shalt  }
0x60: {  	_ =	shalt  }
0x61: {  	_ =	shalt  }
0x62: {  	_ =	shalt  }
0x63: {  	_ =	shalt  }
0x64: {  	_ =	shalt  }
0x65: {  	_ =	shalt  }
0x66: {  	_ =	shalt  }
0x67: {  	_ =	shalt  }
0x68: {  	_ =	shalt  }
0x69: {  	_ =	shalt  }
0x6a: {  	_ =	shalt  }
0x6b: {  	_ =	shalt  }
0x6c: {  	_ =	shalt  }
0x6d: {  	_ =	shalt  }
0x6e: {  	_ =	shalt  }
0x6f: {  	_ =	shalt  }
0x70: {  	_ =	shalt  }
0x71: {  	_ =	shalt  }
0x72: {  	_ =	shalt  }
0x73: {  	_ =	shalt  }
0x74: {  	_ =	shalt  }
0x75: {  	_ =	shalt  }
0x76: {  	_ =	shalt  }
0x77: {  	_ =	shalt  }
0x78: {  	_ =	shalt  }
0x79: {  	_ =	shalt  }
0x7a: {  	_ =	shalt  }
0x7b: {  	_ =	shalt  }
0x7c: {  	_ =	shalt  }
0x7d: {  	_ =	shalt  }
0x7e: {  	_ =	shalt  }
0x7f: {  	_ =	shalt  }
0x80: {  	_ =	shalt  }
0x81: {  	_ =	shalt  }
0x82: {  	_ =	shalt  }
0x83: {  	_ =	shalt  }
0x84: {  	_ =	shalt  }
0x85: {  	_ =	shalt  }
0x86: {  	_ =	shalt  }
0x87: {  	_ =	shalt  }
.Lfunc_end0:
.L_simem_size_0:
called_computation_lowered:
.L_overlay_start_0:
0x88: {  	s2 =	sld [smem:$0x3FD9]  }
0x89: {  	s3 =	sld [smem:$0x3FFE];
	_ =	sdelay $0x1  }
0x8a: {  	s1 =	srdreg.scid  }
0x8b: {  	s0 =	sand.u32 $0x1, s1  }
0x8c: {  	s16 =	sshll.u32 s0, $0xA;
	s2 =	sadd.s32 s3, s2  }
0x8d: {  	s2 =	sadd.s32 s2, s16  }
0x8e: {  	[smem:$0x3FB6] =	sst s2  }
0x8f: {  	_ = 	snop  }
0x90: {  	(tm) =	ssettm $0x1  }
0x91: {  	s17 =	sld [smem:$0x3FFB];
	_ =	sdelay $0x3  }
0x92: {  	_ =	strace s17  }
0x93: {  	s2 =	sld [smem:$0x3FFC];
	_ =	sdelay $0x3  }
0x94: {  	_ =	strace s2  }
0x95: {  	s2 =	sld [smem:$0x3FFD];
	_ =	sdelay $0x3  }
0x96: {  	_ =	strace s2  }
0x97: {  	_ =	strace $0x8FFFFFFF  }
0x98: {  	s18 =	sld [smem:$0x3FDB];
	_ =	sdelay $0x1  }
0x99: {  	s19 =	simm.s32 $_scs_section_size  }
0x9a: {  	s4 =	simm.s32 $_size__tile_overlayer_lowered;
	s5 =	simm.s32 $_tile_overlayer_lowered  }
0x9b: {  	s22 =	simm.s32 $0x1BFF;
	s21 =	sshll.u32 s5, $0x1;
	s2 =	sadd.s32 s19, s18  }
0x9c: {  	s6 =	simm.s32 $0x0;
	s20 =	sshll.u32 s4, $0x1;
	s4 =	sadd.s32 s21, s2  }
0x9d: {  	[timem:s6], [sflag:s22] =	dma.local [hbm:s4], s20  }
0x9e: {  	_ =	swait.ge [sflag:s22], s20  }
0x9f: {  	s3 =	ssub.s32 $0x0, s20;
	[sflag:s22] =	ssyncset.done $0x0  }
0xa0: {  	[sflag:s22] =	ssyncadd.s32 s3;
	_ =	sdelay $0x1  }
0xa1: {  	s23 =	simm.s32 $0x1B8B  }
0xa2: {  	_ =	swait.ge [sflag:s23], $0x1  }
0xa3: {  	[sflag:s23] =	ssyncset.done $0x0  }
0xa4: {  	s25 =	simm.s32 $0x1B8E;
	s24 =	sld [smem:$0x3FFE];
	[sflag:s23] =	ssyncadd.s32 $0xFFFFFFFF  }
0xa5: {  	s26 =	simm.s32 $execute0_lowered;
	[smem:$0x3FD2] =	sst s25  }
0xa6: {  	s4 =	sshll.u32 s26, $0x1;
	_ =	strace $0x80000046;
	[dreg:$0x1] =	wrdreg $0xFFFFFFFF  }
0xa7: {  	s28 =	simm.s32 $_size_execute0_lowered;
	s2 =	sadd.s32 s2, s4;
	[dreg:$0x0] =	wrdreg $0x0  }
0xa8: {  	s4 =	sshll.u32 s28, $0x1;
	[dreg:$0x2] =	wrdreg s2  }
0xa9: {  	[dreg:$0x3] =	wrdreg s4  }
0xaa: {  	[dreg:$0x4] =	wrdreg $0xC0  }
0xab: {  	_ =	task [dreg:s6], $0x5FFFF  }
0xac: {  	[dreg:$0x1] =	wrdreg $0xFFFFFFFF  }
0xad: {  	[dreg:$0x0] =	wrdreg $0x60  }
0xae: {  	[dreg:$0x2] =	wrdreg s24  }
0xaf: {  	[dreg:$0x3] =	wrdreg $0x9  }
0xb0: {  	_ =	task.clear_ibuf [dreg:s6], $0x4FFFF;
	_ =	strace $0x90000046  }
0xb1: {  	s29 =	simm.s32 $0x9;
	_ =	strace $0x80000048  }
0xb2: {  	_ =	swait.ge [sflag:s29], $0x1  }
0xb3: {  	[sflag:s29] =	ssyncadd.s32 $0xFFFFFFFF  }
0xb4: {  	_ =	strace $0x90000048  }
0xb5: {  	_ =	sfence  }
0xb6: {  	s30 =	sld [smem:$0x0];
	_ =	sdelay $0x2  }
0xb7: {  	s31 =	sshll.u32 s1, $0xD;
	s1 =	sshrl.u32 s1, $0x2  }
0xb8: {  	s3 =	sand.u32 $0x4000, s31;
	s1 =	sadd.s32 s1, s30  }
0xb9: {  	s0 =	sor.u32 s3, s0;
	s1 =	sshll.u32 s1, $0x11  }
0xba: {  	s0 =	sor.u32 s1, s0  }
0xbb: {  	s0 =	sadd.s32 $0x8F2B, s0  }
0xbc: {  	[sflag:s0] =	ssyncadd.remote.s32 $0x1  }
0xbd: {  	_ =	sfence.sel $0xFFFF  }
0xbe: {  	[dreg:$0x0] =	wrdreg $0xFFFFFFFF;
	(pc) =	sbr.abs _section_cstart, $3  }
0xbf: {  	[dreg:$0x1] =	wrdreg $0xFFFFFFFF  }
0xc0: {  	_ =	task.clear_ibuf [dreg:s6], $0x2FFFF;
	_ =	strace $0x9FFFFFFF  }
0xc1: {  	(tm) =	ssettm $0x7FFFFFFF  }
tec
execute0_lowered:
.L_overlay_start_1:
0x0: {  	(tag) =	ssettag $0x1  }
0x1: {  	s0 =	rddreg [dreg:$0x0]  }
0x2: {  	s1 =	srdreg.scid;
	s3 =	stileid.u32;
	s2 =	simm.s32 $0x0  }
0x3: {  	s12 =	simm.s32 $0x880;
	s13 =	simm.s32 $0x1080;
	s14 =	simm.s32 $0x1880  }
0x4: {  	s15 =	simm.s32 $0x2080;
	s16 =	simm.s32 $0x2880;
	s17 =	simm.s32 $0x3080  }
0x5: {  	s18 =	simm.s32 $0x3880;
	s28 =	simm.s32 $0x8080;
	s29 =	simm.s32 $0x8880  }
0x6: {  	s30 =	simm.s32 $0x9080;
	s31 =	simm.s32 $0x9880;
	s1 =	sand.u32 $0x1, s1  }
0x7: {  	s3 =	sshll.u32 s3, $0x1;
	[smem:$0x7FF] =	sst s2;
	s6 =	sadd.s32 $0x40800, s0  }
0x8: {  	s7 =	sadd.s32 $0x40C00, s0;
	s4 =	sor.u32 s1, s3;
	s1 =	ssub.s32 $0x2, s1  }
0x9: {  	_ =	strace $0x80000047;
	s5 =	smul.u32 $0xC0, s4;
	s9 =	sshrl.u32 s1, $0x1  }
0xa: {  	s3 =	sadd.s32 $0x800, s0;
	s4 =	smul.u32 $0x6000, s4;
	s1 =	ssub.s32 s1, s9  }
0xb: {  	s9 =	simm.s32 $0x80;
	s8 =	sshrl.u32 s5, $0x3;
	s10 =	sor.u32 $0x30, s5  }
0xc: {  	s4 =	sadd.s32 s7, s4;
	s23 =	sadd.s32 $0x60, s5;
	s5 =	sadd.s32 $0x90, s5  }
0xd: {  	s8 =	sadd.s32 s6, s8;
	s19 =	sshrl.u32 s10, $0x3;
	[dreg:$0x3] =	wrdreg s4  }
0xe: {  	s21 =	sshll.u32 s10, $0x7;
	s24 =	sshrl.u32 s23, $0x3;
	s26 =	sshrl.u32 s5, $0x3  }
0xf: {  	s5 =	sshll.u32 s5, $0x7;
	s10 =	simm.s32 $0x1;
	[dreg:$0x2] =	wrdreg s8  }
0x10: {  	s20 =	sadd.s32 s6, s19;
	s22 =	sadd.s32 s7, s21;
	s4 =	sadd.s32 s6, s24  }
0x11: {  	s8 =	sshll.u32 s23, $0x7;
	s6 =	sadd.s32 s6, s26;
	s19 =	simm.s32 $0x4080  }
0x12: {  	s21 =	simm.s32 $0x5080;
	s23 =	simm.s32 $0x6080;
	[dreg:$0x4] =	wrdreg s20  }
0x13: {  	s24 =	simm.s32 $0x6880;
	s26 =	simm.s32 $0x7880;
	[dreg:$0x5] =	wrdreg s22  }
0x14: {  	[dreg:$0x6] =	wrdreg s4;
	s25 =	sadd.s32 s7, s8;
	s4 =	sadd.s32 $0x900, s0  }
0x15: {  	[dreg:$0x8] =	wrdreg s6;
	s7 =	sadd.s32 s7, s5;
	s5 =	sadd.s32 $0xA00, s0  }
0x16: {  	v2 =	vlaneseq.u32;
	s6 =	sadd.s32 $0xB00, s0;
	s8 =	simm.s32 $0x2;
	[dreg:$0x7] =	wrdreg s25  }
0x17: {  	vm0 =	vmmov $0xffff;
	v1 =	vshrl.u32 v2, $0x3;
	s20 =	simm.s32 $0x4880;
	s22 =	simm.s32 $0x5880;
	[dreg:$0x9] =	wrdreg s7  }
0x18: {  	v0 =	vand.u32 $0x7, v2;
	v2 =	vor.u32 $0x8, v2;
	v1 =	vmul.u32 $0x8, v1;
	s7 =	smax.u32 s1, $0x1;
	s25 =	simm.s32 $0x7080;
	s1 =	simm.s32 $0xA880  }
.LBB2_1:
0x19: {  	s11 =	rddreg [dreg:$0x2]  }
0x1a: {  	[tilespmem:s2], [sflag:$0x2] =	stream.linear.gather [hbm4b:s11+s2], $0x30, $0x38;
	[tilespmem:$0xC080] =	vst v63  }
0x1b: {  	_ =	swait.ge [sflag:s8], $0x30  }
0x1c: {  	[sflag:s8] =	ssyncset.done $0x0  }
0x1d: {  	[sflag:s8] =	ssyncadd.s32 $0xFFFFFFD0  }
0x1e: {  	v3 =	vld [tilespmem:$0x0];
	_ =	sdelay $0x4  }
0x1f: {  	v4 =	vshll.u32 v3, $0x3  }
0x20: {  	v3 =	vand.u32 $0x7, v3;
	v4 =	vand.u32 $0xFFFFFFC0, v4  }
0x21: {  	v3 =	vor.u32 v3, v4  }
0x22: {  	v4 =	vperm.xlane v3, v0;
	_ =	sdelay $0x1  }
0x23: {  	v4 =	vadd.s32 v1, v4;
	_ =	sdelay $0x4  }
0x24: {  	[tilespmem:s9], [sflag:$0x1] =	stream.indirect_vreg.gather [hbm4b:s3+s2], $0x80, v4, vm0, $0xb8;
	[tilespmem:$0xC080] =	vst v63  }
0x25: {  	v3 =	vperm.xlane v3, v2  }
0x26: {  	[tilespmem:s12], [sflag:$0x1] =	stream.indirect_vreg.gather [hbm4b:s4+s2], $0x80, v4, vm0, $0xb8;
	[tilespmem:$0xC080] =	vst v63  }
0x27: {  	v3 =	vadd.s32 v1, v3  }
0x28: {  	[tilespmem:s13], [sflag:$0x1] =	stream.indirect_vreg.gather [hbm4b:s5+s2], $0x80, v4, vm0, $0xb8;
	[tilespmem:$0xC080] =	vst v63  }
0x29: {  	_ = 	snop  }
0x2a: {  	[tilespmem:s14], [sflag:$0x1] =	stream.indirect_vreg.gather [hbm4b:s6+s2], $0x80, v4, vm0, $0xb8;
	[tilespmem:$0xC080] =	vst v63  }
0x2b: {  	_ = 	snop  }
0x2c: {  	[tilespmem:s15], [sflag:$0x1] =	stream.indirect_vreg.gather [hbm4b:s3+s2], $0x80, v3, vm0, $0xb8;
	[tilespmem:$0xC080] =	vst v63  }
0x2d: {  	_ = 	snop  }
0x2e: {  	[tilespmem:s16], [sflag:$0x1] =	stream.indirect_vreg.gather [hbm4b:s4+s2], $0x80, v3, vm0, $0xb8;
	[tilespmem:$0xC080] =	vst v63  }
0x2f: {  	_ = 	snop  }
0x30: {  	[tilespmem:s17], [sflag:$0x1] =	stream.indirect_vreg.gather [hbm4b:s5+s2], $0x80, v3, vm0, $0xb8;
	[tilespmem:$0xC080] =	vst v63  }
0x31: {  	_ = 	snop  }
0x32: {  	[tilespmem:s18], [sflag:$0x1] =	stream.indirect_vreg.gather [hbm4b:s6+s2], $0x80, v3, vm0, $0xb8;
	[tilespmem:$0xC080] =	vst v63  }
0x33: {  	v3 =	vld [tilespmem:$0x10];
	_ =	sdelay $0x4  }
0x34: {  	v53 =	vshll.u32 v3, $0x3  }
0x35: {  	v3 =	vand.u32 $0x7, v3;
	v4 =	vand.u32 $0xFFFFFFC0, v53  }
0x36: {  	v3 =	vor.u32 v3, v4  }
0x37: {  	v4 =	vperm.xlane v3, v0;
	_ =	sdelay $0x1  }
0x38: {  	v4 =	vadd.s32 v1, v4;
	_ =	sdelay $0x4  }
0x39: {  	[tilespmem:s19], [sflag:$0x1] =	stream.indirect_vreg.gather [hbm4b:s3+s2], $0x80, v4, vm0, $0xb8;
	[tilespmem:$0xC080] =	vst v63  }
0x3a: {  	v3 =	vperm.xlane v3, v2  }
0x3b: {  	[tilespmem:s20], [sflag:$0x1] =	stream.indirect_vreg.gather [hbm4b:s4+s2], $0x80, v4, vm0, $0xb8;
	[tilespmem:$0xC080] =	vst v63  }
0x3c: {  	v3 =	vadd.s32 v1, v3  }
0x3d: {  	[tilespmem:s21], [sflag:$0x1] =	stream.indirect_vreg.gather [hbm4b:s5+s2], $0x80, v4, vm0, $0xb8;
	[tilespmem:$0xC080] =	vst v63  }
0x3e: {  	_ = 	snop  }
0x3f: {  	[tilespmem:s22], [sflag:$0x1] =	stream.indirect_vreg.gather [hbm4b:s6+s2], $0x80, v4, vm0, $0xb8;
	[tilespmem:$0xC080] =	vst v63  }
0x40: {  	_ = 	snop  }
0x41: {  	[tilespmem:s23], [sflag:$0x1] =	stream.indirect_vreg.gather [hbm4b:s3+s2], $0x80, v3, vm0, $0xb8;
	[tilespmem:$0xC080] =	vst v63  }
0x42: {  	_ = 	snop  }
0x43: {  	[tilespmem:s24], [sflag:$0x1] =	stream.indirect_vreg.gather [hbm4b:s4+s2], $0x80, v3, vm0, $0xb8;
	[tilespmem:$0xC080] =	vst v63  }
0x44: {  	_ = 	snop  }
0x45: {  	[tilespmem:s25], [sflag:$0x1] =	stream.indirect_vreg.gather [hbm4b:s5+s2], $0x80, v3, vm0, $0xb8;
	[tilespmem:$0xC080] =	vst v63  }
0x46: {  	_ = 	snop  }
0x47: {  	[tilespmem:s26], [sflag:$0x1] =	stream.indirect_vreg.gather [hbm4b:s6+s2], $0x80, v3, vm0, $0xb8;
	[tilespmem:$0xC080] =	vst v63  }
0x48: {  	v3 =	vld [tilespmem:$0x20];
	_ =	sdelay $0x4  }
0x49: {  	v54 =	vshll.u32 v3, $0x3  }
0x4a: {  	v3 =	vand.u32 $0x7, v3;
	v4 =	vand.u32 $0xFFFFFFC0, v54  }
0x4b: {  	v3 =	vor.u32 v3, v4  }
0x4c: {  	v4 =	vperm.xlane v3, v0;
	_ =	sdelay $0x1  }
0x4d: {  	v4 =	vadd.s32 v1, v4;
	_ =	sdelay $0x4  }
0x4e: {  	[tilespmem:s28], [sflag:$0x1] =	stream.indirect_vreg.gather [hbm4b:s3+s2], $0x80, v4, vm0, $0xb8;
	[tilespmem:$0xC080] =	vst v63  }
0x4f: {  	v3 =	vperm.xlane v3, v2  }
0x50: {  	[tilespmem:s29], [sflag:$0x1] =	stream.indirect_vreg.gather [hbm4b:s4+s2], $0x80, v4, vm0, $0xb8;
	[tilespmem:$0xC080] =	vst v63  }
0x51: {  	v3 =	vadd.s32 v1, v3  }
0x52: {  	[tilespmem:s30], [sflag:$0x1] =	stream.indirect_vreg.gather [hbm4b:s5+s2], $0x80, v4, vm0, $0xb8;
	[tilespmem:$0xC080] =	vst v63  }
0x53: {  	_ = 	snop  }
0x54: {  	[tilespmem:s31], [sflag:$0x1] =	stream.indirect_vreg.gather [hbm4b:s6+s2], $0x80, v4, vm0, $0xb8;
	[tilespmem:$0xC080] =	vst v63  }
0x55: {  	s0 =	simm.s32 $0xA080  }
0x56: {  	[tilespmem:s0], [sflag:$0x1] =	stream.indirect_vreg.gather [hbm4b:s3+s2], $0x80, v3, vm0, $0xb8;
	[tilespmem:$0xC080] =	vst v63  }
0x57: {  	_ = 	snop  }
0x58: {  	[tilespmem:s1], [sflag:$0x1] =	stream.indirect_vreg.gather [hbm4b:s4+s2], $0x80, v3, vm0, $0xb8;
	[tilespmem:$0xC080] =	vst v63  }
0x59: {  	s11 =	simm.s32 $0xB080  }
0x5a: {  	[tilespmem:s11], [sflag:$0x1] =	stream.indirect_vreg.gather [hbm4b:s5+s2], $0x80, v3, vm0, $0xb8;
	[tilespmem:$0xC080] =	vst v63  }
0x5b: {  	s11 =	simm.s32 $0xB880  }
0x5c: {  	[tilespmem:s11], [sflag:$0x1] =	stream.indirect_vreg.gather [hbm4b:s6+s2], $0x80, v3, vm0, $0xb8;
	[tilespmem:$0xC080] =	vst v63  }
0x5d: {  	_ =	swait.ge [sflag:s10], $0xC000  }
0x5e: {  	[sflag:s10] =	ssyncset.done $0x0  }
0x5f: {  	s11 =	rddreg [dreg:$0x3];
	[sflag:s10] =	ssyncadd.s32 $0xFFFF4000  }
0x60: {  	[hbm4b:s11+s2] =	stream.linear.scatter [tilespmem:s9], [sflag:$0x2], $0xC000, $0x38;
	[tilespmem:$0xC080] =	vst v63  }
0x61: {  	_ =	swait.ge [sflag:s8], $0xC000  }
0x62: {  	[sflag:s8] =	ssyncset.done $0x0  }
0x63: {  	s11 =	rddreg [dreg:$0x4];
	[sflag:s8] =	ssyncadd.s32 $0xFFFF4000  }
0x64: {  	[tilespmem:s2], [sflag:$0x2] =	stream.linear.gather [hbm4b:s11+s2], $0x30, $0x38;
	[tilespmem:$0xC080] =	vst v63  }
0x65: {  	_ =	swait.ge [sflag:s8], $0x30  }
0x66: {  	[sflag:s8] =	ssyncset.done $0x0  }
0x67: {  	[sflag:s8] =	ssyncadd.s32 $0xFFFFFFD0  }
0x68: {  	v3 =	vld [tilespmem:$0x0];
	_ =	sdelay $0x4  }
0x69: {  	v55 =	vshll.u32 v3, $0x3  }
0x6a: {  	v3 =	vand.u32 $0x7, v3;
	v4 =	vand.u32 $0xFFFFFFC0, v55  }
0x6b: {  	v3 =	vor.u32 v3, v4  }
0x6c: {  	v4 =	vperm.xlane v3, v0;
	_ =	sdelay $0x1  }
0x6d: {  	v4 =	vadd.s32 v1, v4;
	_ =	sdelay $0x4  }
0x6e: {  	[tilespmem:s9], [sflag:$0x1] =	stream.indirect_vreg.gather [hbm4b:s3+s2], $0x80, v4, vm0, $0xb8;
	[tilespmem:$0xC080] =	vst v63  }
0x6f: {  	v3 =	vperm.xlane v3, v2  }
0x70: {  	[tilespmem:s12], [sflag:$0x1] =	stream.indirect_vreg.gather [hbm4b:s4+s2], $0x80, v4, vm0, $0xb8;
	[tilespmem:$0xC080] =	vst v63  }
0x71: {  	v3 =	vadd.s32 v1, v3  }
0x72: {  	[tilespmem:s13], [sflag:$0x1] =	stream.indirect_vreg.gather [hbm4b:s5+s2], $0x80, v4, vm0, $0xb8;
	[tilespmem:$0xC080] =	vst v63  }
0x73: {  	_ = 	snop  }
0x74: {  	[tilespmem:s14], [sflag:$0x1] =	stream.indirect_vreg.gather [hbm4b:s6+s2], $0x80, v4, vm0, $0xb8;
	[tilespmem:$0xC080] =	vst v63  }
0x75: {  	_ = 	snop  }
0x76: {  	[tilespmem:s15], [sflag:$0x1] =	stream.indirect_vreg.gather [hbm4b:s3+s2], $0x80, v3, vm0, $0xb8;
	[tilespmem:$0xC080] =	vst v63  }
0x77: {  	_ = 	snop  }
0x78: {  	[tilespmem:s16], [sflag:$0x1] =	stream.indirect_vreg.gather [hbm4b:s4+s2], $0x80, v3, vm0, $0xb8;
	[tilespmem:$0xC080] =	vst v63  }
0x79: {  	_ = 	snop  }
0x7a: {  	[tilespmem:s17], [sflag:$0x1] =	stream.indirect_vreg.gather [hbm4b:s5+s2], $0x80, v3, vm0, $0xb8;
	[tilespmem:$0xC080] =	vst v63  }
0x7b: {  	_ = 	snop  }
0x7c: {  	[tilespmem:s18], [sflag:$0x1] =	stream.indirect_vreg.gather [hbm4b:s6+s2], $0x80, v3, vm0, $0xb8;
	[tilespmem:$0xC080] =	vst v63  }
0x7d: {  	v3 =	vld [tilespmem:$0x10];
	_ =	sdelay $0x4  }
0x7e: {  	v56 =	vshll.u32 v3, $0x3  }
0x7f: {  	v3 =	vand.u32 $0x7, v3;
	v4 =	vand.u32 $0xFFFFFFC0, v56  }
0x80: {  	v3 =	vor.u32 v3, v4  }
0x81: {  	v4 =	vperm.xlane v3, v0;
	_ =	sdelay $0x1  }
0x82: {  	v4 =	vadd.s32 v1, v4;
	_ =	sdelay $0x4  }
0x83: {  	[tilespmem:s19], [sflag:$0x1] =	stream.indirect_vreg.gather [hbm4b:s3+s2], $0x80, v4, vm0, $0xb8;
	[tilespmem:$0xC080] =	vst v63  }
0x84: {  	v3 =	vperm.xlane v3, v2  }
0x85: {  	[tilespmem:s20], [sflag:$0x1] =	stream.indirect_vreg.gather [hbm4b:s4+s2], $0x80, v4, vm0, $0xb8;
	[tilespmem:$0xC080] =	vst v63  }
0x86: {  	v3 =	vadd.s32 v1, v3  }
0x87: {  	[tilespmem:s21], [sflag:$0x1] =	stream.indirect_vreg.gather [hbm4b:s5+s2], $0x80, v4, vm0, $0xb8;
	[tilespmem:$0xC080] =	vst v63  }
0x88: {  	_ = 	snop  }
0x89: {  	[tilespmem:s22], [sflag:$0x1] =	stream.indirect_vreg.gather [hbm4b:s6+s2], $0x80, v4, vm0, $0xb8;
	[tilespmem:$0xC080] =	vst v63  }
0x8a: {  	_ = 	snop  }
0x8b: {  	[tilespmem:s23], [sflag:$0x1] =	stream.indirect_vreg.gather [hbm4b:s3+s2], $0x80, v3, vm0, $0xb8;
	[tilespmem:$0xC080] =	vst v63  }
0x8c: {  	_ = 	snop  }
0x8d: {  	[tilespmem:s24], [sflag:$0x1] =	stream.indirect_vreg.gather [hbm4b:s4+s2], $0x80, v3, vm0, $0xb8;
	[tilespmem:$0xC080] =	vst v63  }
0x8e: {  	_ = 	snop  }
0x8f: {  	[tilespmem:s25], [sflag:$0x1] =	stream.indirect_vreg.gather [hbm4b:s5+s2], $0x80, v3, vm0, $0xb8;
	[tilespmem:$0xC080] =	vst v63  }
0x90: {  	_ = 	snop  }
0x91: {  	[tilespmem:s26], [sflag:$0x1] =	stream.indirect_vreg.gather [hbm4b:s6+s2], $0x80, v3, vm0, $0xb8;
	[tilespmem:$0xC080] =	vst v63  }
0x92: {  	v3 =	vld [tilespmem:$0x20];
	_ =	sdelay $0x4  }
0x93: {  	v57 =	vshll.u32 v3, $0x3  }
0x94: {  	v3 =	vand.u32 $0x7, v3;
	v4 =	vand.u32 $0xFFFFFFC0, v57  }
0x95: {  	v3 =	vor.u32 v3, v4  }
0x96: {  	v4 =	vperm.xlane v3, v0;
	_ =	sdelay $0x1  }
0x97: {  	v4 =	vadd.s32 v1, v4;
	_ =	sdelay $0x4  }
0x98: {  	[tilespmem:s28], [sflag:$0x1] =	stream.indirect_vreg.gather [hbm4b:s3+s2], $0x80, v4, vm0, $0xb8;
	[tilespmem:$0xC080] =	vst v63  }
0x99: {  	v3 =	vperm.xlane v3, v2  }
0x9a: {  	[tilespmem:s29], [sflag:$0x1] =	stream.indirect_vreg.gather [hbm4b:s4+s2], $0x80, v4, vm0, $0xb8;
	[tilespmem:$0xC080] =	vst v63  }
0x9b: {  	v3 =	vadd.s32 v1, v3  }
0x9c: {  	[tilespmem:s30], [sflag:$0x1] =	stream.indirect_vreg.gather [hbm4b:s5+s2], $0x80, v4, vm0, $0xb8;
	[tilespmem:$0xC080] =	vst v63  }
0x9d: {  	_ = 	snop  }
0x9e: {  	[tilespmem:s31], [sflag:$0x1] =	stream.indirect_vreg.gather [hbm4b:s6+s2], $0x80, v4, vm0, $0xb8;
	[tilespmem:$0xC080] =	vst v63  }
0x9f: {  	_ = 	snop  }
0xa0: {  	[tilespmem:s0], [sflag:$0x1] =	stream.indirect_vreg.gather [hbm4b:s3+s2], $0x80, v3, vm0, $0xb8;
	[tilespmem:$0xC080] =	vst v63  }
0xa1: {  	_ = 	snop  }
0xa2: {  	[tilespmem:s1], [sflag:$0x1] =	stream.indirect_vreg.gather [hbm4b:s4+s2], $0x80, v3, vm0, $0xb8;
	[tilespmem:$0xC080] =	vst v63  }
0xa3: {  	s11 =	simm.s32 $0xB080  }
0xa4: {  	[tilespmem:s11], [sflag:$0x1] =	stream.indirect_vreg.gather [hbm4b:s5+s2], $0x80, v3, vm0, $0xb8;
	[tilespmem:$0xC080] =	vst v63  }
0xa5: {  	s11 =	simm.s32 $0xB880  }
0xa6: {  	[tilespmem:s11], [sflag:$0x1] =	stream.indirect_vreg.gather [hbm4b:s6+s2], $0x80, v3, vm0, $0xb8;
	[tilespmem:$0xC080] =	vst v63  }
0xa7: {  	_ =	swait.ge [sflag:s10], $0xC000  }
0xa8: {  	[sflag:s10] =	ssyncset.done $0x0  }
0xa9: {  	s11 =	rddreg [dreg:$0x5];
	[sflag:s10] =	ssyncadd.s32 $0xFFFF4000  }
0xaa: {  	[hbm4b:s11+s2] =	stream.linear.scatter [tilespmem:s9], [sflag:$0x2], $0xC000, $0x38;
	[tilespmem:$0xC080] =	vst v63  }
0xab: {  	_ =	swait.ge [sflag:s8], $0xC000  }
0xac: {  	[sflag:s8] =	ssyncset.done $0x0  }
0xad: {  	s11 =	rddreg [dreg:$0x6];
	[sflag:s8] =	ssyncadd.s32 $0xFFFF4000  }
0xae: {  	[tilespmem:s2], [sflag:$0x2] =	stream.linear.gather [hbm4b:s11+s2], $0x30, $0x38;
	[tilespmem:$0xC080] =	vst v63  }
0xaf: {  	_ =	swait.ge [sflag:s8], $0x30  }
0xb0: {  	[sflag:s8] =	ssyncset.done $0x0  }
0xb1: {  	[sflag:s8] =	ssyncadd.s32 $0xFFFFFFD0  }
0xb2: {  	v3 =	vld [tilespmem:$0x0];
	_ =	sdelay $0x4  }
0xb3: {  	v58 =	vshll.u32 v3, $0x3  }
0xb4: {  	v3 =	vand.u32 $0x7, v3;
	v4 =	vand.u32 $0xFFFFFFC0, v58  }
0xb5: {  	v3 =	vor.u32 v3, v4  }
0xb6: {  	v4 =	vperm.xlane v3, v0;
	_ =	sdelay $0x1  }
0xb7: {  	v4 =	vadd.s32 v1, v4;
	_ =	sdelay $0x4  }
0xb8: {  	[tilespmem:s9], [sflag:$0x1] =	stream.indirect_vreg.gather [hbm4b:s3+s2], $0x80, v4, vm0, $0xb8;
	[tilespmem:$0xC080] =	vst v63  }
0xb9: {  	v3 =	vperm.xlane v3, v2  }
0xba: {  	[tilespmem:s12], [sflag:$0x1] =	stream.indirect_vreg.gather [hbm4b:s4+s2], $0x80, v4, vm0, $0xb8;
	[tilespmem:$0xC080] =	vst v63  }
0xbb: {  	v3 =	vadd.s32 v1, v3  }
0xbc: {  	[tilespmem:s13], [sflag:$0x1] =	stream.indirect_vreg.gather [hbm4b:s5+s2], $0x80, v4, vm0, $0xb8;
	[tilespmem:$0xC080] =	vst v63  }
0xbd: {  	_ = 	snop  }
0xbe: {  	[tilespmem:s14], [sflag:$0x1] =	stream.indirect_vreg.gather [hbm4b:s6+s2], $0x80, v4, vm0, $0xb8;
	[tilespmem:$0xC080] =	vst v63  }
0xbf: {  	_ = 	snop  }
0xc0: {  	[tilespmem:s15], [sflag:$0x1] =	stream.indirect_vreg.gather [hbm4b:s3+s2], $0x80, v3, vm0, $0xb8;
	[tilespmem:$0xC080] =	vst v63  }
0xc1: {  	_ = 	snop  }
0xc2: {  	[tilespmem:s16], [sflag:$0x1] =	stream.indirect_vreg.gather [hbm4b:s4+s2], $0x80, v3, vm0, $0xb8;
	[tilespmem:$0xC080] =	vst v63  }
0xc3: {  	_ = 	snop  }
0xc4: {  	[tilespmem:s17], [sflag:$0x1] =	stream.indirect_vreg.gather [hbm4b:s5+s2], $0x80, v3, vm0, $0xb8;
	[tilespmem:$0xC080] =	vst v63  }
0xc5: {  	_ = 	snop  }
0xc6: {  	[tilespmem:s18], [sflag:$0x1] =	stream.indirect_vreg.gather [hbm4b:s6+s2], $0x80, v3, vm0, $0xb8;
	[tilespmem:$0xC080] =	vst v63  }
0xc7: {  	v3 =	vld [tilespmem:$0x10];
	_ =	sdelay $0x4  }
0xc8: {  	v59 =	vshll.u32 v3, $0x3  }
0xc9: {  	v3 =	vand.u32 $0x7, v3;
	v4 =	vand.u32 $0xFFFFFFC0, v59  }
0xca: {  	v3 =	vor.u32 v3, v4  }
0xcb: {  	v4 =	vperm.xlane v3, v0;
	_ =	sdelay $0x1  }
0xcc: {  	v4 =	vadd.s32 v1, v4;
	_ =	sdelay $0x4  }
0xcd: {  	[tilespmem:s19], [sflag:$0x1] =	stream.indirect_vreg.gather [hbm4b:s3+s2], $0x80, v4, vm0, $0xb8;
	[tilespmem:$0xC080] =	vst v63  }
0xce: {  	v3 =	vperm.xlane v3, v2  }
0xcf: {  	[tilespmem:s20], [sflag:$0x1] =	stream.indirect_vreg.gather [hbm4b:s4+s2], $0x80, v4, vm0, $0xb8;
	[tilespmem:$0xC080] =	vst v63  }
0xd0: {  	v3 =	vadd.s32 v1, v3  }
0xd1: {  	[tilespmem:s21], [sflag:$0x1] =	stream.indirect_vreg.gather [hbm4b:s5+s2], $0x80, v4, vm0, $0xb8;
	[tilespmem:$0xC080] =	vst v63  }
0xd2: {  	_ = 	snop  }
0xd3: {  	[tilespmem:s22], [sflag:$0x1] =	stream.indirect_vreg.gather [hbm4b:s6+s2], $0x80, v4, vm0, $0xb8;
	[tilespmem:$0xC080] =	vst v63  }
0xd4: {  	_ = 	snop  }
0xd5: {  	[tilespmem:s23], [sflag:$0x1] =	stream.indirect_vreg.gather [hbm4b:s3+s2], $0x80, v3, vm0, $0xb8;
	[tilespmem:$0xC080] =	vst v63  }
0xd6: {  	_ = 	snop  }
0xd7: {  	[tilespmem:s24], [sflag:$0x1] =	stream.indirect_vreg.gather [hbm4b:s4+s2], $0x80, v3, vm0, $0xb8;
	[tilespmem:$0xC080] =	vst v63  }
0xd8: {  	_ = 	snop  }
0xd9: {  	[tilespmem:s25], [sflag:$0x1] =	stream.indirect_vreg.gather [hbm4b:s5+s2], $0x80, v3, vm0, $0xb8;
	[tilespmem:$0xC080] =	vst v63  }
0xda: {  	_ = 	snop  }
0xdb: {  	[tilespmem:s26], [sflag:$0x1] =	stream.indirect_vreg.gather [hbm4b:s6+s2], $0x80, v3, vm0, $0xb8;
	[tilespmem:$0xC080] =	vst v63  }
0xdc: {  	v3 =	vld [tilespmem:$0x20];
	_ =	sdelay $0x4  }
0xdd: {  	v60 =	vshll.u32 v3, $0x3  }
0xde: {  	v3 =	vand.u32 $0x7, v3;
	v4 =	vand.u32 $0xFFFFFFC0, v60  }
0xdf: {  	v3 =	vor.u32 v3, v4  }
0xe0: {  	v4 =	vperm.xlane v3, v0;
	_ =	sdelay $0x1  }
0xe1: {  	v4 =	vadd.s32 v1, v4;
	_ =	sdelay $0x4  }
0xe2: {  	[tilespmem:s28], [sflag:$0x1] =	stream.indirect_vreg.gather [hbm4b:s3+s2], $0x80, v4, vm0, $0xb8;
	[tilespmem:$0xC080] =	vst v63  }
0xe3: {  	v3 =	vperm.xlane v3, v2  }
0xe4: {  	[tilespmem:s29], [sflag:$0x1] =	stream.indirect_vreg.gather [hbm4b:s4+s2], $0x80, v4, vm0, $0xb8;
	[tilespmem:$0xC080] =	vst v63  }
0xe5: {  	v3 =	vadd.s32 v1, v3  }
0xe6: {  	[tilespmem:s30], [sflag:$0x1] =	stream.indirect_vreg.gather [hbm4b:s5+s2], $0x80, v4, vm0, $0xb8;
	[tilespmem:$0xC080] =	vst v63  }
0xe7: {  	_ = 	snop  }
0xe8: {  	[tilespmem:s31], [sflag:$0x1] =	stream.indirect_vreg.gather [hbm4b:s6+s2], $0x80, v4, vm0, $0xb8;
	[tilespmem:$0xC080] =	vst v63  }
0xe9: {  	_ = 	snop  }
0xea: {  	[tilespmem:s0], [sflag:$0x1] =	stream.indirect_vreg.gather [hbm4b:s3+s2], $0x80, v3, vm0, $0xb8;
	[tilespmem:$0xC080] =	vst v63  }
0xeb: {  	_ = 	snop  }
0xec: {  	[tilespmem:s1], [sflag:$0x1] =	stream.indirect_vreg.gather [hbm4b:s4+s2], $0x80, v3, vm0, $0xb8;
	[tilespmem:$0xC080] =	vst v63  }
0xed: {  	s11 =	simm.s32 $0xB080  }
0xee: {  	[tilespmem:s11], [sflag:$0x1] =	stream.indirect_vreg.gather [hbm4b:s5+s2], $0x80, v3, vm0, $0xb8;
	[tilespmem:$0xC080] =	vst v63  }
0xef: {  	s11 =	simm.s32 $0xB880  }
0xf0: {  	[tilespmem:s11], [sflag:$0x1] =	stream.indirect_vreg.gather [hbm4b:s6+s2], $0x80, v3, vm0, $0xb8;
	[tilespmem:$0xC080] =	vst v63  }
0xf1: {  	_ =	swait.ge [sflag:s10], $0xC000  }
0xf2: {  	[sflag:s10] =	ssyncset.done $0x0  }
0xf3: {  	s11 =	rddreg [dreg:$0x7];
	[sflag:s10] =	ssyncadd.s32 $0xFFFF4000  }
0xf4: {  	[hbm4b:s11+s2] =	stream.linear.scatter [tilespmem:s9], [sflag:$0x2], $0xC000, $0x38;
	[tilespmem:$0xC080] =	vst v63  }
0xf5: {  	_ =	swait.ge [sflag:s8], $0xC000  }
0xf6: {  	[sflag:s8] =	ssyncset.done $0x0  }
0xf7: {  	s11 =	rddreg [dreg:$0x8];
	[sflag:s8] =	ssyncadd.s32 $0xFFFF4000  }
0xf8: {  	[tilespmem:s2], [sflag:$0x2] =	stream.linear.gather [hbm4b:s11+s2], $0x30, $0x38;
	[tilespmem:$0xC080] =	vst v63  }
0xf9: {  	_ =	swait.ge [sflag:s8], $0x30  }
0xfa: {  	[sflag:s8] =	ssyncset.done $0x0  }
0xfb: {  	[sflag:s8] =	ssyncadd.s32 $0xFFFFFFD0  }
0xfc: {  	v3 =	vld [tilespmem:$0x0];
	_ =	sdelay $0x4  }
0xfd: {  	v61 =	vshll.u32 v3, $0x3  }
0xfe: {  	v3 =	vand.u32 $0x7, v3;
	v4 =	vand.u32 $0xFFFFFFC0, v61  }
0xff: {  	v3 =	vor.u32 v3, v4  }
0x100: {  	v4 =	vperm.xlane v3, v0;
	_ =	sdelay $0x1  }
0x101: {  	v4 =	vadd.s32 v1, v4;
	_ =	sdelay $0x4  }
0x102: {  	[tilespmem:s9], [sflag:$0x1] =	stream.indirect_vreg.gather [hbm4b:s3+s2], $0x80, v4, vm0, $0xb8;
	[tilespmem:$0xC080] =	vst v63  }
0x103: {  	v3 =	vperm.xlane v3, v2  }
0x104: {  	[tilespmem:s12], [sflag:$0x1] =	stream.indirect_vreg.gather [hbm4b:s4+s2], $0x80, v4, vm0, $0xb8;
	[tilespmem:$0xC080] =	vst v63  }
0x105: {  	v3 =	vadd.s32 v1, v3  }
0x106: {  	[tilespmem:s13], [sflag:$0x1] =	stream.indirect_vreg.gather [hbm4b:s5+s2], $0x80, v4, vm0, $0xb8;
	[tilespmem:$0xC080] =	vst v63  }
0x107: {  	_ = 	snop  }
0x108: {  	[tilespmem:s14], [sflag:$0x1] =	stream.indirect_vreg.gather [hbm4b:s6+s2], $0x80, v4, vm0, $0xb8;
	[tilespmem:$0xC080] =	vst v63  }
0x109: {  	_ = 	snop  }
0x10a: {  	[tilespmem:s15], [sflag:$0x1] =	stream.indirect_vreg.gather [hbm4b:s3+s2], $0x80, v3, vm0, $0xb8;
	[tilespmem:$0xC080] =	vst v63  }
0x10b: {  	_ = 	snop  }
0x10c: {  	[tilespmem:s16], [sflag:$0x1] =	stream.indirect_vreg.gather [hbm4b:s4+s2], $0x80, v3, vm0, $0xb8;
	[tilespmem:$0xC080] =	vst v63  }
0x10d: {  	_ = 	snop  }
0x10e: {  	[tilespmem:s17], [sflag:$0x1] =	stream.indirect_vreg.gather [hbm4b:s5+s2], $0x80, v3, vm0, $0xb8;
	[tilespmem:$0xC080] =	vst v63  }
0x10f: {  	_ = 	snop  }
0x110: {  	[tilespmem:s18], [sflag:$0x1] =	stream.indirect_vreg.gather [hbm4b:s6+s2], $0x80, v3, vm0, $0xb8;
	[tilespmem:$0xC080] =	vst v63  }
0x111: {  	v3 =	vld [tilespmem:$0x10];
	_ =	sdelay $0x4  }
0x112: {  	v62 =	vshll.u32 v3, $0x3  }
0x113: {  	v3 =	vand.u32 $0x7, v3;
	v4 =	vand.u32 $0xFFFFFFC0, v62  }
0x114: {  	v3 =	vor.u32 v3, v4  }
0x115: {  	v4 =	vperm.xlane v3, v0;
	_ =	sdelay $0x1  }
0x116: {  	v4 =	vadd.s32 v1, v4;
	_ =	sdelay $0x4  }
0x117: {  	[tilespmem:s19], [sflag:$0x1] =	stream.indirect_vreg.gather [hbm4b:s3+s2], $0x80, v4, vm0, $0xb8;
	[tilespmem:$0xC080] =	vst v63  }
0x118: {  	v3 =	vperm.xlane v3, v2  }
0x119: {  	[tilespmem:s20], [sflag:$0x1] =	stream.indirect_vreg.gather [hbm4b:s4+s2], $0x80, v4, vm0, $0xb8;
	[tilespmem:$0xC080] =	vst v63  }
0x11a: {  	v3 =	vadd.s32 v1, v3  }
0x11b: {  	[tilespmem:s21], [sflag:$0x1] =	stream.indirect_vreg.gather [hbm4b:s5+s2], $0x80, v4, vm0, $0xb8;
	[tilespmem:$0xC080] =	vst v63  }
0x11c: {  	_ = 	snop  }
0x11d: {  	[tilespmem:s22], [sflag:$0x1] =	stream.indirect_vreg.gather [hbm4b:s6+s2], $0x80, v4, vm0, $0xb8;
	[tilespmem:$0xC080] =	vst v63  }
0x11e: {  	_ = 	snop  }
0x11f: {  	[tilespmem:s23], [sflag:$0x1] =	stream.indirect_vreg.gather [hbm4b:s3+s2], $0x80, v3, vm0, $0xb8;
	[tilespmem:$0xC080] =	vst v63  }
0x120: {  	_ = 	snop  }
0x121: {  	[tilespmem:s24], [sflag:$0x1] =	stream.indirect_vreg.gather [hbm4b:s4+s2], $0x80, v3, vm0, $0xb8;
	[tilespmem:$0xC080] =	vst v63  }
0x122: {  	_ = 	snop  }
0x123: {  	[tilespmem:s25], [sflag:$0x1] =	stream.indirect_vreg.gather [hbm4b:s5+s2], $0x80, v3, vm0, $0xb8;
	[tilespmem:$0xC080] =	vst v63  }
0x124: {  	_ = 	snop  }
0x125: {  	[tilespmem:s26], [sflag:$0x1] =	stream.indirect_vreg.gather [hbm4b:s6+s2], $0x80, v3, vm0, $0xb8;
	[tilespmem:$0xC080] =	vst v63  }
0x126: {  	v3 =	vld [tilespmem:$0x20];
	_ =	sdelay $0x4  }
0x127: {  	v63 =	vshll.u32 v3, $0x3  }
0x128: {  	v3 =	vand.u32 $0x7, v3;
	v4 =	vand.u32 $0xFFFFFFC0, v63  }
0x129: {  	v3 =	vor.u32 v3, v4  }
0x12a: {  	v4 =	vperm.xlane v3, v0;
	_ =	sdelay $0x1  }
0x12b: {  	v4 =	vadd.s32 v1, v4;
	_ =	sdelay $0x4  }
0x12c: {  	[tilespmem:s28], [sflag:$0x1] =	stream.indirect_vreg.gather [hbm4b:s3+s2], $0x80, v4, vm0, $0xb8;
	[tilespmem:$0xC080] =	vst v63  }
0x12d: {  	v3 =	vperm.xlane v3, v2  }
0x12e: {  	[tilespmem:s29], [sflag:$0x1] =	stream.indirect_vreg.gather [hbm4b:s4+s2], $0x80, v4, vm0, $0xb8;
	[tilespmem:$0xC080] =	vst v63  }
0x12f: {  	v3 =	vadd.s32 v1, v3  }
0x130: {  	[tilespmem:s30], [sflag:$0x1] =	stream.indirect_vreg.gather [hbm4b:s5+s2], $0x80, v4, vm0, $0xb8;
	[tilespmem:$0xC080] =	vst v63  }
0x131: {  	_ = 	snop  }
0x132: {  	[tilespmem:s31], [sflag:$0x1] =	stream.indirect_vreg.gather [hbm4b:s6+s2], $0x80, v4, vm0, $0xb8;
	[tilespmem:$0xC080] =	vst v63  }
0x133: {  	_ = 	snop  }
0x134: {  	[tilespmem:s0], [sflag:$0x1] =	stream.indirect_vreg.gather [hbm4b:s3+s2], $0x80, v3, vm0, $0xb8;
	[tilespmem:$0xC080] =	vst v63  }
0x135: {  	_ = 	snop  }
0x136: {  	[tilespmem:s1], [sflag:$0x1] =	stream.indirect_vreg.gather [hbm4b:s4+s2], $0x80, v3, vm0, $0xb8;
	[tilespmem:$0xC080] =	vst v63  }
0x137: {  	s11 =	simm.s32 $0xB080  }
0x138: {  	[tilespmem:s11], [sflag:$0x1] =	stream.indirect_vreg.gather [hbm4b:s5+s2], $0x80, v3, vm0, $0xb8;
	[tilespmem:$0xC080] =	vst v63  }
0x139: {  	s11 =	simm.s32 $0xB880  }
0x13a: {  	[tilespmem:s11], [sflag:$0x1] =	stream.indirect_vreg.gather [hbm4b:s6+s2], $0x80, v3, vm0, $0xb8;
	[tilespmem:$0xC080] =	vst v63  }
0x13b: {  	_ =	swait.ge [sflag:s10], $0xC000  }
0x13c: {  	p0 =	sne.s32 s7, $0x1;
	[sflag:s10] =	ssyncset.done $0x0  }
.Ltmp0:
0x13d: {  	s0 =	rddreg [dreg:$0x9];
	[sflag:s10] =	ssyncadd.s32 $0xFFFF4000;
	(pc) =	sbr.rel @p0 .LBB2_1-.Ltmp0, $4  }
0x13e: {  	[hbm4b:s0+s2] =	stream.linear.scatter [tilespmem:s9], [sflag:$0x2], $0xC000, $0x38;
	[tilespmem:$0xC080] =	vst v63  }
0x13f: {  	_ =	swait.ge [sflag:s8], $0xC000  }
0x140: {  	[sflag:s8] =	ssyncset.done $0x0  }
0x141: {  	s7 =	sadd.s32 $0xFFFFFFFF, s7;
	[sflag:s8] =	ssyncadd.s32 $0xFFFF4000  }
0x142: {  	_ =	sfence.sel $0x180000  }
0x143: {  	[bflag:$0x0] =	sbarrier.arrive $0xFFFF  }
0x144: {  	_ =	strace $0x90000047  }
0x145: {  	s0 =	stileid.u32;
	[bflag:$0x2] =	sbarrier.arrive $0xFFFF  }
0x146: {  	p0 =	sne.s32 s0, $0x0;
	s0 =	rddreg [dreg:$0x1]  }
0x147: {  	s0 =	sadd.s32 @!p0 $0x100000, s0  }
0x148: {  	[sflag:s0] =	ssyncadd.tile.s32 @!p0 $0x1;
	_ =	shalt  }
.Lfunc_end2:
_tile_overlayer_lowered:
.L_overlay_start_2:
0x149: {  	(tag) =	ssettag $0x2  }
0x14a: {  	s0 =	rddreg [dreg:$0x0];
	s2 =	stileid.u32  }
0x14b: {  	s1 =	rddreg [dreg:$0x1];
	p0 =	sne.s32 s2, $0x0  }
0x14c: {  	s3 =	rddreg [dreg:$0x2];
	[bflag:$0x3] =	sbarrier.arrive $0xFFFF;
	s2 =	simm.s32 @!p0 $0x1C02  }
0x14d: {  	[timem:s3], [sflag:s2] =	dma.local @!p0 [hbm:s0], s1  }
0x14e: {  	s0 =	simm.s32 @!p0 $0x2  }
0x14f: {  	_ =	swait.ge @!p0 [sflag:s0], s1  }
0x150: {  	s1 =	ssub.s32 @!p0 $0x0, s1;
	[sflag:s0] =	ssyncset.done @!p0 $0x0  }
0x151: {  	[sflag:s0] =	ssyncadd.s32 @!p0 s1  }
0x152: {  	[bflag:$0x3] =	sbarrier.arrive $0xFFFF  }
0x153: {  	_ =	shalt  }

// kernel: kernel.13.cloned.1.call-start
scs
__scs_entry_jumppad:
0x0: {  	(pc) =	sbr.rel $0x88, $3  }
0x1: {  	(tag) =	ssettag $0x0;
	lr =	simm.s32 $0x1  }
0x2: {  	[smem:$0x3F8F] =	sst lr;
	_ =	strace $0xD0000000  }
0x3: {  	_ = 	snop  }
0x4: {  	_ = 	snop  }
0x5: {  	_ = 	snop  }
0x6: {  	_ = 	snop  }
0x7: {  	_ = 	snop  }
__scs_overlays_trampoline_lowered:
0x8: {  	[smem:$0x3F9E] =	sst s0  }
0x9: {  	[smem:$0x3F9F] =	sst s1  }
0xa: {  	[smem:$0x3FA0] =	sst s2  }
0xb: {  	[smem:$0x3FA1] =	sst s3  }
0xc: {  	[smem:$0x3FA2] =	sst s4  }
0xd: {  	[smem:$0x3FA3] =	sst s5  }
0xe: {  	[smem:$0x3FA4] =	sst s6  }
0xf: {  	[smem:$0x3FA5] =	sst s7  }
0x10: {  	[smem:$0x3FA6] =	sst s8  }
0x11: {  	[smem:$0x3FA7] =	sst s9;
	s0 =	simm.s32 @!p0 $0x0  }
0x12: {  	s1 =	sld [smem:$0x3F8D];
	s0 =	simm.s32 @p0 $0x1  }
0x13: {  	[smem:$0x3FA8] =	sst s0;
	s0 =	simm.s32 @!p1 $0x0  }
0x14: {  	s2 =	sld [smem:$0x3F8C];
	s0 =	simm.s32 @p1 $0x1  }
0x15: {  	[smem:$0x3FA9] =	sst s0;
	s0 =	simm.s32 @!p2 $0x0  }
0x16: {  	s3 =	sld [smem:$0x3FDB];
	s0 =	simm.s32 @p2 $0x1  }
0x17: {  	s4 =	simm.s32 $0x1BF5;
	[smem:$0x3FAB] =	sst s0  }
0x18: {  	s0 =	sld [smem:$0x3F8E];
	_ =	swait.ge [sflag:s4], $0x0  }
0x19: {  	s7 =	sld [smem:$0x3F8F]  }
0x1a: {  	s8 =	sadd.s32 $0xFFFFE003, lr  }
0x1b: {  	s9 =	sadd.s32 $0xFFFFFEF7, lr;
	s5 =	simm.s32 $0xFFFFFFFF;
	p2 =	slt.u32 s8, $0xFFFFF086  }
0x1c: {  	p1 =	slt.u32 s9, $0xF7A;
	s5 =	simm.s32 @!p2 $0x0  }
0x1d: {  	s5 =	simm.s32 @p1 $0x1;
	p0 =	seq.s32 s7, s2  }
0x1e: {  	s7 =	smul.u32 @!p0 $0xF7A, s2;
	p2 =	seq.s32 @!p0 s5, $0x0  }
0x1f: {  	s9 =	smul.u32 $0xF7A, s1;
	s8 =	simm.s32 @!p0 $0x1BF5;
	p2 =	por !p2, p0  }
0x20: {  	[sflag:s8] =	ssyncset.s32 @!p0 $0xFFFFF086;
	s6 =	sadd.s32 @!p0 s3, s7;
	s7 =	simm.s32 @!p0 $0x108  }
0x21: {  	s3 =	sadd.s32 s3, s9;
	s6 =	sadd.s32 @!p0 $0x88, s6;
	s7 =	simm.s32 @p2 $0x1082  }
0x22: {  	[simem:s7], [sflag:s8] =	dma.local @!p0 [hbm:s6], $0xF7A  }
0x23: {  	s9 =	sor.u32 $0xD0000000, s2;
	s6 =	simm.s32 $0x108;
	_ =	swait.ge @!p0 [sflag:s8], $0x0  }
0x24: {  	s3 =	sadd.s32 $0x88, s3;
	s6 =	simm.s32 @!p1 $0x1082;
	[sflag:s4] =	ssyncset.s32 $0xFFFFF086  }
0x25: {  	[simem:s6], [sflag:s4] =	dma.local [hbm:s3], $0xF7A  }
0x26: {  	[smem:$0x3F8F] =	sst s1;
	(tag) =	ssettag s2;
	_ =	strace s9  }
0x27: {  	s1 =	sld [smem:$0x3F9F]  }
0x28: {  	s2 =	sld [smem:$0x3FA0]  }
0x29: {  	s4 =	sld [smem:$0x3FA2]  }
0x2a: {  	p0 =	seq.s32 s5, $0x0;
	s5 =	sld [smem:$0x3FA3]  }
0x2b: {  	s6 =	sld [smem:$0x3FA4]  }
0x2c: {  	s7 =	sld [smem:$0x3FA5]  }
0x2d: {  	s3 =	simm.s32 $0x108;
	s8 =	sld [smem:$0x3FA6]  }
0x2e: {  	s3 =	simm.s32 @!p0 $0x1082;
	s9 =	sld [smem:$0x3FA7]  }
0x2f: {  	lr =	sadd.s32 s0, s3;
	s0 =	sld [smem:$0x3F9E]  }
0x30: {  	s3 =	sld [smem:$0x3FA1]  }
0x31: {  	[smem:$0x3FAA] =	sst s10  }
0x32: {  	s10 =	sld [smem:$0x3FA8];
	_ =	sdelay $0x3  }
0x33: {  	p0 =	seq.s32 s10, $0x1;
	s10 =	sld [smem:$0x3FAA];
	_ =	sdelay $0x3  }
0x34: {  	[smem:$0x3FAA] =	sst s10  }
0x35: {  	s10 =	sld [smem:$0x3FA9];
	_ =	sdelay $0x3  }
0x36: {  	p1 =	seq.s32 s10, $0x1;
	s10 =	sld [smem:$0x3FAA];
	_ =	sdelay $0x3  }
0x37: {  	[smem:$0x3FAA] =	sst s10  }
0x38: {  	s10 =	sld [smem:$0x3FAB]  }
0x39: {  	_ = 	snop;
	(pc) =	sbr.ind lr, $3  }
0x3a: {  	_ = 	snop  }
0x3b: {  	_ = 	snop  }
0x3c: {  	p2 =	seq.s32 s10, $0x1;
	s10 =	sld [smem:$0x3FAA]  }
0x3d: {  	_ =	shalt  }
0x3e: {  	_ =	shalt  }
0x3f: {  	_ =	shalt  }
0x40: {  	_ =	shalt  }
0x41: {  	_ =	shalt  }
0x42: {  	_ =	shalt  }
0x43: {  	_ =	shalt  }
0x44: {  	_ =	shalt  }
0x45: {  	_ =	shalt  }
0x46: {  	_ =	shalt  }
0x47: {  	_ =	shalt  }
0x48: {  	_ =	shalt  }
0x49: {  	_ =	shalt  }
0x4a: {  	_ =	shalt  }
0x4b: {  	_ =	shalt  }
0x4c: {  	_ =	shalt  }
0x4d: {  	_ =	shalt  }
0x4e: {  	_ =	shalt  }
0x4f: {  	_ =	shalt  }
0x50: {  	_ =	shalt  }
0x51: {  	_ =	shalt  }
0x52: {  	_ =	shalt  }
0x53: {  	_ =	shalt  }
0x54: {  	_ =	shalt  }
0x55: {  	_ =	shalt  }
0x56: {  	_ =	shalt  }
0x57: {  	_ =	shalt  }
0x58: {  	_ =	shalt  }
0x59: {  	_ =	shalt  }
0x5a: {  	_ =	shalt  }
0x5b: {  	_ =	shalt  }
0x5c: {  	_ =	shalt  }
0x5d: {  	_ =	shalt  }
0x5e: {  	_ =	shalt  }
0x5f: {  	_ =	shalt  }
0x60: {  	_ =	shalt  }
0x61: {  	_ =	shalt  }
0x62: {  	_ =	shalt  }
0x63: {  	_ =	shalt  }
0x64: {  	_ =	shalt  }
0x65: {  	_ =	shalt  }
0x66: {  	_ =	shalt  }
0x67: {  	_ =	shalt  }
0x68: {  	_ =	shalt  }
0x69: {  	_ =	shalt  }
0x6a: {  	_ =	shalt  }
0x6b: {  	_ =	shalt  }
0x6c: {  	_ =	shalt  }
0x6d: {  	_ =	shalt  }
0x6e: {  	_ =	shalt  }
0x6f: {  	_ =	shalt  }
0x70: {  	_ =	shalt  }
0x71: {  	_ =	shalt  }
0x72: {  	_ =	shalt  }
0x73: {  	_ =	shalt  }
0x74: {  	_ =	shalt  }
0x75: {  	_ =	shalt  }
0x76: {  	_ =	shalt  }
0x77: {  	_ =	shalt  }
0x78: {  	_ =	shalt  }
0x79: {  	_ =	shalt  }
0x7a: {  	_ =	shalt  }
0x7b: {  	_ =	shalt  }
0x7c: {  	_ =	shalt  }
0x7d: {  	_ =	shalt  }
0x7e: {  	_ =	shalt  }
0x7f: {  	_ =	shalt  }
0x80: {  	_ =	shalt  }
0x81: {  	_ =	shalt  }
0x82: {  	_ =	shalt  }
0x83: {  	_ =	shalt  }
0x84: {  	_ =	shalt  }
0x85: {  	_ =	shalt  }
0x86: {  	_ =	shalt  }
0x87: {  	_ =	shalt  }
.Lfunc_end0:
.L_simem_size_0:
called_computation.1_lowered:
.L_overlay_start_0:
0x88: {  	s2 =	sld [smem:$0x3FD9]  }
0x89: {  	s3 =	sld [smem:$0x3FFE];
	_ =	sdelay $0x1  }
0x8a: {  	s1 =	srdreg.scid  }
0x8b: {  	s0 =	sand.u32 $0x1, s1  }
0x8c: {  	s16 =	sshll.u32 s0, $0xA;
	s2 =	sadd.s32 s3, s2  }
0x8d: {  	s2 =	sadd.s32 s2, s16  }
0x8e: {  	[smem:$0x3FB6] =	sst s2  }
0x8f: {  	_ = 	snop  }
0x90: {  	(tm) =	ssettm $0x1  }
0x91: {  	s17 =	sld [smem:$0x3FFB];
	_ =	sdelay $0x3  }
0x92: {  	_ =	strace s17  }
0x93: {  	s2 =	sld [smem:$0x3FFC];
	_ =	sdelay $0x3  }
0x94: {  	_ =	strace s2  }
0x95: {  	s2 =	sld [smem:$0x3FFD];
	_ =	sdelay $0x3  }
0x96: {  	_ =	strace s2  }
0x97: {  	_ =	strace $0x8FFFFFFF  }
0x98: {  	s18 =	sld [smem:$0x3FDB];
	_ =	sdelay $0x1  }
0x99: {  	s19 =	simm.s32 $_scs_section_size  }
0x9a: {  	s4 =	simm.s32 $_size__tile_overlayer_lowered;
	s5 =	simm.s32 $_tile_overlayer_lowered  }
0x9b: {  	s22 =	simm.s32 $0x1BFF;
	s21 =	sshll.u32 s5, $0x1;
	s2 =	sadd.s32 s19, s18  }
0x9c: {  	s6 =	simm.s32 $0x0;
	s20 =	sshll.u32 s4, $0x1;
	s4 =	sadd.s32 s21, s2  }
0x9d: {  	[timem:s6], [sflag:s22] =	dma.local [hbm:s4], s20  }
0x9e: {  	_ =	swait.ge [sflag:s22], s20  }
0x9f: {  	s3 =	ssub.s32 $0x0, s20;
	[sflag:s22] =	ssyncset.done $0x0  }
0xa0: {  	[sflag:s22] =	ssyncadd.s32 s3;
	_ =	sdelay $0x1  }
0xa1: {  	s23 =	simm.s32 $0x1B8B  }
0xa2: {  	_ =	swait.ge [sflag:s23], $0x1  }
0xa3: {  	[sflag:s23] =	ssyncset.done $0x0  }
0xa4: {  	s25 =	simm.s32 $0x1B8E;
	s24 =	sld [smem:$0x3FFE];
	[sflag:s23] =	ssyncadd.s32 $0xFFFFFFFF  }
0xa5: {  	s26 =	simm.s32 $execute0_lowered;
	[smem:$0x3FD2] =	sst s25  }
0xa6: {  	s4 =	sshll.u32 s26, $0x1;
	_ =	strace $0x80000049;
	[dreg:$0x1] =	wrdreg $0xFFFFFFFF  }
0xa7: {  	s28 =	simm.s32 $_size_execute0_lowered;
	s2 =	sadd.s32 s2, s4;
	[dreg:$0x0] =	wrdreg $0x0  }
0xa8: {  	s4 =	sshll.u32 s28, $0x1;
	[dreg:$0x2] =	wrdreg s2  }
0xa9: {  	[dreg:$0x3] =	wrdreg s4  }
0xaa: {  	[dreg:$0x4] =	wrdreg $0xC0  }
0xab: {  	_ =	task [dreg:s6], $0x5FFFF  }
0xac: {  	[dreg:$0x1] =	wrdreg $0xFFFFFFFF  }
0xad: {  	[dreg:$0x0] =	wrdreg $0x60  }
0xae: {  	[dreg:$0x2] =	wrdreg s24  }
0xaf: {  	[dreg:$0x3] =	wrdreg $0x9  }
0xb0: {  	_ =	task.clear_ibuf [dreg:s6], $0x4FFFF;
	_ =	strace $0x90000049  }
0xb1: {  	s29 =	simm.s32 $0x9;
	_ =	strace $0x8000004B  }
0xb2: {  	_ =	swait.ge [sflag:s29], $0x1  }
0xb3: {  	[sflag:s29] =	ssyncadd.s32 $0xFFFFFFFF  }
0xb4: {  	_ =	strace $0x9000004B  }
0xb5: {  	_ =	sfence  }
0xb6: {  	s30 =	sld [smem:$0x0];
	_ =	sdelay $0x2  }
0xb7: {  	s31 =	sshll.u32 s1, $0xD;
	s1 =	sshrl.u32 s1, $0x2  }
0xb8: {  	s3 =	sand.u32 $0x4000, s31;
	s1 =	sadd.s32 s1, s30  }
0xb9: {  	s0 =	sor.u32 s3, s0;
	s1 =	sshll.u32 s1, $0x11  }
0xba: {  	s0 =	sor.u32 s1, s0  }
0xbb: {  	s0 =	sadd.s32 $0x8F2B, s0  }
0xbc: {  	[sflag:s0] =	ssyncadd.remote.s32 $0x1  }
0xbd: {  	_ =	sfence.sel $0xFFFF  }
0xbe: {  	[dreg:$0x0] =	wrdreg $0xFFFFFFFF;
	(pc) =	sbr.abs _section_cstart, $3  }
0xbf: {  	[dreg:$0x1] =	wrdreg $0xFFFFFFFF  }
0xc0: {  	_ =	task.clear_ibuf [dreg:s6], $0x2FFFF;
	_ =	strace $0x9FFFFFFF  }
0xc1: {  	(tm) =	ssettm $0x7FFFFFFF  }
tec
execute0_lowered:
.L_overlay_start_1:
0x0: {  	(tag) =	ssettag $0x1  }
0x1: {  	s0 =	rddreg [dreg:$0x0];
	s3 =	srdreg.scid  }
0x2: {  	s2 =	simm.s32 $0x0;
	s1 =	stileid.u32;
	s15 =	simm.s32 $0x80  }
0x3: {  	s16 =	simm.s32 $0x880;
	s17 =	simm.s32 $0x1080;
	s18 =	simm.s32 $0x1880  }
0x4: {  	s28 =	simm.s32 $0x6080;
	s29 =	simm.s32 $0x6880;
	s30 =	simm.s32 $0x7080  }
0x5: {  	s31 =	simm.s32 $0x7880;
	s4 =	sand.u32 $0x1, s3;
	[smem:$0x7FF] =	sst s2  }
0x6: {  	s5 =	sshll.u32 s1, $0x8;
	s3 =	sadd.s32 $0x100E00, s0;
	s11 =	sadd.s32 $0x100C00, s0  }
0x7: {  	s12 =	sadd.s32 $0x40800, s0;
	s6 =	sshll.u32 s4, $0x7;
	s4 =	ssub.s32 $0x2, s4  }
0x8: {  	_ =	strace $0x8000004A;
	s10 =	sor.u32 s6, s5;
	s19 =	sshrl.u32 s4, $0x1  }
0x9: {  	s6 =	sadd.s32 $0x101100, s0;
	s5 =	sshrl.u32 s10, $0x3;
	s13 =	ssub.s32 s4, s19  }
0xa: {  	s20 =	sshll.u32 s10, $0x7;
	s4 =	sadd.s32 $0x100F00, s0;
	s21 =	sor.u32 $0x20, s10  }
0xb: {  	s14 =	sor.u32 $0x40, s10;
	s25 =	sor.u32 $0x60, s10;
	s19 =	simm.s32 $0x2080  }
0xc: {  	s5 =	sadd.s32 s11, s5;
	s7 =	sadd.s32 s12, s20;
	s22 =	sshrl.u32 s21, $0x3  }
0xd: {  	s23 =	sshrl.u32 s14, $0x3;
	s24 =	sshll.u32 s14, $0x7;
	s26 =	sshrl.u32 s25, $0x3  }
0xe: {  	s14 =	sshll.u32 s25, $0x7;
	s13 =	smax.u32 s13, $0x1;
	s20 =	simm.s32 $0x2880  }
0xf: {  	s25 =	simm.s32 $0x5080;
	[dreg:$0x2] =	wrdreg s5;
	s5 =	sadd.s32 $0x101000, s0  }
0x10: {  	[dreg:$0x3] =	wrdreg s7;
	s0 =	sshll.u32 s21, $0x7;
	s7 =	sadd.s32 s11, s22  }
0x11: {  	s9 =	sadd.s32 s11, s23;
	s10 =	sadd.s32 s12, s24;
	s11 =	sadd.s32 s11, s26  }
0x12: {  	v2 =	vlaneseq.u32;
	s21 =	simm.s32 $0x3080;
	s22 =	simm.s32 $0x3880;
	s23 =	simm.s32 $0x4080  }
0x13: {  	vm0 =	vmmov $0xffff;
	v1 =	vshrl.u32 v2, $0x3;
	s24 =	simm.s32 $0x4880;
	s26 =	simm.s32 $0x5880;
	s8 =	sadd.s32 s12, s0  }
0x14: {  	v0 =	vand.u32 $0x7, v2;
	v2 =	vor.u32 $0x8, v2;
	v1 =	vmul.u32 $0x8, v1;
	s12 =	sadd.s32 s12, s14;
	s14 =	simm.s32 $0x2;
	s0 =	simm.s32 $0x1  }
.LBB2_1:
0x15: {  	s1 =	rddreg [dreg:$0x2]  }
0x16: {  	[tilespmem:s2], [sflag:$0x2] =	stream.linear.gather [hbm4b:s1+s2], $0x20, $0x38;
	[tilespmem:$0x8080] =	vst v63  }
0x17: {  	_ =	swait.ge [sflag:s14], $0x20  }
0x18: {  	[sflag:s14] =	ssyncset.done $0x0  }
0x19: {  	[sflag:s14] =	ssyncadd.s32 $0xFFFFFFE0  }
0x1a: {  	v3 =	vld [tilespmem:$0x0];
	_ =	sdelay $0x4  }
0x1b: {  	v4 =	vshll.u32 v3, $0x3  }
0x1c: {  	v3 =	vand.u32 $0x7, v3;
	v4 =	vand.u32 $0xFFFFFFC0, v4  }
0x1d: {  	v3 =	vor.u32 v3, v4  }
0x1e: {  	v4 =	vperm.xlane v3, v0;
	_ =	sdelay $0x1  }
0x1f: {  	v4 =	vadd.s32 v1, v4;
	_ =	sdelay $0x4  }
0x20: {  	[tilespmem:s15], [sflag:$0x1] =	stream.indirect_vreg.gather [hbm4b:s3+s2], $0x80, v4, vm0, $0xb8;
	[tilespmem:$0x8080] =	vst v63  }
0x21: {  	v3 =	vperm.xlane v3, v2  }
0x22: {  	[tilespmem:s16], [sflag:$0x1] =	stream.indirect_vreg.gather [hbm4b:s4+s2], $0x80, v4, vm0, $0xb8;
	[tilespmem:$0x8080] =	vst v63  }
0x23: {  	v3 =	vadd.s32 v1, v3  }
0x24: {  	[tilespmem:s17], [sflag:$0x1] =	stream.indirect_vreg.gather [hbm4b:s5+s2], $0x80, v4, vm0, $0xb8;
	[tilespmem:$0x8080] =	vst v63  }
0x25: {  	_ = 	snop  }
0x26: {  	[tilespmem:s18], [sflag:$0x1] =	stream.indirect_vreg.gather [hbm4b:s6+s2], $0x80, v4, vm0, $0xb8;
	[tilespmem:$0x8080] =	vst v63  }
0x27: {  	_ = 	snop  }
0x28: {  	[tilespmem:s19], [sflag:$0x1] =	stream.indirect_vreg.gather [hbm4b:s3+s2], $0x80, v3, vm0, $0xb8;
	[tilespmem:$0x8080] =	vst v63  }
0x29: {  	_ = 	snop  }
0x2a: {  	[tilespmem:s20], [sflag:$0x1] =	stream.indirect_vreg.gather [hbm4b:s4+s2], $0x80, v3, vm0, $0xb8;
	[tilespmem:$0x8080] =	vst v63  }
0x2b: {  	_ = 	snop  }
0x2c: {  	[tilespmem:s21], [sflag:$0x1] =	stream.indirect_vreg.gather [hbm4b:s5+s2], $0x80, v3, vm0, $0xb8;
	[tilespmem:$0x8080] =	vst v63  }
0x2d: {  	_ = 	snop  }
0x2e: {  	[tilespmem:s22], [sflag:$0x1] =	stream.indirect_vreg.gather [hbm4b:s6+s2], $0x80, v3, vm0, $0xb8;
	[tilespmem:$0x8080] =	vst v63  }
0x2f: {  	v3 =	vld [tilespmem:$0x10];
	_ =	sdelay $0x4  }
0x30: {  	v57 =	vshll.u32 v3, $0x3  }
0x31: {  	v3 =	vand.u32 $0x7, v3;
	v4 =	vand.u32 $0xFFFFFFC0, v57  }
0x32: {  	v3 =	vor.u32 v3, v4  }
0x33: {  	v4 =	vperm.xlane v3, v0;
	_ =	sdelay $0x1  }
0x34: {  	v4 =	vadd.s32 v1, v4;
	_ =	sdelay $0x4  }
0x35: {  	[tilespmem:s23], [sflag:$0x1] =	stream.indirect_vreg.gather [hbm4b:s3+s2], $0x80, v4, vm0, $0xb8;
	[tilespmem:$0x8080] =	vst v63  }
0x36: {  	v3 =	vperm.xlane v3, v2  }
0x37: {  	[tilespmem:s24], [sflag:$0x1] =	stream.indirect_vreg.gather [hbm4b:s4+s2], $0x80, v4, vm0, $0xb8;
	[tilespmem:$0x8080] =	vst v63  }
0x38: {  	v3 =	vadd.s32 v1, v3  }
0x39: {  	[tilespmem:s25], [sflag:$0x1] =	stream.indirect_vreg.gather [hbm4b:s5+s2], $0x80, v4, vm0, $0xb8;
	[tilespmem:$0x8080] =	vst v63  }
0x3a: {  	_ = 	snop  }
0x3b: {  	[tilespmem:s26], [sflag:$0x1] =	stream.indirect_vreg.gather [hbm4b:s6+s2], $0x80, v4, vm0, $0xb8;
	[tilespmem:$0x8080] =	vst v63  }
0x3c: {  	_ = 	snop  }
0x3d: {  	[tilespmem:s28], [sflag:$0x1] =	stream.indirect_vreg.gather [hbm4b:s3+s2], $0x80, v3, vm0, $0xb8;
	[tilespmem:$0x8080] =	vst v63  }
0x3e: {  	_ = 	snop  }
0x3f: {  	[tilespmem:s29], [sflag:$0x1] =	stream.indirect_vreg.gather [hbm4b:s4+s2], $0x80, v3, vm0, $0xb8;
	[tilespmem:$0x8080] =	vst v63  }
0x40: {  	_ = 	snop  }
0x41: {  	[tilespmem:s30], [sflag:$0x1] =	stream.indirect_vreg.gather [hbm4b:s5+s2], $0x80, v3, vm0, $0xb8;
	[tilespmem:$0x8080] =	vst v63  }
0x42: {  	_ = 	snop  }
0x43: {  	[tilespmem:s31], [sflag:$0x1] =	stream.indirect_vreg.gather [hbm4b:s6+s2], $0x80, v3, vm0, $0xb8;
	[tilespmem:$0x8080] =	vst v63  }
0x44: {  	_ =	swait.ge [sflag:s0], $0x8000  }
0x45: {  	[sflag:s0] =	ssyncset.done $0x0  }
0x46: {  	s1 =	rddreg [dreg:$0x3];
	[sflag:s0] =	ssyncadd.s32 $0xFFFF8000  }
0x47: {  	[hbm4b:s1+s2] =	stream.linear.scatter [tilespmem:s15], [sflag:$0x2], $0x8000, $0x38;
	[tilespmem:$0x8080] =	vst v63  }
0x48: {  	_ =	swait.ge [sflag:s14], $0x8000  }
0x49: {  	[sflag:s14] =	ssyncset.done $0x0  }
0x4a: {  	[sflag:s14] =	ssyncadd.s32 $0xFFFF8000  }
0x4b: {  	[tilespmem:s2], [sflag:$0x2] =	stream.linear.gather [hbm4b:s7+s2], $0x20, $0x38;
	[tilespmem:$0x8080] =	vst v63  }
0x4c: {  	_ =	swait.ge [sflag:s14], $0x20  }
0x4d: {  	[sflag:s14] =	ssyncset.done $0x0  }
0x4e: {  	[sflag:s14] =	ssyncadd.s32 $0xFFFFFFE0  }
0x4f: {  	v3 =	vld [tilespmem:$0x0];
	_ =	sdelay $0x4  }
0x50: {  	v58 =	vshll.u32 v3, $0x3  }
0x51: {  	v3 =	vand.u32 $0x7, v3;
	v4 =	vand.u32 $0xFFFFFFC0, v58  }
0x52: {  	v3 =	vor.u32 v3, v4  }
0x53: {  	v4 =	vperm.xlane v3, v0;
	_ =	sdelay $0x1  }
0x54: {  	v4 =	vadd.s32 v1, v4;
	_ =	sdelay $0x4  }
0x55: {  	[tilespmem:s15], [sflag:$0x1] =	stream.indirect_vreg.gather [hbm4b:s3+s2], $0x80, v4, vm0, $0xb8;
	[tilespmem:$0x8080] =	vst v63  }
0x56: {  	v3 =	vperm.xlane v3, v2  }
0x57: {  	[tilespmem:s16], [sflag:$0x1] =	stream.indirect_vreg.gather [hbm4b:s4+s2], $0x80, v4, vm0, $0xb8;
	[tilespmem:$0x8080] =	vst v63  }
0x58: {  	v3 =	vadd.s32 v1, v3  }
0x59: {  	[tilespmem:s17], [sflag:$0x1] =	stream.indirect_vreg.gather [hbm4b:s5+s2], $0x80, v4, vm0, $0xb8;
	[tilespmem:$0x8080] =	vst v63  }
0x5a: {  	_ = 	snop  }
0x5b: {  	[tilespmem:s18], [sflag:$0x1] =	stream.indirect_vreg.gather [hbm4b:s6+s2], $0x80, v4, vm0, $0xb8;
	[tilespmem:$0x8080] =	vst v63  }
0x5c: {  	_ = 	snop  }
0x5d: {  	[tilespmem:s19], [sflag:$0x1] =	stream.indirect_vreg.gather [hbm4b:s3+s2], $0x80, v3, vm0, $0xb8;
	[tilespmem:$0x8080] =	vst v63  }
0x5e: {  	_ = 	snop  }
0x5f: {  	[tilespmem:s20], [sflag:$0x1] =	stream.indirect_vreg.gather [hbm4b:s4+s2], $0x80, v3, vm0, $0xb8;
	[tilespmem:$0x8080] =	vst v63  }
0x60: {  	_ = 	snop  }
0x61: {  	[tilespmem:s21], [sflag:$0x1] =	stream.indirect_vreg.gather [hbm4b:s5+s2], $0x80, v3, vm0, $0xb8;
	[tilespmem:$0x8080] =	vst v63  }
0x62: {  	_ = 	snop  }
0x63: {  	[tilespmem:s22], [sflag:$0x1] =	stream.indirect_vreg.gather [hbm4b:s6+s2], $0x80, v3, vm0, $0xb8;
	[tilespmem:$0x8080] =	vst v63  }
0x64: {  	v3 =	vld [tilespmem:$0x10];
	_ =	sdelay $0x4  }
0x65: {  	v59 =	vshll.u32 v3, $0x3  }
0x66: {  	v3 =	vand.u32 $0x7, v3;
	v4 =	vand.u32 $0xFFFFFFC0, v59  }
0x67: {  	v3 =	vor.u32 v3, v4  }
0x68: {  	v4 =	vperm.xlane v3, v0;
	_ =	sdelay $0x1  }
0x69: {  	v4 =	vadd.s32 v1, v4;
	_ =	sdelay $0x4  }
0x6a: {  	[tilespmem:s23], [sflag:$0x1] =	stream.indirect_vreg.gather [hbm4b:s3+s2], $0x80, v4, vm0, $0xb8;
	[tilespmem:$0x8080] =	vst v63  }
0x6b: {  	v3 =	vperm.xlane v3, v2  }
0x6c: {  	[tilespmem:s24], [sflag:$0x1] =	stream.indirect_vreg.gather [hbm4b:s4+s2], $0x80, v4, vm0, $0xb8;
	[tilespmem:$0x8080] =	vst v63  }
0x6d: {  	v3 =	vadd.s32 v1, v3  }
0x6e: {  	[tilespmem:s25], [sflag:$0x1] =	stream.indirect_vreg.gather [hbm4b:s5+s2], $0x80, v4, vm0, $0xb8;
	[tilespmem:$0x8080] =	vst v63  }
0x6f: {  	_ = 	snop  }
0x70: {  	[tilespmem:s26], [sflag:$0x1] =	stream.indirect_vreg.gather [hbm4b:s6+s2], $0x80, v4, vm0, $0xb8;
	[tilespmem:$0x8080] =	vst v63  }
0x71: {  	_ = 	snop  }
0x72: {  	[tilespmem:s28], [sflag:$0x1] =	stream.indirect_vreg.gather [hbm4b:s3+s2], $0x80, v3, vm0, $0xb8;
	[tilespmem:$0x8080] =	vst v63  }
0x73: {  	_ = 	snop  }
0x74: {  	[tilespmem:s29], [sflag:$0x1] =	stream.indirect_vreg.gather [hbm4b:s4+s2], $0x80, v3, vm0, $0xb8;
	[tilespmem:$0x8080] =	vst v63  }
0x75: {  	_ = 	snop  }
0x76: {  	[tilespmem:s30], [sflag:$0x1] =	stream.indirect_vreg.gather [hbm4b:s5+s2], $0x80, v3, vm0, $0xb8;
	[tilespmem:$0x8080] =	vst v63  }
0x77: {  	_ = 	snop  }
0x78: {  	[tilespmem:s31], [sflag:$0x1] =	stream.indirect_vreg.gather [hbm4b:s6+s2], $0x80, v3, vm0, $0xb8;
	[tilespmem:$0x8080] =	vst v63  }
0x79: {  	_ =	swait.ge [sflag:s0], $0x8000  }
0x7a: {  	[sflag:s0] =	ssyncset.done $0x0  }
0x7b: {  	[sflag:s0] =	ssyncadd.s32 $0xFFFF8000  }
0x7c: {  	[hbm4b:s8+s2] =	stream.linear.scatter [tilespmem:s15], [sflag:$0x2], $0x8000, $0x38;
	[tilespmem:$0x8080] =	vst v63  }
0x7d: {  	_ =	swait.ge [sflag:s14], $0x8000  }
0x7e: {  	[sflag:s14] =	ssyncset.done $0x0  }
0x7f: {  	[sflag:s14] =	ssyncadd.s32 $0xFFFF8000  }
0x80: {  	[tilespmem:s2], [sflag:$0x2] =	stream.linear.gather [hbm4b:s9+s2], $0x20, $0x38;
	[tilespmem:$0x8080] =	vst v63  }
0x81: {  	_ =	swait.ge [sflag:s14], $0x20  }
0x82: {  	[sflag:s14] =	ssyncset.done $0x0  }
0x83: {  	[sflag:s14] =	ssyncadd.s32 $0xFFFFFFE0  }
0x84: {  	v3 =	vld [tilespmem:$0x0];
	_ =	sdelay $0x4  }
0x85: {  	v60 =	vshll.u32 v3, $0x3  }
0x86: {  	v3 =	vand.u32 $0x7, v3;
	v4 =	vand.u32 $0xFFFFFFC0, v60  }
0x87: {  	v3 =	vor.u32 v3, v4  }
0x88: {  	v4 =	vperm.xlane v3, v0;
	_ =	sdelay $0x1  }
0x89: {  	v4 =	vadd.s32 v1, v4;
	_ =	sdelay $0x4  }
0x8a: {  	[tilespmem:s15], [sflag:$0x1] =	stream.indirect_vreg.gather [hbm4b:s3+s2], $0x80, v4, vm0, $0xb8;
	[tilespmem:$0x8080] =	vst v63  }
0x8b: {  	v3 =	vperm.xlane v3, v2  }
0x8c: {  	[tilespmem:s16], [sflag:$0x1] =	stream.indirect_vreg.gather [hbm4b:s4+s2], $0x80, v4, vm0, $0xb8;
	[tilespmem:$0x8080] =	vst v63  }
0x8d: {  	v3 =	vadd.s32 v1, v3  }
0x8e: {  	[tilespmem:s17], [sflag:$0x1] =	stream.indirect_vreg.gather [hbm4b:s5+s2], $0x80, v4, vm0, $0xb8;
	[tilespmem:$0x8080] =	vst v63  }
0x8f: {  	_ = 	snop  }
0x90: {  	[tilespmem:s18], [sflag:$0x1] =	stream.indirect_vreg.gather [hbm4b:s6+s2], $0x80, v4, vm0, $0xb8;
	[tilespmem:$0x8080] =	vst v63  }
0x91: {  	_ = 	snop  }
0x92: {  	[tilespmem:s19], [sflag:$0x1] =	stream.indirect_vreg.gather [hbm4b:s3+s2], $0x80, v3, vm0, $0xb8;
	[tilespmem:$0x8080] =	vst v63  }
0x93: {  	_ = 	snop  }
0x94: {  	[tilespmem:s20], [sflag:$0x1] =	stream.indirect_vreg.gather [hbm4b:s4+s2], $0x80, v3, vm0, $0xb8;
	[tilespmem:$0x8080] =	vst v63  }
0x95: {  	_ = 	snop  }
0x96: {  	[tilespmem:s21], [sflag:$0x1] =	stream.indirect_vreg.gather [hbm4b:s5+s2], $0x80, v3, vm0, $0xb8;
	[tilespmem:$0x8080] =	vst v63  }
0x97: {  	_ = 	snop  }
0x98: {  	[tilespmem:s22], [sflag:$0x1] =	stream.indirect_vreg.gather [hbm4b:s6+s2], $0x80, v3, vm0, $0xb8;
	[tilespmem:$0x8080] =	vst v63  }
0x99: {  	v3 =	vld [tilespmem:$0x10];
	_ =	sdelay $0x4  }
0x9a: {  	v61 =	vshll.u32 v3, $0x3  }
0x9b: {  	v3 =	vand.u32 $0x7, v3;
	v4 =	vand.u32 $0xFFFFFFC0, v61  }
0x9c: {  	v3 =	vor.u32 v3, v4  }
0x9d: {  	v4 =	vperm.xlane v3, v0;
	_ =	sdelay $0x1  }
0x9e: {  	v4 =	vadd.s32 v1, v4;
	_ =	sdelay $0x4  }
0x9f: {  	[tilespmem:s23], [sflag:$0x1] =	stream.indirect_vreg.gather [hbm4b:s3+s2], $0x80, v4, vm0, $0xb8;
	[tilespmem:$0x8080] =	vst v63  }
0xa0: {  	v3 =	vperm.xlane v3, v2  }
0xa1: {  	[tilespmem:s24], [sflag:$0x1] =	stream.indirect_vreg.gather [hbm4b:s4+s2], $0x80, v4, vm0, $0xb8;
	[tilespmem:$0x8080] =	vst v63  }
0xa2: {  	v3 =	vadd.s32 v1, v3  }
0xa3: {  	[tilespmem:s25], [sflag:$0x1] =	stream.indirect_vreg.gather [hbm4b:s5+s2], $0x80, v4, vm0, $0xb8;
	[tilespmem:$0x8080] =	vst v63  }
0xa4: {  	_ = 	snop  }
0xa5: {  	[tilespmem:s26], [sflag:$0x1] =	stream.indirect_vreg.gather [hbm4b:s6+s2], $0x80, v4, vm0, $0xb8;
	[tilespmem:$0x8080] =	vst v63  }
0xa6: {  	_ = 	snop  }
0xa7: {  	[tilespmem:s28], [sflag:$0x1] =	stream.indirect_vreg.gather [hbm4b:s3+s2], $0x80, v3, vm0, $0xb8;
	[tilespmem:$0x8080] =	vst v63  }
0xa8: {  	_ = 	snop  }
0xa9: {  	[tilespmem:s29], [sflag:$0x1] =	stream.indirect_vreg.gather [hbm4b:s4+s2], $0x80, v3, vm0, $0xb8;
	[tilespmem:$0x8080] =	vst v63  }
0xaa: {  	_ = 	snop  }
0xab: {  	[tilespmem:s30], [sflag:$0x1] =	stream.indirect_vreg.gather [hbm4b:s5+s2], $0x80, v3, vm0, $0xb8;
	[tilespmem:$0x8080] =	vst v63  }
0xac: {  	_ = 	snop  }
0xad: {  	[tilespmem:s31], [sflag:$0x1] =	stream.indirect_vreg.gather [hbm4b:s6+s2], $0x80, v3, vm0, $0xb8;
	[tilespmem:$0x8080] =	vst v63  }
0xae: {  	_ =	swait.ge [sflag:s0], $0x8000  }
0xaf: {  	[sflag:s0] =	ssyncset.done $0x0  }
0xb0: {  	[sflag:s0] =	ssyncadd.s32 $0xFFFF8000  }
0xb1: {  	[hbm4b:s10+s2] =	stream.linear.scatter [tilespmem:s15], [sflag:$0x2], $0x8000, $0x38;
	[tilespmem:$0x8080] =	vst v63  }
0xb2: {  	_ =	swait.ge [sflag:s14], $0x8000  }
0xb3: {  	[sflag:s14] =	ssyncset.done $0x0  }
0xb4: {  	[sflag:s14] =	ssyncadd.s32 $0xFFFF8000  }
0xb5: {  	[tilespmem:s2], [sflag:$0x2] =	stream.linear.gather [hbm4b:s11+s2], $0x20, $0x38;
	[tilespmem:$0x8080] =	vst v63  }
0xb6: {  	_ =	swait.ge [sflag:s14], $0x20  }
0xb7: {  	[sflag:s14] =	ssyncset.done $0x0  }
0xb8: {  	[sflag:s14] =	ssyncadd.s32 $0xFFFFFFE0  }
0xb9: {  	v3 =	vld [tilespmem:$0x0];
	_ =	sdelay $0x4  }
0xba: {  	v62 =	vshll.u32 v3, $0x3  }
0xbb: {  	v3 =	vand.u32 $0x7, v3;
	v4 =	vand.u32 $0xFFFFFFC0, v62  }
0xbc: {  	v3 =	vor.u32 v3, v4  }
0xbd: {  	v4 =	vperm.xlane v3, v0;
	_ =	sdelay $0x1  }
0xbe: {  	v4 =	vadd.s32 v1, v4;
	_ =	sdelay $0x4  }
0xbf: {  	[tilespmem:s15], [sflag:$0x1] =	stream.indirect_vreg.gather [hbm4b:s3+s2], $0x80, v4, vm0, $0xb8;
	[tilespmem:$0x8080] =	vst v63  }
0xc0: {  	v3 =	vperm.xlane v3, v2  }
0xc1: {  	[tilespmem:s16], [sflag:$0x1] =	stream.indirect_vreg.gather [hbm4b:s4+s2], $0x80, v4, vm0, $0xb8;
	[tilespmem:$0x8080] =	vst v63  }
0xc2: {  	v3 =	vadd.s32 v1, v3  }
0xc3: {  	[tilespmem:s17], [sflag:$0x1] =	stream.indirect_vreg.gather [hbm4b:s5+s2], $0x80, v4, vm0, $0xb8;
	[tilespmem:$0x8080] =	vst v63  }
0xc4: {  	_ = 	snop  }
0xc5: {  	[tilespmem:s18], [sflag:$0x1] =	stream.indirect_vreg.gather [hbm4b:s6+s2], $0x80, v4, vm0, $0xb8;
	[tilespmem:$0x8080] =	vst v63  }
0xc6: {  	_ = 	snop  }
0xc7: {  	[tilespmem:s19], [sflag:$0x1] =	stream.indirect_vreg.gather [hbm4b:s3+s2], $0x80, v3, vm0, $0xb8;
	[tilespmem:$0x8080] =	vst v63  }
0xc8: {  	_ = 	snop  }
0xc9: {  	[tilespmem:s20], [sflag:$0x1] =	stream.indirect_vreg.gather [hbm4b:s4+s2], $0x80, v3, vm0, $0xb8;
	[tilespmem:$0x8080] =	vst v63  }
0xca: {  	_ = 	snop  }
0xcb: {  	[tilespmem:s21], [sflag:$0x1] =	stream.indirect_vreg.gather [hbm4b:s5+s2], $0x80, v3, vm0, $0xb8;
	[tilespmem:$0x8080] =	vst v63  }
0xcc: {  	_ = 	snop  }
0xcd: {  	[tilespmem:s22], [sflag:$0x1] =	stream.indirect_vreg.gather [hbm4b:s6+s2], $0x80, v3, vm0, $0xb8;
	[tilespmem:$0x8080] =	vst v63  }
0xce: {  	v3 =	vld [tilespmem:$0x10];
	_ =	sdelay $0x4  }
0xcf: {  	v63 =	vshll.u32 v3, $0x3  }
0xd0: {  	v3 =	vand.u32 $0x7, v3;
	v4 =	vand.u32 $0xFFFFFFC0, v63  }
0xd1: {  	v3 =	vor.u32 v3, v4  }
0xd2: {  	v4 =	vperm.xlane v3, v0;
	_ =	sdelay $0x1  }
0xd3: {  	v4 =	vadd.s32 v1, v4;
	_ =	sdelay $0x4  }
0xd4: {  	[tilespmem:s23], [sflag:$0x1] =	stream.indirect_vreg.gather [hbm4b:s3+s2], $0x80, v4, vm0, $0xb8;
	[tilespmem:$0x8080] =	vst v63  }
0xd5: {  	v3 =	vperm.xlane v3, v2  }
0xd6: {  	[tilespmem:s24], [sflag:$0x1] =	stream.indirect_vreg.gather [hbm4b:s4+s2], $0x80, v4, vm0, $0xb8;
	[tilespmem:$0x8080] =	vst v63  }
0xd7: {  	v3 =	vadd.s32 v1, v3  }
0xd8: {  	[tilespmem:s25], [sflag:$0x1] =	stream.indirect_vreg.gather [hbm4b:s5+s2], $0x80, v4, vm0, $0xb8;
	[tilespmem:$0x8080] =	vst v63  }
0xd9: {  	_ = 	snop  }
0xda: {  	[tilespmem:s26], [sflag:$0x1] =	stream.indirect_vreg.gather [hbm4b:s6+s2], $0x80, v4, vm0, $0xb8;
	[tilespmem:$0x8080] =	vst v63  }
0xdb: {  	_ = 	snop  }
0xdc: {  	[tilespmem:s28], [sflag:$0x1] =	stream.indirect_vreg.gather [hbm4b:s3+s2], $0x80, v3, vm0, $0xb8;
	[tilespmem:$0x8080] =	vst v63  }
0xdd: {  	_ = 	snop  }
0xde: {  	[tilespmem:s29], [sflag:$0x1] =	stream.indirect_vreg.gather [hbm4b:s4+s2], $0x80, v3, vm0, $0xb8;
	[tilespmem:$0x8080] =	vst v63  }
0xdf: {  	_ = 	snop  }
0xe0: {  	[tilespmem:s30], [sflag:$0x1] =	stream.indirect_vreg.gather [hbm4b:s5+s2], $0x80, v3, vm0, $0xb8;
	[tilespmem:$0x8080] =	vst v63  }
0xe1: {  	_ = 	snop  }
0xe2: {  	[tilespmem:s31], [sflag:$0x1] =	stream.indirect_vreg.gather [hbm4b:s6+s2], $0x80, v3, vm0, $0xb8;
	[tilespmem:$0x8080] =	vst v63  }
0xe3: {  	_ =	swait.ge [sflag:s0], $0x8000  }
0xe4: {  	p0 =	sne.s32 s13, $0x1;
	[sflag:s0] =	ssyncset.done $0x0  }
.Ltmp0:
0xe5: {  	[sflag:s0] =	ssyncadd.s32 $0xFFFF8000;
	(pc) =	sbr.rel @p0 .LBB2_1-.Ltmp0, $4  }
0xe6: {  	[hbm4b:s12+s2] =	stream.linear.scatter [tilespmem:s15], [sflag:$0x2], $0x8000, $0x38;
	[tilespmem:$0x8080] =	vst v63  }
0xe7: {  	_ =	swait.ge [sflag:s14], $0x8000  }
0xe8: {  	[sflag:s14] =	ssyncset.done $0x0  }
0xe9: {  	s13 =	sadd.s32 $0xFFFFFFFF, s13;
	[sflag:s14] =	ssyncadd.s32 $0xFFFF8000  }
0xea: {  	_ =	sfence.sel $0x180000  }
0xeb: {  	[bflag:$0x0] =	sbarrier.arrive $0xFFFF  }
0xec: {  	_ =	strace $0x9000004A  }
0xed: {  	s0 =	stileid.u32;
	[bflag:$0x2] =	sbarrier.arrive $0xFFFF  }
0xee: {  	p0 =	sne.s32 s0, $0x0;
	s0 =	rddreg [dreg:$0x1]  }
0xef: {  	s0 =	sadd.s32 @!p0 $0x100000, s0  }
0xf0: {  	[sflag:s0] =	ssyncadd.tile.s32 @!p0 $0x1;
	_ =	shalt  }
.Lfunc_end2:
_tile_overlayer_lowered:
.L_overlay_start_2:
0xf1: {  	(tag) =	ssettag $0x2  }
0xf2: {  	s0 =	rddreg [dreg:$0x0];
	s2 =	stileid.u32  }
0xf3: {  	s1 =	rddreg [dreg:$0x1];
	p0 =	sne.s32 s2, $0x0  }
0xf4: {  	s3 =	rddreg [dreg:$0x2];
	[bflag:$0x3] =	sbarrier.arrive $0xFFFF;
	s2 =	simm.s32 @!p0 $0x1C02  }
0xf5: {  	[timem:s3], [sflag:s2] =	dma.local @!p0 [hbm:s0], s1  }
0xf6: {  	s0 =	simm.s32 @!p0 $0x2  }
0xf7: {  	_ =	swait.ge @!p0 [sflag:s0], s1  }
0xf8: {  	s1 =	ssub.s32 @!p0 $0x0, s1;
	[sflag:s0] =	ssyncset.done @!p0 $0x0  }
0xf9: {  	[sflag:s0] =	ssyncadd.s32 @!p0 s1  }
0xfa: {  	[bflag:$0x3] =	sbarrier.arrive $0xFFFF  }
0xfb: {  	_ =	shalt  }

</sc_bundles>
